<compile_context>
chip_gen: v7x
topology: tpu7x:2x2x1
jax: 0.10.2.dev20260603
libtpu: 0.0.44.dev20260713+nightly
codegen_flags: <defaults>
</compile_context>

<pallas_src>
import functools

import jax
import jax.numpy as jnp
from jax import lax
from jax.experimental import pallas as pl
from jax.experimental.pallas import tpu as pltpu
from jax.experimental.pallas import tpu_sc as plsc

NC = 2
NS = 16
L = 16
NW = NC * NS

VOCAB = 32000
HIDDEN = 768
SEQ = 512
BATCH = 256
NTOK = BATCH * SEQ
EPS = 1e-07

SEQ_PER_W = BATCH // NW
CHUNK = 32
SCHUNKS = SEQ // CHUNK
PAIRS = SEQ_PER_W // 2
JBLK = HIDDEN // L
GRPS = CHUNK // L

_INV_H = 1.0 / HIDDEN


def _rsqrt(v):
    vi = lax.bitcast_convert_type(v, jnp.int32)
    y = lax.bitcast_convert_type(jnp.int32(0x5F3759DF) - (vi >> 1),
                                 jnp.float32)
    half = v * -0.5
    for _ in range(4):
        y = y * (half * y * y + 1.5)
    return y


def _body(ids_hbm, tids_hbm, table_hbm, base0_hbm, base1_hbm, w_hbm, b_hbm,
          out_hbm, ids8_v, tids8_v, rows_a, rows_b, base01_v, w_v, b_v,
          tb_s, r_s, mr_s, semga, semgb, semoa, semob):
    wid = lax.axis_index("s") * NC + lax.axis_index("c")
    b0 = wid * SEQ_PER_W

    pltpu.sync_copy(w_hbm, w_v)
    pltpu.sync_copy(b_hbm, b_v)

    lane = lax.iota(jnp.int32, L)

    def compute(rows, c):

        def pass1(t, _):
            tb = tb_s[c * CHUNK + t]
            zero = jnp.zeros((L,), jnp.float32)

            def p1j(j, carry):
                acc, acc2 = carry
                x = rows[t, pl.ds(j * L, L)] + base01_v[tb, pl.ds(j * L, L)]
                rows[t, pl.ds(j * L, L)] = x
                return acc + x, acc2 + x * x

            acc, acc2 = lax.fori_loop(0, JBLK, p1j, (zero, zero), unroll=8)
            r_s[t] = acc[0]
            mr_s[t] = acc2[0]
            return 0

        lax.fori_loop(0, CHUNK, pass1, 0, unroll=2)

        def pass2(j, _):
            wv = w_v[pl.ds(j * L, L)]
            bv = b_v[pl.ds(j * L, L)]

            def p2t(t, _):
                x = rows[t, pl.ds(j * L, L)]
                rows[t, pl.ds(j * L, L)] = (x * r_s[t] + mr_s[t]) * wv + bv
                return 0

            lax.fori_loop(0, CHUNK, p2t, 0, unroll=8)
            return 0

        pass

    def s_chunk(sc, _):
        pltpu.sync_copy(
            ids_hbm.at[pl.ds(b0, SEQ_PER_W), pl.ds(sc * CHUNK, CHUNK)],
            ids8_v)
        pltpu.async_copy(table_hbm.at[ids8_v.at[0]], rows_a, semga)
        pltpu.sync_copy(
            tids_hbm.at[pl.ds(b0, SEQ_PER_W), pl.ds(sc * CHUNK, CHUNK)],
            tids8_v)
        pltpu.sync_copy(base0_hbm.at[pl.ds(sc * CHUNK, CHUNK)],
                        base01_v.at[pl.ds(0, CHUNK)])
        pltpu.sync_copy(base1_hbm.at[pl.ds(sc * CHUNK, CHUNK)],
                        base01_v.at[pl.ds(CHUNK, CHUNK)])

        def stage_tb(bb, _):
            def stage_grp(g, _):
                tv = tids8_v[bb, pl.ds(g * L, L)]
                tbv = (lane + g * L) + tv * CHUNK
                for l in range(L):
                    tb_s[bb * CHUNK + g * L + l] = tbv[l]
                return 0

            lax.fori_loop(0, GRPS, stage_grp, 0)
            return 0

        lax.fori_loop(0, SEQ_PER_W, stage_tb, 0)

        def pair(p, _):
            ca = 2 * p
            cb = 2 * p + 1
            rowa = (b0 + ca) * SEQ + sc * CHUNK
            rowb = (b0 + cb) * SEQ + sc * CHUNK
            gb = pltpu.async_copy(table_hbm.at[ids8_v.at[cb]], rows_b, semgb)
            pltpu.make_async_copy(out_hbm.at[pl.ds(0, CHUNK)],
                                  rows_a, semga).wait()
            compute(rows_a, ca)
            oa = pltpu.async_copy(rows_a, out_hbm.at[pl.ds(rowa, CHUNK)],
                                  semoa)
            gb.wait()
            compute(rows_b, cb)
            ob = pltpu.async_copy(rows_b, out_hbm.at[pl.ds(rowb, CHUNK)],
                                  semob)
            oa.wait()

            @pl.when(p < PAIRS - 1)
            def _():
                pltpu.async_copy(table_hbm.at[ids8_v.at[ca + 2]],
                                 rows_a, semga)

            ob.wait()
            return 0

        lax.fori_loop(0, PAIRS, pair, 0)
        return 0

    lax.fori_loop(0, SCHUNKS, s_chunk, 0)


@jax.jit
def _embed(ids, tids, table, base0, base1, w, b):
    run = pl.kernel(
        _body,
        out_type=jax.ShapeDtypeStruct((NTOK, HIDDEN), jnp.float32),
        mesh=plsc.VectorSubcoreMesh(core_axis_name="c", subcore_axis_name="s"),
        scratch_types=[
            pltpu.VMEM((SEQ_PER_W, CHUNK), jnp.int32),
            pltpu.VMEM((SEQ_PER_W, CHUNK), jnp.int32),
            pltpu.VMEM((CHUNK, HIDDEN), jnp.float32),
            pltpu.VMEM((CHUNK, HIDDEN), jnp.float32),
            pltpu.VMEM((2 * CHUNK, HIDDEN), jnp.float32),
            pltpu.VMEM((HIDDEN,), jnp.float32),
            pltpu.VMEM((HIDDEN,), jnp.float32),
            pltpu.SMEM((SEQ_PER_W * CHUNK,), jnp.int32),
            pltpu.SMEM((CHUNK,), jnp.float32),
            pltpu.SMEM((CHUNK,), jnp.float32),
            pltpu.SemaphoreType.DMA,
            pltpu.SemaphoreType.DMA,
            pltpu.SemaphoreType.DMA,
            pltpu.SemaphoreType.DMA,
        ],
        compiler_params=pltpu.CompilerParams(use_tc_tiling_on_sc=False,
                                             needs_layout_passes=False),
    )
    return run(ids, tids, table, base0, base1, w, b)


def kernel(input_ids, token_type_ids, token_table, position_table, type_table,
           ln_weight, ln_bias):
    ids = input_ids.astype(jnp.int32)
    tids = token_type_ids.astype(jnp.int32)
    base0 = position_table + type_table[0]
    base1 = position_table + type_table[1]
    out = _embed(ids, tids, token_table, base0, base1, ln_weight, ln_bias)
    return out.reshape(BATCH, SEQ, HIDDEN)

# --- scband reference (transcript-rebuilt; emitter-appended) ---
"""Pipeline reference for scband-bert-embeddings-72052371357998 (READ-ONLY COPY).

The authoritative reference and input builder live on the scoring server;
editing this copy changes nothing except your own understanding.
"""

import jax, jax.numpy as jnp
import numpy as np

VOCAB = 32000
TYPE_VOCAB = 2
HIDDEN = 768
MAX_SEQ = 512
BATCH = 256
SEQ = 512
EPS = 1e-07


def setup_inputs(seed: int = 0) -> dict:
    key = jax.random.key(seed)
    k1, k2, k3, k4, k5 = jax.random.split(key, 5)
    input_ids = jax.random.randint(k1, (BATCH, SEQ), 0, VOCAB, dtype=jnp.int64 if jax.config.jax_enable_x64 else jnp.int32)
    token_type_ids = jax.random.randint(k2, (BATCH, SEQ), 0, TYPE_VOCAB, dtype=jnp.int32)
    token_table = jax.random.normal(k3, (VOCAB, HIDDEN), dtype=jnp.float32) * 0.02
    position_table = jax.random.normal(k4, (MAX_SEQ, HIDDEN), dtype=jnp.float32) * 0.02
    type_table = jax.random.normal(k5, (TYPE_VOCAB, HIDDEN), dtype=jnp.float32) * 0.02
    ln_weight = jnp.ones((HIDDEN,), dtype=jnp.float32)
    ln_bias = jnp.zeros((HIDDEN,), dtype=jnp.float32)
    return {
        "input_ids": input_ids,
        "token_type_ids": token_type_ids,
        "token_table": token_table,
        "position_table": position_table,
        "type_table": type_table,
        "ln_weight": ln_weight,
        "ln_bias": ln_bias,
    }


def _layer_norm(x, weight, bias, eps):
    mean = jnp.mean(x, axis=-1, keepdims=True)
    var = jnp.mean((x - mean) ** 2, axis=-1, keepdims=True)
    std = jnp.sqrt(var + eps)
    y = (x - mean) / std
    return weight * y + bias


def reference(input_ids, token_type_ids, token_table, position_table, type_table, ln_weight, ln_bias):
    seq_length = input_ids.shape[1]
    position_ids = jnp.arange(seq_length, dtype=jnp.int32)
    # embedding lookups (SparseCore-friendly gathers)
    tok_emb = jnp.take(token_table, input_ids, axis=0)          # [B, S, H]
    pos_emb = jnp.take(position_table, position_ids, axis=0)   # [S, H]
    typ_emb = jnp.take(type_table, token_type_ids, axis=0)     # [B, S, H]
    embeddings = tok_emb + pos_emb[None, :, :] + typ_emb
    embeddings = _layer_norm(embeddings, ln_weight, ln_bias, EPS)
    # dropout is identity in eval/deterministic mode
    return embeddings

if __name__ == "__main__":
    import jax
    _d = setup_inputs()
    print(jax.jit(kernel)(*tuple(_d.values())))

</pallas_src>

<mosaic_0001>
#map = affine_map<(d0, d1) -> (0, 0)>
#map1 = affine_map<(d0, d1) -> (0)>
module attributes {stable_mosaic.version = 14 : i64} {
  func.func @_body(%arg0: i32, %arg1: i32, %arg2: memref<256x512xi32, #tpu.memory_space<hbm>>, %arg3: memref<256x512xi32, #tpu.memory_space<hbm>>, %arg4: memref<32000x768xf32, #tpu.memory_space<hbm>>, %arg5: memref<512x768xf32, #tpu.memory_space<hbm>>, %arg6: memref<512x768xf32, #tpu.memory_space<hbm>>, %arg7: memref<768xf32, #tpu.memory_space<hbm>>, %arg8: memref<768xf32, #tpu.memory_space<hbm>>, %arg9: memref<131072x768xf32, #tpu.memory_space<hbm>>, %arg10: memref<8x32xi32, #tpu.memory_space<vmem>>, %arg11: memref<8x32xi32, #tpu.memory_space<vmem>>, %arg12: memref<32x768xf32, #tpu.memory_space<vmem>>, %arg13: memref<32x768xf32, #tpu.memory_space<vmem>>, %arg14: memref<64x768xf32, #tpu.memory_space<vmem>>, %arg15: memref<768xf32, #tpu.memory_space<vmem>>, %arg16: memref<768xf32, #tpu.memory_space<vmem>>, %arg17: memref<256xi32, #tpu.memory_space<smem>>, %arg18: memref<32xf32, #tpu.memory_space<smem>>, %arg19: memref<32xf32, #tpu.memory_space<smem>>, %arg20: memref<!tpu.dma_semaphore, #tpu.memory_space<semaphore_mem>>, %arg21: memref<!tpu.dma_semaphore, #tpu.memory_space<semaphore_mem>>, %arg22: memref<!tpu.dma_semaphore, #tpu.memory_space<semaphore_mem>>, %arg23: memref<!tpu.dma_semaphore, #tpu.memory_space<semaphore_mem>>) attributes {dimension_semantics = [#tpu.dimension_semantics<core_parallel>, #tpu.dimension_semantics<subcore_parallel>], iteration_bounds = array<i64: 2, 16>, scalar_prefetch = 0 : i64, scratch_operands = 14 : i64, tpu.core_type = #tpu.core_type<sc_vector_subcore>, window_params = [{transform_indices = #map}, {transform_indices = #map}, {transform_indices = #map}, {transform_indices = #map}, {transform_indices = #map}, {transform_indices = #map1}, {transform_indices = #map1}, {transform_indices = #map}]} {
    %mul3A = arith.constant 2 : i32
    %mul3A_0 = arith.muli %arg1, %mul3A : i32
    %add3A = arith.addi %mul3A_0, %arg0 : i32
    %mul3A_1 = arith.constant 8 : i32
    %mul3A_2 = arith.muli %add3A, %mul3A_1 : i32
    "tpu.region"() ({
      %run_scoped3A = tpu.sem_alloc : memref<!tpu.dma_semaphore, #tpu.memory_space<semaphore_mem>>
      tpu.enqueue_dma source(%arg7 : memref<768xf32, #tpu.memory_space<hbm>>) target(%arg15 : memref<768xf32, #tpu.memory_space<vmem>>) target_semaphore(%run_scoped3A : memref<!tpu.dma_semaphore, #tpu.memory_space<semaphore_mem>>)
      tpu.wait_dma2 semaphore(%run_scoped3A : memref<!tpu.dma_semaphore, #tpu.memory_space<semaphore_mem>>) src(%arg7 : memref<768xf32, #tpu.memory_space<hbm>>) dst(%arg15 : memref<768xf32, #tpu.memory_space<vmem>>)
      tpu.yield
    }) : () -> ()
    "tpu.region"() ({
      %run_scoped3A = tpu.sem_alloc : memref<!tpu.dma_semaphore, #tpu.memory_space<semaphore_mem>>
      tpu.enqueue_dma source(%arg8 : memref<768xf32, #tpu.memory_space<hbm>>) target(%arg16 : memref<768xf32, #tpu.memory_space<vmem>>) target_semaphore(%run_scoped3A : memref<!tpu.dma_semaphore, #tpu.memory_space<semaphore_mem>>)
      tpu.wait_dma2 semaphore(%run_scoped3A : memref<!tpu.dma_semaphore, #tpu.memory_space<semaphore_mem>>) src(%arg8 : memref<768xf32, #tpu.memory_space<hbm>>) dst(%arg16 : memref<768xf32, #tpu.memory_space<vmem>>)
      tpu.yield
    }) : () -> ()
    %iota3A = tpu.iota {dimensions = array<i32: 0>} : vector<16xi32>
    %scan3A = arith.constant 0 : i32
    %scan3A_3 = arith.constant 0 : i32
    %scan3A_4 = arith.constant 16 : i32
    %scan3A_5 = arith.addi %scan3A_3, %scan3A_4 : i32
    %scan3A_6 = arith.constant 1 : i32
    %scan3A_7 = scf.for %scan3A_9 = %scan3A_3 to %scan3A_5 step %scan3A_6 iter_args(%scan3A_10 = %scan3A) -> (i32)  : i32 {
      %mul3A_11 = arith.constant 32 : i32
      %mul3A_12 = arith.muli %scan3A_9, %mul3A_11 : i32
      "tpu.region"() ({
        %run_scoped3A = tpu.sem_alloc : memref<!tpu.dma_semaphore, #tpu.memory_space<semaphore_mem>>
        %dma_start3A_40 = tpu.memref_slice %arg2[%mul3A_2, %mul3A_12] : memref<256x512xi32, #tpu.memory_space<hbm>> -> memref<8x32xi32, #tpu.memory_space<hbm>>
        %dma_start3A_41 = tpu.memref_slice %arg2[%mul3A_2, %mul3A_12] : memref<256x512xi32, #tpu.memory_space<hbm>> -> memref<8x32xi32, #tpu.memory_space<hbm>>
        tpu.enqueue_dma source(%dma_start3A_41 : memref<8x32xi32, #tpu.memory_space<hbm>>) target(%arg10 : memref<8x32xi32, #tpu.memory_space<vmem>>) target_semaphore(%run_scoped3A : memref<!tpu.dma_semaphore, #tpu.memory_space<semaphore_mem>>)
        %dma_wait3A = tpu.memref_slice %arg2[%mul3A_2, %mul3A_12] : memref<256x512xi32, #tpu.memory_space<hbm>> -> memref<8x32xi32, #tpu.memory_space<hbm>>
        %dma_wait3A_42 = tpu.memref_slice %arg2[%mul3A_2, %mul3A_12] : memref<256x512xi32, #tpu.memory_space<hbm>> -> memref<8x32xi32, #tpu.memory_space<hbm>>
        tpu.wait_dma2 semaphore(%run_scoped3A : memref<!tpu.dma_semaphore, #tpu.memory_space<semaphore_mem>>) src(%dma_wait3A_42 : memref<8x32xi32, #tpu.memory_space<hbm>>) dst(%arg10 : memref<8x32xi32, #tpu.memory_space<vmem>>)
        tpu.yield
      }) : () -> ()
      %dma_start3A = arith.constant 0 : i32
      %dma_start3A_13 = arith.constant 0 : i32
      %dma_start3A_14 = tpu.memref_slice %arg10[%dma_start3A, %dma_start3A_13] : memref<8x32xi32, #tpu.memory_space<vmem>> -> memref<1x32xi32, #tpu.memory_space<vmem>>
      %dma_start3A_15 = tpu.memref_squeeze %dma_start3A_14 : memref<1x32xi32, #tpu.memory_space<vmem>> -> memref<32xi32, #tpu.memory_space<vmem>>
      %dma_start3A_16 = arith.constant 0 : i32
      %dma_start3A_17 = arith.constant 0 : i32
      %dma_start3A_18 = tpu.memref_slice %arg4[%dma_start3A_16, %dma_start3A_17] : memref<32000x768xf32, #tpu.memory_space<hbm>> -> memref<32000x768xf32, #tpu.memory_space<hbm>>
      tpu.enqueue_indirect_dma source(%dma_start3A_18 : memref<32000x768xf32, #tpu.memory_space<hbm>>) target(%arg12 : memref<32x768xf32, #tpu.memory_space<vmem>>) offsets(%dma_start3A_15 : memref<32xi32, #tpu.memory_space<vmem>>) semaphore(%arg20 : memref<!tpu.dma_semaphore, #tpu.memory_space<semaphore_mem>>)
      %mul3A_19 = arith.constant 32 : i32
      %mul3A_20 = arith.muli %scan3A_9, %mul3A_19 : i32
      "tpu.region"() ({
        %run_scoped3A = tpu.sem_alloc : memref<!tpu.dma_semaphore, #tpu.memory_space<semaphore_mem>>
        %dma_start3A_40 = tpu.memref_slice %arg3[%mul3A_2, %mul3A_20] : memref<256x512xi32, #tpu.memory_space<hbm>> -> memref<8x32xi32, #tpu.memory_space<hbm>>
        %dma_start3A_41 = tpu.memref_slice %arg3[%mul3A_2, %mul3A_20] : memref<256x512xi32, #tpu.memory_space<hbm>> -> memref<8x32xi32, #tpu.memory_space<hbm>>
        tpu.enqueue_dma source(%dma_start3A_41 : memref<8x32xi32, #tpu.memory_space<hbm>>) target(%arg11 : memref<8x32xi32, #tpu.memory_space<vmem>>) target_semaphore(%run_scoped3A : memref<!tpu.dma_semaphore, #tpu.memory_space<semaphore_mem>>)
        %dma_wait3A = tpu.memref_slice %arg3[%mul3A_2, %mul3A_20] : memref<256x512xi32, #tpu.memory_space<hbm>> -> memref<8x32xi32, #tpu.memory_space<hbm>>
        %dma_wait3A_42 = tpu.memref_slice %arg3[%mul3A_2, %mul3A_20] : memref<256x512xi32, #tpu.memory_space<hbm>> -> memref<8x32xi32, #tpu.memory_space<hbm>>
        tpu.wait_dma2 semaphore(%run_scoped3A : memref<!tpu.dma_semaphore, #tpu.memory_space<semaphore_mem>>) src(%dma_wait3A_42 : memref<8x32xi32, #tpu.memory_space<hbm>>) dst(%arg11 : memref<8x32xi32, #tpu.memory_space<vmem>>)
        tpu.yield
      }) : () -> ()
      %mul3A_21 = arith.constant 32 : i32
      %mul3A_22 = arith.muli %scan3A_9, %mul3A_21 : i32
      "tpu.region"() ({
        %run_scoped3A = tpu.sem_alloc : memref<!tpu.dma_semaphore, #tpu.memory_space<semaphore_mem>>
        %dma_start3A_40 = arith.constant 0 : i32
        %dma_start3A_41 = arith.constant 0 : i32
        %dma_start3A_42 = tpu.memref_slice %arg14[%dma_start3A_40, %dma_start3A_41] : memref<64x768xf32, #tpu.memory_space<vmem>> -> memref<32x768xf32, #tpu.memory_space<vmem>>
        %dma_start3A_43 = arith.constant 0 : i32
        %dma_start3A_44 = tpu.memref_slice %arg5[%mul3A_22, %dma_start3A_43] : memref<512x768xf32, #tpu.memory_space<hbm>> -> memref<32x768xf32, #tpu.memory_space<hbm>>
        %dma_start3A_45 = arith.constant 0 : i32
        %dma_start3A_46 = arith.constant 0 : i32
        %dma_start3A_47 = tpu.memref_slice %arg14[%dma_start3A_45, %dma_start3A_46] : memref<64x768xf32, #tpu.memory_space<vmem>> -> memref<32x768xf32, #tpu.memory_space<vmem>>
        %dma_start3A_48 = arith.constant 0 : i32
        %dma_start3A_49 = tpu.memref_slice %arg5[%mul3A_22, %dma_start3A_48] : memref<512x768xf32, #tpu.memory_space<hbm>> -> memref<32x768xf32, #tpu.memory_space<hbm>>
        tpu.enqueue_dma source(%dma_start3A_49 : memref<32x768xf32, #tpu.memory_space<hbm>>) target(%dma_start3A_47 : memref<32x768xf32, #tpu.memory_space<vmem>>) target_semaphore(%run_scoped3A : memref<!tpu.dma_semaphore, #tpu.memory_space<semaphore_mem>>)
        %dma_wait3A = arith.constant 0 : i32
        %dma_wait3A_50 = arith.constant 0 : i32
        %dma_wait3A_51 = tpu.memref_slice %arg14[%dma_wait3A, %dma_wait3A_50] : memref<64x768xf32, #tpu.memory_space<vmem>> -> memref<32x768xf32, #tpu.memory_space<vmem>>
        %dma_wait3A_52 = arith.constant 0 : i32
        %dma_wait3A_53 = tpu.memref_slice %arg5[%mul3A_22, %dma_wait3A_52] : memref<512x768xf32, #tpu.memory_space<hbm>> -> memref<32x768xf32, #tpu.memory_space<hbm>>
        %dma_wait3A_54 = arith.constant 0 : i32
        %dma_wait3A_55 = arith.constant 0 : i32
        %dma_wait3A_56 = tpu.memref_slice %arg14[%dma_wait3A_54, %dma_wait3A_55] : memref<64x768xf32, #tpu.memory_space<vmem>> -> memref<32x768xf32, #tpu.memory_space<vmem>>
        %dma_wait3A_57 = arith.constant 0 : i32
        %dma_wait3A_58 = tpu.memref_slice %arg5[%mul3A_22, %dma_wait3A_57] : memref<512x768xf32, #tpu.memory_space<hbm>> -> memref<32x768xf32, #tpu.memory_space<hbm>>
        tpu.wait_dma2 semaphore(%run_scoped3A : memref<!tpu.dma_semaphore, #tpu.memory_space<semaphore_mem>>) src(%dma_wait3A_58 : memref<32x768xf32, #tpu.memory_space<hbm>>) dst(%dma_wait3A_56 : memref<32x768xf32, #tpu.memory_space<vmem>>)
        tpu.yield
      }) : () -> ()
      %mul3A_23 = arith.constant 32 : i32
      %mul3A_24 = arith.muli %scan3A_9, %mul3A_23 : i32
      "tpu.region"() ({
        %run_scoped3A = tpu.sem_alloc : memref<!tpu.dma_semaphore, #tpu.memory_space<semaphore_mem>>
        %dma_start3A_40 = arith.constant 32 : i32
        %dma_start3A_41 = arith.constant 0 : i32
        %dma_start3A_42 = tpu.memref_slice %arg14[%dma_start3A_40, %dma_start3A_41] : memref<64x768xf32, #tpu.memory_space<vmem>> -> memref<32x768xf32, #tpu.memory_space<vmem>>
        %dma_start3A_43 = arith.constant 0 : i32
        %dma_start3A_44 = tpu.memref_slice %arg6[%mul3A_24, %dma_start3A_43] : memref<512x768xf32, #tpu.memory_space<hbm>> -> memref<32x768xf32, #tpu.memory_space<hbm>>
        %dma_start3A_45 = arith.constant 32 : i32
        %dma_start3A_46 = arith.constant 0 : i32
        %dma_start3A_47 = tpu.memref_slice %arg14[%dma_start3A_45, %dma_start3A_46] : memref<64x768xf32, #tpu.memory_space<vmem>> -> memref<32x768xf32, #tpu.memory_space<vmem>>
        %dma_start3A_48 = arith.constant 0 : i32
        %dma_start3A_49 = tpu.memref_slice %arg6[%mul3A_24, %dma_start3A_48] : memref<512x768xf32, #tpu.memory_space<hbm>> -> memref<32x768xf32, #tpu.memory_space<hbm>>
        tpu.enqueue_dma source(%dma_start3A_49 : memref<32x768xf32, #tpu.memory_space<hbm>>) target(%dma_start3A_47 : memref<32x768xf32, #tpu.memory_space<vmem>>) target_semaphore(%run_scoped3A : memref<!tpu.dma_semaphore, #tpu.memory_space<semaphore_mem>>)
        %dma_wait3A = arith.constant 32 : i32
        %dma_wait3A_50 = arith.constant 0 : i32
        %dma_wait3A_51 = tpu.memref_slice %arg14[%dma_wait3A, %dma_wait3A_50] : memref<64x768xf32, #tpu.memory_space<vmem>> -> memref<32x768xf32, #tpu.memory_space<vmem>>
        %dma_wait3A_52 = arith.constant 0 : i32
        %dma_wait3A_53 = tpu.memref_slice %arg6[%mul3A_24, %dma_wait3A_52] : memref<512x768xf32, #tpu.memory_space<hbm>> -> memref<32x768xf32, #tpu.memory_space<hbm>>
        %dma_wait3A_54 = arith.constant 32 : i32
        %dma_wait3A_55 = arith.constant 0 : i32
        %dma_wait3A_56 = tpu.memref_slice %arg14[%dma_wait3A_54, %dma_wait3A_55] : memref<64x768xf32, #tpu.memory_space<vmem>> -> memref<32x768xf32, #tpu.memory_space<vmem>>
        %dma_wait3A_57 = arith.constant 0 : i32
        %dma_wait3A_58 = tpu.memref_slice %arg6[%mul3A_24, %dma_wait3A_57] : memref<512x768xf32, #tpu.memory_space<hbm>> -> memref<32x768xf32, #tpu.memory_space<hbm>>
        tpu.wait_dma2 semaphore(%run_scoped3A : memref<!tpu.dma_semaphore, #tpu.memory_space<semaphore_mem>>) src(%dma_wait3A_58 : memref<32x768xf32, #tpu.memory_space<hbm>>) dst(%dma_wait3A_56 : memref<32x768xf32, #tpu.memory_space<vmem>>)
        tpu.yield
      }) : () -> ()
      %scan3A_25 = arith.constant 0 : i32
      %scan3A_26 = arith.constant 0 : i32
      %scan3A_27 = arith.constant 8 : i32
      %scan3A_28 = arith.addi %scan3A_26, %scan3A_27 : i32
      %scan3A_29 = arith.constant 1 : i32
      %scan3A_30 = scf.for %scan3A_40 = %scan3A_26 to %scan3A_28 step %scan3A_29 iter_args(%scan3A_41 = %scan3A_25) -> (i32)  : i32 {
        %scan3A_42 = arith.constant 0 : i32
        %scan3A_43 = arith.constant 0 : i32
        %scan3A_44 = arith.constant 2 : i32
        %scan3A_45 = arith.addi %scan3A_43, %scan3A_44 : i32
        %scan3A_46 = arith.constant 1 : i32
        %scan3A_47 = scf.for %scan3A_50 = %scan3A_43 to %scan3A_45 step %scan3A_46 iter_args(%scan3A_51 = %scan3A_42) -> (i32)  : i32 {
          %mul3A_52 = arith.constant 16 : i32
          %mul3A_53 = arith.muli %scan3A_50, %mul3A_52 : i32
          %get3A = arith.index_cast %scan3A_40 : i32 to index
          %get3A_54 = arith.index_cast %mul3A_53 : i32 to index
          %get3A_55 = tpu.vector_load %arg11[%get3A, %get3A_54] {strides = array<i32>} : memref<8x32xi32, #tpu.memory_space<vmem>>, vector<16xi32>,
          %mul3A_56 = arith.constant 16 : i32
          %mul3A_57 = arith.muli %scan3A_50, %mul3A_56 : i32
          %add3A_58 = vector.broadcast %mul3A_57 : i32 to vector<16xi32>
          %add3A_59 = arith.addi %iota3A, %add3A_58 : vector<16xi32>
          %mul3A_60 = arith.constant 32 : i32
          %mul3A_61 = vector.broadcast %mul3A_60 : i32 to vector<16xi32>
          %mul3A_62 = arith.muli %get3A_55, %mul3A_61 : vector<16xi32>
          %add3A_63 = arith.addi %add3A_59, %mul3A_62 : vector<16xi32>
          %slice3A = vector.extract_strided_slice %add3A_63 {offsets = [0], sizes = [1], strides = [1]} : vector<16xi32> to vector<1xi32>
          %squeeze3A = vector.extract %slice3A[0] : i32 from vector<1xi32>
          %mul3A_64 = arith.constant 32 : i32
          %mul3A_65 = arith.muli %scan3A_40, %mul3A_64 : i32
          %mul3A_66 = arith.constant 16 : i32
          %mul3A_67 = arith.muli %scan3A_50, %mul3A_66 : i32
          %add3A_68 = arith.addi %mul3A_65, %mul3A_67 : i32
          %add3A_69 = arith.constant 0 : i32
          %add3A_70 = arith.addi %add3A_68, %add3A_69 : i32
          %swap3A = arith.index_cast %add3A_70 : i32 to index
          %swap3A_71 = memref.load %arg17[%swap3A] : memref<256xi32, #tpu.memory_space<smem>>
          memref.store %squeeze3A, %arg17[%swap3A] : memref<256xi32, #tpu.memory_space<smem>>
          %slice3A_72 = vector.extract_strided_slice %add3A_63 {offsets = [1], sizes = [1], strides = [1]} : vector<16xi32> to vector<1xi32>
          %squeeze3A_73 = vector.extract %slice3A_72[0] : i32 from vector<1xi32>
          %mul3A_74 = arith.constant 32 : i32
          %mul3A_75 = arith.muli %scan3A_40, %mul3A_74 : i32
          %mul3A_76 = arith.constant 16 : i32
          %mul3A_77 = arith.muli %scan3A_50, %mul3A_76 : i32
          %add3A_78 = arith.addi %mul3A_75, %mul3A_77 : i32
          %add3A_79 = arith.constant 1 : i32
          %add3A_80 = arith.addi %add3A_78, %add3A_79 : i32
          %swap3A_81 = arith.index_cast %add3A_80 : i32 to index
          %swap3A_82 = memref.load %arg17[%swap3A_81] : memref<256xi32, #tpu.memory_space<smem>>
          memref.store %squeeze3A_73, %arg17[%swap3A_81] : memref<256xi32, #tpu.memory_space<smem>>
          %slice3A_83 = vector.extract_strided_slice %add3A_63 {offsets = [2], sizes = [1], strides = [1]} : vector<16xi32> to vector<1xi32>
          %squeeze3A_84 = vector.extract %slice3A_83[0] : i32 from vector<1xi32>
          %mul3A_85 = arith.constant 32 : i32
          %mul3A_86 = arith.muli %scan3A_40, %mul3A_85 : i32
          %mul3A_87 = arith.constant 16 : i32
          %mul3A_88 = arith.muli %scan3A_50, %mul3A_87 : i32
          %add3A_89 = arith.addi %mul3A_86, %mul3A_88 : i32
          %add3A_90 = arith.constant 2 : i32
          %add3A_91 = arith.addi %add3A_89, %add3A_90 : i32
          %swap3A_92 = arith.index_cast %add3A_91 : i32 to index
          %swap3A_93 = memref.load %arg17[%swap3A_92] : memref<256xi32, #tpu.memory_space<smem>>
          memref.store %squeeze3A_84, %arg17[%swap3A_92] : memref<256xi32, #tpu.memory_space<smem>>
          %slice3A_94 = vector.extract_strided_slice %add3A_63 {offsets = [3], sizes = [1], strides = [1]} : vector<16xi32> to vector<1xi32>
          %squeeze3A_95 = vector.extract %slice3A_94[0] : i32 from vector<1xi32>
          %mul3A_96 = arith.constant 32 : i32
          %mul3A_97 = arith.muli %scan3A_40, %mul3A_96 : i32
          %mul3A_98 = arith.constant 16 : i32
          %mul3A_99 = arith.muli %scan3A_50, %mul3A_98 : i32
          %add3A_100 = arith.addi %mul3A_97, %mul3A_99 : i32
          %add3A_101 = arith.constant 3 : i32
          %add3A_102 = arith.addi %add3A_100, %add3A_101 : i32
          %swap3A_103 = arith.index_cast %add3A_102 : i32 to index
          %swap3A_104 = memref.load %arg17[%swap3A_103] : memref<256xi32, #tpu.memory_space<smem>>
          memref.store %squeeze3A_95, %arg17[%swap3A_103] : memref<256xi32, #tpu.memory_space<smem>>
          %slice3A_105 = vector.extract_strided_slice %add3A_63 {offsets = [4], sizes = [1], strides = [1]} : vector<16xi32> to vector<1xi32>
          %squeeze3A_106 = vector.extract %slice3A_105[0] : i32 from vector<1xi32>
          %mul3A_107 = arith.constant 32 : i32
          %mul3A_108 = arith.muli %scan3A_40, %mul3A_107 : i32
          %mul3A_109 = arith.constant 16 : i32
          %mul3A_110 = arith.muli %scan3A_50, %mul3A_109 : i32
          %add3A_111 = arith.addi %mul3A_108, %mul3A_110 : i32
          %add3A_112 = arith.constant 4 : i32
          %add3A_113 = arith.addi %add3A_111, %add3A_112 : i32
          %swap3A_114 = arith.index_cast %add3A_113 : i32 to index
          %swap3A_115 = memref.load %arg17[%swap3A_114] : memref<256xi32, #tpu.memory_space<smem>>
          memref.store %squeeze3A_106, %arg17[%swap3A_114] : memref<256xi32, #tpu.memory_space<smem>>
          %slice3A_116 = vector.extract_strided_slice %add3A_63 {offsets = [5], sizes = [1], strides = [1]} : vector<16xi32> to vector<1xi32>
          %squeeze3A_117 = vector.extract %slice3A_116[0] : i32 from vector<1xi32>
          %mul3A_118 = arith.constant 32 : i32
          %mul3A_119 = arith.muli %scan3A_40, %mul3A_118 : i32
          %mul3A_120 = arith.constant 16 : i32
          %mul3A_121 = arith.muli %scan3A_50, %mul3A_120 : i32
          %add3A_122 = arith.addi %mul3A_119, %mul3A_121 : i32
          %add3A_123 = arith.constant 5 : i32
          %add3A_124 = arith.addi %add3A_122, %add3A_123 : i32
          %swap3A_125 = arith.index_cast %add3A_124 : i32 to index
          %swap3A_126 = memref.load %arg17[%swap3A_125] : memref<256xi32, #tpu.memory_space<smem>>
          memref.store %squeeze3A_117, %arg17[%swap3A_125] : memref<256xi32, #tpu.memory_space<smem>>
          %slice3A_127 = vector.extract_strided_slice %add3A_63 {offsets = [6], sizes = [1], strides = [1]} : vector<16xi32> to vector<1xi32>
          %squeeze3A_128 = vector.extract %slice3A_127[0] : i32 from vector<1xi32>
          %mul3A_129 = arith.constant 32 : i32
          %mul3A_130 = arith.muli %scan3A_40, %mul3A_129 : i32
          %mul3A_131 = arith.constant 16 : i32
          %mul3A_132 = arith.muli %scan3A_50, %mul3A_131 : i32
          %add3A_133 = arith.addi %mul3A_130, %mul3A_132 : i32
          %add3A_134 = arith.constant 6 : i32
          %add3A_135 = arith.addi %add3A_133, %add3A_134 : i32
          %swap3A_136 = arith.index_cast %add3A_135 : i32 to index
          %swap3A_137 = memref.load %arg17[%swap3A_136] : memref<256xi32, #tpu.memory_space<smem>>
          memref.store %squeeze3A_128, %arg17[%swap3A_136] : memref<256xi32, #tpu.memory_space<smem>>
          %slice3A_138 = vector.extract_strided_slice %add3A_63 {offsets = [7], sizes = [1], strides = [1]} : vector<16xi32> to vector<1xi32>
          %squeeze3A_139 = vector.extract %slice3A_138[0] : i32 from vector<1xi32>
          %mul3A_140 = arith.constant 32 : i32
          %mul3A_141 = arith.muli %scan3A_40, %mul3A_140 : i32
          %mul3A_142 = arith.constant 16 : i32
          %mul3A_143 = arith.muli %scan3A_50, %mul3A_142 : i32
          %add3A_144 = arith.addi %mul3A_141, %mul3A_143 : i32
          %add3A_145 = arith.constant 7 : i32
          %add3A_146 = arith.addi %add3A_144, %add3A_145 : i32
          %swap3A_147 = arith.index_cast %add3A_146 : i32 to index
          %swap3A_148 = memref.load %arg17[%swap3A_147] : memref<256xi32, #tpu.memory_space<smem>>
          memref.store %squeeze3A_139, %arg17[%swap3A_147] : memref<256xi32, #tpu.memory_space<smem>>
          %slice3A_149 = vector.extract_strided_slice %add3A_63 {offsets = [8], sizes = [1], strides = [1]} : vector<16xi32> to vector<1xi32>
          %squeeze3A_150 = vector.extract %slice3A_149[0] : i32 from vector<1xi32>
          %mul3A_151 = arith.constant 32 : i32
          %mul3A_152 = arith.muli %scan3A_40, %mul3A_151 : i32
          %mul3A_153 = arith.constant 16 : i32
          %mul3A_154 = arith.muli %scan3A_50, %mul3A_153 : i32
          %add3A_155 = arith.addi %mul3A_152, %mul3A_154 : i32
          %add3A_156 = arith.constant 8 : i32
          %add3A_157 = arith.addi %add3A_155, %add3A_156 : i32
          %swap3A_158 = arith.index_cast %add3A_157 : i32 to index
          %swap3A_159 = memref.load %arg17[%swap3A_158] : memref<256xi32, #tpu.memory_space<smem>>
          memref.store %squeeze3A_150, %arg17[%swap3A_158] : memref<256xi32, #tpu.memory_space<smem>>
          %slice3A_160 = vector.extract_strided_slice %add3A_63 {offsets = [9], sizes = [1], strides = [1]} : vector<16xi32> to vector<1xi32>
          %squeeze3A_161 = vector.extract %slice3A_160[0] : i32 from vector<1xi32>
          %mul3A_162 = arith.constant 32 : i32
          %mul3A_163 = arith.muli %scan3A_40, %mul3A_162 : i32
          %mul3A_164 = arith.constant 16 : i32
          %mul3A_165 = arith.muli %scan3A_50, %mul3A_164 : i32
          %add3A_166 = arith.addi %mul3A_163, %mul3A_165 : i32
          %add3A_167 = arith.constant 9 : i32
          %add3A_168 = arith.addi %add3A_166, %add3A_167 : i32
          %swap3A_169 = arith.index_cast %add3A_168 : i32 to index
          %swap3A_170 = memref.load %arg17[%swap3A_169] : memref<256xi32, #tpu.memory_space<smem>>
          memref.store %squeeze3A_161, %arg17[%swap3A_169] : memref<256xi32, #tpu.memory_space<smem>>
          %slice3A_171 = vector.extract_strided_slice %add3A_63 {offsets = [10], sizes = [1], strides = [1]} : vector<16xi32> to vector<1xi32>
          %squeeze3A_172 = vector.extract %slice3A_171[0] : i32 from vector<1xi32>
          %mul3A_173 = arith.constant 32 : i32
          %mul3A_174 = arith.muli %scan3A_40, %mul3A_173 : i32
          %mul3A_175 = arith.constant 16 : i32
          %mul3A_176 = arith.muli %scan3A_50, %mul3A_175 : i32
          %add3A_177 = arith.addi %mul3A_174, %mul3A_176 : i32
          %add3A_178 = arith.constant 10 : i32
          %add3A_179 = arith.addi %add3A_177, %add3A_178 : i32
          %swap3A_180 = arith.index_cast %add3A_179 : i32 to index
          %swap3A_181 = memref.load %arg17[%swap3A_180] : memref<256xi32, #tpu.memory_space<smem>>
          memref.store %squeeze3A_172, %arg17[%swap3A_180] : memref<256xi32, #tpu.memory_space<smem>>
          %slice3A_182 = vector.extract_strided_slice %add3A_63 {offsets = [11], sizes = [1], strides = [1]} : vector<16xi32> to vector<1xi32>
          %squeeze3A_183 = vector.extract %slice3A_182[0] : i32 from vector<1xi32>
          %mul3A_184 = arith.constant 32 : i32
          %mul3A_185 = arith.muli %scan3A_40, %mul3A_184 : i32
          %mul3A_186 = arith.constant 16 : i32
          %mul3A_187 = arith.muli %scan3A_50, %mul3A_186 : i32
          %add3A_188 = arith.addi %mul3A_185, %mul3A_187 : i32
          %add3A_189 = arith.constant 11 : i32
          %add3A_190 = arith.addi %add3A_188, %add3A_189 : i32
          %swap3A_191 = arith.index_cast %add3A_190 : i32 to index
          %swap3A_192 = memref.load %arg17[%swap3A_191] : memref<256xi32, #tpu.memory_space<smem>>
          memref.store %squeeze3A_183, %arg17[%swap3A_191] : memref<256xi32, #tpu.memory_space<smem>>
          %slice3A_193 = vector.extract_strided_slice %add3A_63 {offsets = [12], sizes = [1], strides = [1]} : vector<16xi32> to vector<1xi32>
          %squeeze3A_194 = vector.extract %slice3A_193[0] : i32 from vector<1xi32>
          %mul3A_195 = arith.constant 32 : i32
          %mul3A_196 = arith.muli %scan3A_40, %mul3A_195 : i32
          %mul3A_197 = arith.constant 16 : i32
          %mul3A_198 = arith.muli %scan3A_50, %mul3A_197 : i32
          %add3A_199 = arith.addi %mul3A_196, %mul3A_198 : i32
          %add3A_200 = arith.constant 12 : i32
          %add3A_201 = arith.addi %add3A_199, %add3A_200 : i32
          %swap3A_202 = arith.index_cast %add3A_201 : i32 to index
          %swap3A_203 = memref.load %arg17[%swap3A_202] : memref<256xi32, #tpu.memory_space<smem>>
          memref.store %squeeze3A_194, %arg17[%swap3A_202] : memref<256xi32, #tpu.memory_space<smem>>
          %slice3A_204 = vector.extract_strided_slice %add3A_63 {offsets = [13], sizes = [1], strides = [1]} : vector<16xi32> to vector<1xi32>
          %squeeze3A_205 = vector.extract %slice3A_204[0] : i32 from vector<1xi32>
          %mul3A_206 = arith.constant 32 : i32
          %mul3A_207 = arith.muli %scan3A_40, %mul3A_206 : i32
          %mul3A_208 = arith.constant 16 : i32
          %mul3A_209 = arith.muli %scan3A_50, %mul3A_208 : i32
          %add3A_210 = arith.addi %mul3A_207, %mul3A_209 : i32
          %add3A_211 = arith.constant 13 : i32
          %add3A_212 = arith.addi %add3A_210, %add3A_211 : i32
          %swap3A_213 = arith.index_cast %add3A_212 : i32 to index
          %swap3A_214 = memref.load %arg17[%swap3A_213] : memref<256xi32, #tpu.memory_space<smem>>
          memref.store %squeeze3A_205, %arg17[%swap3A_213] : memref<256xi32, #tpu.memory_space<smem>>
          %slice3A_215 = vector.extract_strided_slice %add3A_63 {offsets = [14], sizes = [1], strides = [1]} : vector<16xi32> to vector<1xi32>
          %squeeze3A_216 = vector.extract %slice3A_215[0] : i32 from vector<1xi32>
          %mul3A_217 = arith.constant 32 : i32
          %mul3A_218 = arith.muli %scan3A_40, %mul3A_217 : i32
          %mul3A_219 = arith.constant 16 : i32
          %mul3A_220 = arith.muli %scan3A_50, %mul3A_219 : i32
          %add3A_221 = arith.addi %mul3A_218, %mul3A_220 : i32
          %add3A_222 = arith.constant 14 : i32
          %add3A_223 = arith.addi %add3A_221, %add3A_222 : i32
          %swap3A_224 = arith.index_cast %add3A_223 : i32 to index
          %swap3A_225 = memref.load %arg17[%swap3A_224] : memref<256xi32, #tpu.memory_space<smem>>
          memref.store %squeeze3A_216, %arg17[%swap3A_224] : memref<256xi32, #tpu.memory_space<smem>>
          %slice3A_226 = vector.extract_strided_slice %add3A_63 {offsets = [15], sizes = [1], strides = [1]} : vector<16xi32> to vector<1xi32>
          %squeeze3A_227 = vector.extract %slice3A_226[0] : i32 from vector<1xi32>
          %mul3A_228 = arith.constant 32 : i32
          %mul3A_229 = arith.muli %scan3A_40, %mul3A_228 : i32
          %mul3A_230 = arith.constant 16 : i32
          %mul3A_231 = arith.muli %scan3A_50, %mul3A_230 : i32
          %add3A_232 = arith.addi %mul3A_229, %mul3A_231 : i32
          %add3A_233 = arith.constant 15 : i32
          %add3A_234 = arith.addi %add3A_232, %add3A_233 : i32
          %swap3A_235 = arith.index_cast %add3A_234 : i32 to index
          %swap3A_236 = memref.load %arg17[%swap3A_235] : memref<256xi32, #tpu.memory_space<smem>>
          memref.store %squeeze3A_227, %arg17[%swap3A_235] : memref<256xi32, #tpu.memory_space<smem>>
          %scan3A_237 = arith.constant 0 : i32
          scf.yield %scan3A_237 : i32
        }
        %scan3A_48 = arith.constant 2 : i32
        %scan3A_49 = arith.constant 0 : i32
        scf.yield %scan3A_49 : i32
      }
      %scan3A_31 = arith.constant 8 : i32
      %scan3A_32 = arith.constant 0 : i32
      %scan3A_33 = arith.constant 0 : i32
      %scan3A_34 = arith.constant 4 : i32
      %scan3A_35 = arith.addi %scan3A_33, %scan3A_34 : i32
      %scan3A_36 = arith.constant 1 : i32
      %scan3A_37 = scf.for %scan3A_40 = %scan3A_33 to %scan3A_35 step %scan3A_36 iter_args(%scan3A_41 = %scan3A_32) -> (i32)  : i32 {
        %mul3A_42 = arith.constant 2 : i32
        %mul3A_43 = arith.muli %mul3A_42, %scan3A_40 : i32
        %mul3A_44 = arith.constant 2 : i32
        %mul3A_45 = arith.muli %mul3A_44, %scan3A_40 : i32
        %add3A_46 = arith.constant 1 : i32
        %add3A_47 = arith.addi %mul3A_45, %add3A_46 : i32
        %add3A_48 = arith.addi %mul3A_2, %mul3A_43 : i32
        %mul3A_49 = arith.constant 512 : i32
        %mul3A_50 = arith.muli %add3A_48, %mul3A_49 : i32
        %mul3A_51 = arith.constant 32 : i32
        %mul3A_52 = arith.muli %scan3A_9, %mul3A_51 : i32
        %add3A_53 = arith.addi %mul3A_50, %mul3A_52 : i32
        %add3A_54 = arith.addi %mul3A_2, %add3A_47 : i32
        %mul3A_55 = arith.constant 512 : i32
        %mul3A_56 = arith.muli %add3A_54, %mul3A_55 : i32
        %mul3A_57 = arith.constant 32 : i32
        %mul3A_58 = arith.muli %scan3A_9, %mul3A_57 : i32
        %add3A_59 = arith.addi %mul3A_56, %mul3A_58 : i32
        %dma_start3A_60 = arith.constant 0 : i32
        %dma_start3A_61 = tpu.memref_slice %arg10[%add3A_47, %dma_start3A_60] : memref<8x32xi32, #tpu.memory_space<vmem>> -> memref<1x32xi32, #tpu.memory_space<vmem>>
        %dma_start3A_62 = tpu.memref_squeeze %dma_start3A_61 : memref<1x32xi32, #tpu.memory_space<vmem>> -> memref<32xi32, #tpu.memory_space<vmem>>
        %dma_start3A_63 = arith.constant 0 : i32
        %dma_start3A_64 = arith.constant 0 : i32
        %dma_start3A_65 = tpu.memref_slice %arg4[%dma_start3A_63, %dma_start3A_64] : memref<32000x768xf32, #tpu.memory_space<hbm>> -> memref<32000x768xf32, #tpu.memory_space<hbm>>
        tpu.enqueue_indirect_dma source(%dma_start3A_65 : memref<32000x768xf32, #tpu.memory_space<hbm>>) target(%arg13 : memref<32x768xf32, #tpu.memory_space<vmem>>) offsets(%dma_start3A_62 : memref<32xi32, #tpu.memory_space<vmem>>) semaphore(%arg21 : memref<!tpu.dma_semaphore, #tpu.memory_space<semaphore_mem>>)
        %dma_wait3A = arith.constant 0 : i32
        %dma_wait3A_66 = arith.constant 0 : i32
        %dma_wait3A_67 = tpu.memref_slice %arg9[%dma_wait3A, %dma_wait3A_66] : memref<131072x768xf32, #tpu.memory_space<hbm>> -> memref<32x768xf32, #tpu.memory_space<hbm>>
        %dma_wait3A_68 = arith.constant 0 : i32
        %dma_wait3A_69 = arith.constant 0 : i32
        %dma_wait3A_70 = tpu.memref_slice %arg9[%dma_wait3A_68, %dma_wait3A_69] : memref<131072x768xf32, #tpu.memory_space<hbm>> -> memref<32x768xf32, #tpu.memory_space<hbm>>
        tpu.wait_dma2 semaphore(%arg20 : memref<!tpu.dma_semaphore, #tpu.memory_space<semaphore_mem>>) src(%dma_wait3A_70 : memref<32x768xf32, #tpu.memory_space<hbm>>) dst(%arg12 : memref<32x768xf32, #tpu.memory_space<vmem>>)
        %scan3A_71 = arith.constant 0 : i32
        %scan3A_72 = arith.constant 0 : i32
        %scan3A_73 = arith.constant 32 : i32
        %scan3A_74 = arith.addi %scan3A_72, %scan3A_73 : i32
        %scan3A_75 = arith.constant 2 : i32
        %scan3A_76 = scf.for %scan3A_110 = %scan3A_72 to %scan3A_74 step %scan3A_75 iter_args(%scan3A_111 = %scan3A_71) -> (i32)  : i32 {
          %mul3A_112 = arith.constant 32 : i32
          %mul3A_113 = arith.muli %mul3A_43, %mul3A_112 : i32
          %add3A_114 = arith.addi %mul3A_113, %scan3A_110 : i32
          %get3A = arith.index_cast %add3A_114 : i32 to index
          %get3A_115 = memref.load %arg17[%get3A] : memref<256xi32, #tpu.memory_space<smem>>
          %broadcast_in_dim3A = arith.constant 0.000000e+00 : f32
          %broadcast_in_dim3A_116 = vector.broadcast %broadcast_in_dim3A : f32 to vector<16xf32>
          %scan3A_117 = arith.constant 0 : i32
          %scan3A_118 = arith.constant 48 : i32
          %scan3A_119 = arith.addi %scan3A_117, %scan3A_118 : i32
          %scan3A_120 = arith.constant 8 : i32
          %scan3A_121:2 = scf.for %scan3A_153 = %scan3A_117 to %scan3A_119 step %scan3A_120 iter_args(%scan3A_154 = %broadcast_in_dim3A_116, %scan3A_155 = %broadcast_in_dim3A_116) -> (vector<16xf32>, vector<16xf32>)  : i32 {
            %mul3A_156 = arith.constant 16 : i32
            %mul3A_157 = arith.muli %scan3A_153, %mul3A_156 : i32
            %get3A_158 = arith.index_cast %scan3A_110 : i32 to index
            %get3A_159 = arith.index_cast %mul3A_157 : i32 to index
            %get3A_160 = tpu.vector_load %arg12[%get3A_158, %get3A_159] {strides = array<i32>} : memref<32x768xf32, #tpu.memory_space<vmem>>, vector<16xf32>,
            %mul3A_161 = arith.constant 16 : i32
            %mul3A_162 = arith.muli %scan3A_153, %mul3A_161 : i32
            %get3A_163 = arith.index_cast %get3A_115 : i32 to index
            %get3A_164 = arith.index_cast %mul3A_162 : i32 to index
            %get3A_165 = tpu.vector_load %arg14[%get3A_163, %get3A_164] {strides = array<i32>} : memref<64x768xf32, #tpu.memory_space<vmem>>, vector<16xf32>,
            %add3A_166 = arith.addf %get3A_160, %get3A_165 : vector<16xf32>
            %mul3A_167 = arith.constant 16 : i32
            %mul3A_168 = arith.muli %scan3A_153, %mul3A_167 : i32
            %swap3A_169 = arith.index_cast %scan3A_110 : i32 to index
            %swap3A_170 = arith.index_cast %mul3A_168 : i32 to index
            %swap3A_171 = tpu.vector_load %arg12[%swap3A_169, %swap3A_170] {strides = array<i32>} : memref<32x768xf32, #tpu.memory_space<vmem>>, vector<16xf32>,
            tpu.vector_store %arg12[%swap3A_169, %swap3A_170], %add3A_166 {strides = array<i32>} : memref<32x768xf32, #tpu.memory_space<vmem>>, vector<16xf32>,
            %add3A_172 = arith.addf %scan3A_154, %add3A_166 : vector<16xf32>
            %mul3A_173 = arith.mulf %add3A_166, %add3A_166 : vector<16xf32>
            %add3A_174 = arith.addf %scan3A_155, %mul3A_173 : vector<16xf32>
            %scan3A_175 = arith.constant 1 : i32
            %scan3A_176 = arith.addi %scan3A_153, %scan3A_175 : i32
            %mul3A_177 = arith.constant 16 : i32
            %mul3A_178 = arith.muli %scan3A_176, %mul3A_177 : i32
            %get3A_179 = arith.index_cast %scan3A_110 : i32 to index
            %get3A_180 = arith.index_cast %mul3A_178 : i32 to index
            %get3A_181 = tpu.vector_load %arg12[%get3A_179, %get3A_180] {strides = array<i32>} : memref<32x768xf32, #tpu.memory_space<vmem>>, vector<16xf32>,
            %mul3A_182 = arith.constant 16 : i32
            %mul3A_183 = arith.muli %scan3A_176, %mul3A_182 : i32
            %get3A_184 = arith.index_cast %get3A_115 : i32 to index
            %get3A_185 = arith.index_cast %mul3A_183 : i32 to index
            %get3A_186 = tpu.vector_load %arg14[%get3A_184, %get3A_185] {strides = array<i32>} : memref<64x768xf32, #tpu.memory_space<vmem>>, vector<16xf32>,
            %add3A_187 = arith.addf %get3A_181, %get3A_186 : vector<16xf32>
            %mul3A_188 = arith.constant 16 : i32
            %mul3A_189 = arith.muli %scan3A_176, %mul3A_188 : i32
            %swap3A_190 = arith.index_cast %scan3A_110 : i32 to index
            %swap3A_191 = arith.index_cast %mul3A_189 : i32 to index
            %swap3A_192 = tpu.vector_load %arg12[%swap3A_190, %swap3A_191] {strides = array<i32>} : memref<32x768xf32, #tpu.memory_space<vmem>>, vector<16xf32>,
            tpu.vector_store %arg12[%swap3A_190, %swap3A_191], %add3A_187 {strides = array<i32>} : memref<32x768xf32, #tpu.memory_space<vmem>>, vector<16xf32>,
            %add3A_193 = arith.addf %add3A_172, %add3A_187 : vector<16xf32>
            %mul3A_194 = arith.mulf %add3A_187, %add3A_187 : vector<16xf32>
            %add3A_195 = arith.addf %add3A_174, %mul3A_194 : vector<16xf32>
            %scan3A_196 = arith.constant 2 : i32
            %scan3A_197 = arith.addi %scan3A_153, %scan3A_196 : i32
            %mul3A_198 = arith.constant 16 : i32
            %mul3A_199 = arith.muli %scan3A_197, %mul3A_198 : i32
            %get3A_200 = arith.index_cast %scan3A_110 : i32 to index
            %get3A_201 = arith.index_cast %mul3A_199 : i32 to index
            %get3A_202 = tpu.vector_load %arg12[%get3A_200, %get3A_201] {strides = array<i32>} : memref<32x768xf32, #tpu.memory_space<vmem>>, vector<16xf32>,
            %mul3A_203 = arith.constant 16 : i32
            %mul3A_204 = arith.muli %scan3A_197, %mul3A_203 : i32
            %get3A_205 = arith.index_cast %get3A_115 : i32 to index
            %get3A_206 = arith.index_cast %mul3A_204 : i32 to index
            %get3A_207 = tpu.vector_load %arg14[%get3A_205, %get3A_206] {strides = array<i32>} : memref<64x768xf32, #tpu.memory_space<vmem>>, vector<16xf32>,
            %add3A_208 = arith.addf %get3A_202, %get3A_207 : vector<16xf32>
            %mul3A_209 = arith.constant 16 : i32
            %mul3A_210 = arith.muli %scan3A_197, %mul3A_209 : i32
            %swap3A_211 = arith.index_cast %scan3A_110 : i32 to index
            %swap3A_212 = arith.index_cast %mul3A_210 : i32 to index
            %swap3A_213 = tpu.vector_load %arg12[%swap3A_211, %swap3A_212] {strides = array<i32>} : memref<32x768xf32, #tpu.memory_space<vmem>>, vector<16xf32>,
            tpu.vector_store %arg12[%swap3A_211, %swap3A_212], %add3A_208 {strides = array<i32>} : memref<32x768xf32, #tpu.memory_space<vmem>>, vector<16xf32>,
            %add3A_214 = arith.addf %add3A_193, %add3A_208 : vector<16xf32>
            %mul3A_215 = arith.mulf %add3A_208, %add3A_208 : vector<16xf32>
            %add3A_216 = arith.addf %add3A_195, %mul3A_215 : vector<16xf32>
            %scan3A_217 = arith.constant 3 : i32
            %scan3A_218 = arith.addi %scan3A_153, %scan3A_217 : i32
            %mul3A_219 = arith.constant 16 : i32
            %mul3A_220 = arith.muli %scan3A_218, %mul3A_219 : i32
            %get3A_221 = arith.index_cast %scan3A_110 : i32 to index
            %get3A_222 = arith.index_cast %mul3A_220 : i32 to index
            %get3A_223 = tpu.vector_load %arg12[%get3A_221, %get3A_222] {strides = array<i32>} : memref<32x768xf32, #tpu.memory_space<vmem>>, vector<16xf32>,
            %mul3A_224 = arith.constant 16 : i32
            %mul3A_225 = arith.muli %scan3A_218, %mul3A_224 : i32
            %get3A_226 = arith.index_cast %get3A_115 : i32 to index
            %get3A_227 = arith.index_cast %mul3A_225 : i32 to index
            %get3A_228 = tpu.vector_load %arg14[%get3A_226, %get3A_227] {strides = array<i32>} : memref<64x768xf32, #tpu.memory_space<vmem>>, vector<16xf32>,
            %add3A_229 = arith.addf %get3A_223, %get3A_228 : vector<16xf32>
            %mul3A_230 = arith.constant 16 : i32
            %mul3A_231 = arith.muli %scan3A_218, %mul3A_230 : i32
            %swap3A_232 = arith.index_cast %scan3A_110 : i32 to index
            %swap3A_233 = arith.index_cast %mul3A_231 : i32 to index
            %swap3A_234 = tpu.vector_load %arg12[%swap3A_232, %swap3A_233] {strides = array<i32>} : memref<32x768xf32, #tpu.memory_space<vmem>>, vector<16xf32>,
            tpu.vector_store %arg12[%swap3A_232, %swap3A_233], %add3A_229 {strides = array<i32>} : memref<32x768xf32, #tpu.memory_space<vmem>>, vector<16xf32>,
            %add3A_235 = arith.addf %add3A_214, %add3A_229 : vector<16xf32>
            %mul3A_236 = arith.mulf %add3A_229, %add3A_229 : vector<16xf32>
            %add3A_237 = arith.addf %add3A_216, %mul3A_236 : vector<16xf32>
            %scan3A_238 = arith.constant 4 : i32
            %scan3A_239 = arith.addi %scan3A_153, %scan3A_238 : i32
            %mul3A_240 = arith.constant 16 : i32
            %mul3A_241 = arith.muli %scan3A_239, %mul3A_240 : i32
            %get3A_242 = arith.index_cast %scan3A_110 : i32 to index
            %get3A_243 = arith.index_cast %mul3A_241 : i32 to index
            %get3A_244 = tpu.vector_load %arg12[%get3A_242, %get3A_243] {strides = array<i32>} : memref<32x768xf32, #tpu.memory_space<vmem>>, vector<16xf32>,
            %mul3A_245 = arith.constant 16 : i32
            %mul3A_246 = arith.muli %scan3A_239, %mul3A_245 : i32
            %get3A_247 = arith.index_cast %get3A_115 : i32 to index
            %get3A_248 = arith.index_cast %mul3A_246 : i32 to index
            %get3A_249 = tpu.vector_load %arg14[%get3A_247, %get3A_248] {strides = array<i32>} : memref<64x768xf32, #tpu.memory_space<vmem>>, vector<16xf32>,
            %add3A_250 = arith.addf %get3A_244, %get3A_249 : vector<16xf32>
            %mul3A_251 = arith.constant 16 : i32
            %mul3A_252 = arith.muli %scan3A_239, %mul3A_251 : i32
            %swap3A_253 = arith.index_cast %scan3A_110 : i32 to index
            %swap3A_254 = arith.index_cast %mul3A_252 : i32 to index
            %swap3A_255 = tpu.vector_load %arg12[%swap3A_253, %swap3A_254] {strides = array<i32>} : memref<32x768xf32, #tpu.memory_space<vmem>>, vector<16xf32>,
            tpu.vector_store %arg12[%swap3A_253, %swap3A_254], %add3A_250 {strides = array<i32>} : memref<32x768xf32, #tpu.memory_space<vmem>>, vector<16xf32>,
            %add3A_256 = arith.addf %add3A_235, %add3A_250 : vector<16xf32>
            %mul3A_257 = arith.mulf %add3A_250, %add3A_250 : vector<16xf32>
            %add3A_258 = arith.addf %add3A_237, %mul3A_257 : vector<16xf32>
            %scan3A_259 = arith.constant 5 : i32
            %scan3A_260 = arith.addi %scan3A_153, %scan3A_259 : i32
            %mul3A_261 = arith.constant 16 : i32
            %mul3A_262 = arith.muli %scan3A_260, %mul3A_261 : i32
            %get3A_263 = arith.index_cast %scan3A_110 : i32 to index
            %get3A_264 = arith.index_cast %mul3A_262 : i32 to index
            %get3A_265 = tpu.vector_load %arg12[%get3A_263, %get3A_264] {strides = array<i32>} : memref<32x768xf32, #tpu.memory_space<vmem>>, vector<16xf32>,
            %mul3A_266 = arith.constant 16 : i32
            %mul3A_267 = arith.muli %scan3A_260, %mul3A_266 : i32
            %get3A_268 = arith.index_cast %get3A_115 : i32 to index
            %get3A_269 = arith.index_cast %mul3A_267 : i32 to index
            %get3A_270 = tpu.vector_load %arg14[%get3A_268, %get3A_269] {strides = array<i32>} : memref<64x768xf32, #tpu.memory_space<vmem>>, vector<16xf32>,
            %add3A_271 = arith.addf %get3A_265, %get3A_270 : vector<16xf32>
            %mul3A_272 = arith.constant 16 : i32
            %mul3A_273 = arith.muli %scan3A_260, %mul3A_272 : i32
            %swap3A_274 = arith.index_cast %scan3A_110 : i32 to index
            %swap3A_275 = arith.index_cast %mul3A_273 : i32 to index
            %swap3A_276 = tpu.vector_load %arg12[%swap3A_274, %swap3A_275] {strides = array<i32>} : memref<32x768xf32, #tpu.memory_space<vmem>>, vector<16xf32>,
            tpu.vector_store %arg12[%swap3A_274, %swap3A_275], %add3A_271 {strides = array<i32>} : memref<32x768xf32, #tpu.memory_space<vmem>>, vector<16xf32>,
            %add3A_277 = arith.addf %add3A_256, %add3A_271 : vector<16xf32>
            %mul3A_278 = arith.mulf %add3A_271, %add3A_271 : vector<16xf32>
            %add3A_279 = arith.addf %add3A_258, %mul3A_278 : vector<16xf32>
            %scan3A_280 = arith.constant 6 : i32
            %scan3A_281 = arith.addi %scan3A_153, %scan3A_280 : i32
            %mul3A_282 = arith.constant 16 : i32
            %mul3A_283 = arith.muli %scan3A_281, %mul3A_282 : i32
            %get3A_284 = arith.index_cast %scan3A_110 : i32 to index
            %get3A_285 = arith.index_cast %mul3A_283 : i32 to index
            %get3A_286 = tpu.vector_load %arg12[%get3A_284, %get3A_285] {strides = array<i32>} : memref<32x768xf32, #tpu.memory_space<vmem>>, vector<16xf32>,
            %mul3A_287 = arith.constant 16 : i32
            %mul3A_288 = arith.muli %scan3A_281, %mul3A_287 : i32
            %get3A_289 = arith.index_cast %get3A_115 : i32 to index
            %get3A_290 = arith.index_cast %mul3A_288 : i32 to index
            %get3A_291 = tpu.vector_load %arg14[%get3A_289, %get3A_290] {strides = array<i32>} : memref<64x768xf32, #tpu.memory_space<vmem>>, vector<16xf32>,
            %add3A_292 = arith.addf %get3A_286, %get3A_291 : vector<16xf32>
            %mul3A_293 = arith.constant 16 : i32
            %mul3A_294 = arith.muli %scan3A_281, %mul3A_293 : i32
            %swap3A_295 = arith.index_cast %scan3A_110 : i32 to index
            %swap3A_296 = arith.index_cast %mul3A_294 : i32 to index
            %swap3A_297 = tpu.vector_load %arg12[%swap3A_295, %swap3A_296] {strides = array<i32>} : memref<32x768xf32, #tpu.memory_space<vmem>>, vector<16xf32>,
            tpu.vector_store %arg12[%swap3A_295, %swap3A_296], %add3A_292 {strides = array<i32>} : memref<32x768xf32, #tpu.memory_space<vmem>>, vector<16xf32>,
            %add3A_298 = arith.addf %add3A_277, %add3A_292 : vector<16xf32>
            %mul3A_299 = arith.mulf %add3A_292, %add3A_292 : vector<16xf32>
            %add3A_300 = arith.addf %add3A_279, %mul3A_299 : vector<16xf32>
            %scan3A_301 = arith.constant 7 : i32
            %scan3A_302 = arith.addi %scan3A_153, %scan3A_301 : i32
            %mul3A_303 = arith.constant 16 : i32
            %mul3A_304 = arith.muli %scan3A_302, %mul3A_303 : i32
            %get3A_305 = arith.index_cast %scan3A_110 : i32 to index
            %get3A_306 = arith.index_cast %mul3A_304 : i32 to index
            %get3A_307 = tpu.vector_load %arg12[%get3A_305, %get3A_306] {strides = array<i32>} : memref<32x768xf32, #tpu.memory_space<vmem>>, vector<16xf32>,
            %mul3A_308 = arith.constant 16 : i32
            %mul3A_309 = arith.muli %scan3A_302, %mul3A_308 : i32
            %get3A_310 = arith.index_cast %get3A_115 : i32 to index
            %get3A_311 = arith.index_cast %mul3A_309 : i32 to index
            %get3A_312 = tpu.vector_load %arg14[%get3A_310, %get3A_311] {strides = array<i32>} : memref<64x768xf32, #tpu.memory_space<vmem>>, vector<16xf32>,
            %add3A_313 = arith.addf %get3A_307, %get3A_312 : vector<16xf32>
            %mul3A_314 = arith.constant 16 : i32
            %mul3A_315 = arith.muli %scan3A_302, %mul3A_314 : i32
            %swap3A_316 = arith.index_cast %scan3A_110 : i32 to index
            %swap3A_317 = arith.index_cast %mul3A_315 : i32 to index
            %swap3A_318 = tpu.vector_load %arg12[%swap3A_316, %swap3A_317] {strides = array<i32>} : memref<32x768xf32, #tpu.memory_space<vmem>>, vector<16xf32>,
            tpu.vector_store %arg12[%swap3A_316, %swap3A_317], %add3A_313 {strides = array<i32>} : memref<32x768xf32, #tpu.memory_space<vmem>>, vector<16xf32>,
            %add3A_319 = arith.addf %add3A_298, %add3A_313 : vector<16xf32>
            %mul3A_320 = arith.mulf %add3A_313, %add3A_313 : vector<16xf32>
            %add3A_321 = arith.addf %add3A_300, %mul3A_320 : vector<16xf32>
            scf.yield %add3A_319, %add3A_321 : vector<16xf32>, vector<16xf32>
          }
          %scan3A_122 = arith.constant 48 : i32
          %slice3A = vector.extract_strided_slice %scan3A_121#0 {offsets = [0], sizes = [1], strides = [1]} : vector<16xf32> to vector<1xf32>
          %squeeze3A = vector.extract %slice3A[0] : f32 from vector<1xf32>
          %swap3A = arith.index_cast %scan3A_110 : i32 to index
          %swap3A_123 = memref.load %arg18[%swap3A] : memref<32xf32, #tpu.memory_space<smem>>
          memref.store %squeeze3A, %arg18[%swap3A] : memref<32xf32, #tpu.memory_space<smem>>
          %slice3A_124 = vector.extract_strided_slice %scan3A_121#1 {offsets = [0], sizes = [1], strides = [1]} : vector<16xf32> to vector<1xf32>
          %squeeze3A_125 = vector.extract %slice3A_124[0] : f32 from vector<1xf32>
          %swap3A_126 = arith.index_cast %scan3A_110 : i32 to index
          %swap3A_127 = memref.load %arg19[%swap3A_126] : memref<32xf32, #tpu.memory_space<smem>>
          memref.store %squeeze3A_125, %arg19[%swap3A_126] : memref<32xf32, #tpu.memory_space<smem>>
          %scan3A_128 = arith.constant 0 : i32
          %scan3A_129 = arith.constant 1 : i32
          %scan3A_130 = arith.addi %scan3A_110, %scan3A_129 : i32
          %mul3A_131 = arith.constant 32 : i32
          %mul3A_132 = arith.muli %mul3A_43, %mul3A_131 : i32
          %add3A_133 = arith.addi %mul3A_132, %scan3A_130 : i32
          %get3A_134 = arith.index_cast %add3A_133 : i32 to index
          %get3A_135 = memref.load %arg17[%get3A_134] : memref<256xi32, #tpu.memory_space<smem>>
          %broadcast_in_dim3A_136 = arith.constant 0.000000e+00 : f32
          %broadcast_in_dim3A_137 = vector.broadcast %broadcast_in_dim3A_136 : f32 to vector<16xf32>
          %scan3A_138 = arith.constant 0 : i32
          %scan3A_139 = arith.constant 48 : i32
          %scan3A_140 = arith.addi %scan3A_138, %scan3A_139 : i32
          %scan3A_141 = arith.constant 8 : i32
          %scan3A_142:2 = scf.for %scan3A_153 = %scan3A_138 to %scan3A_140 step %scan3A_141 iter_args(%scan3A_154 = %broadcast_in_dim3A_137, %scan3A_155 = %broadcast_in_dim3A_137) -> (vector<16xf32>, vector<16xf32>)  : i32 {
            %mul3A_156 = arith.constant 16 : i32
            %mul3A_157 = arith.muli %scan3A_153, %mul3A_156 : i32
            %get3A_158 = arith.index_cast %scan3A_130 : i32 to index
            %get3A_159 = arith.index_cast %mul3A_157 : i32 to index
            %get3A_160 = tpu.vector_load %arg12[%get3A_158, %get3A_159] {strides = array<i32>} : memref<32x768xf32, #tpu.memory_space<vmem>>, vector<16xf32>,
            %mul3A_161 = arith.constant 16 : i32
            %mul3A_162 = arith.muli %scan3A_153, %mul3A_161 : i32
            %get3A_163 = arith.index_cast %get3A_135 : i32 to index
            %get3A_164 = arith.index_cast %mul3A_162 : i32 to index
            %get3A_165 = tpu.vector_load %arg14[%get3A_163, %get3A_164] {strides = array<i32>} : memref<64x768xf32, #tpu.memory_space<vmem>>, vector<16xf32>,
            %add3A_166 = arith.addf %get3A_160, %get3A_165 : vector<16xf32>
            %mul3A_167 = arith.constant 16 : i32
            %mul3A_168 = arith.muli %scan3A_153, %mul3A_167 : i32
            %swap3A_169 = arith.index_cast %scan3A_130 : i32 to index
            %swap3A_170 = arith.index_cast %mul3A_168 : i32 to index
            %swap3A_171 = tpu.vector_load %arg12[%swap3A_169, %swap3A_170] {strides = array<i32>} : memref<32x768xf32, #tpu.memory_space<vmem>>, vector<16xf32>,
            tpu.vector_store %arg12[%swap3A_169, %swap3A_170], %add3A_166 {strides = array<i32>} : memref<32x768xf32, #tpu.memory_space<vmem>>, vector<16xf32>,
            %add3A_172 = arith.addf %scan3A_154, %add3A_166 : vector<16xf32>
            %mul3A_173 = arith.mulf %add3A_166, %add3A_166 : vector<16xf32>
            %add3A_174 = arith.addf %scan3A_155, %mul3A_173 : vector<16xf32>
            %scan3A_175 = arith.constant 1 : i32
            %scan3A_176 = arith.addi %scan3A_153, %scan3A_175 : i32
            %mul3A_177 = arith.constant 16 : i32
            %mul3A_178 = arith.muli %scan3A_176, %mul3A_177 : i32
            %get3A_179 = arith.index_cast %scan3A_130 : i32 to index
            %get3A_180 = arith.index_cast %mul3A_178 : i32 to index
            %get3A_181 = tpu.vector_load %arg12[%get3A_179, %get3A_180] {strides = array<i32>} : memref<32x768xf32, #tpu.memory_space<vmem>>, vector<16xf32>,
            %mul3A_182 = arith.constant 16 : i32
            %mul3A_183 = arith.muli %scan3A_176, %mul3A_182 : i32
            %get3A_184 = arith.index_cast %get3A_135 : i32 to index
            %get3A_185 = arith.index_cast %mul3A_183 : i32 to index
            %get3A_186 = tpu.vector_load %arg14[%get3A_184, %get3A_185] {strides = array<i32>} : memref<64x768xf32, #tpu.memory_space<vmem>>, vector<16xf32>,
            %add3A_187 = arith.addf %get3A_181, %get3A_186 : vector<16xf32>
            %mul3A_188 = arith.constant 16 : i32
            %mul3A_189 = arith.muli %scan3A_176, %mul3A_188 : i32
            %swap3A_190 = arith.index_cast %scan3A_130 : i32 to index
            %swap3A_191 = arith.index_cast %mul3A_189 : i32 to index
            %swap3A_192 = tpu.vector_load %arg12[%swap3A_190, %swap3A_191] {strides = array<i32>} : memref<32x768xf32, #tpu.memory_space<vmem>>, vector<16xf32>,
            tpu.vector_store %arg12[%swap3A_190, %swap3A_191], %add3A_187 {strides = array<i32>} : memref<32x768xf32, #tpu.memory_space<vmem>>, vector<16xf32>,
            %add3A_193 = arith.addf %add3A_172, %add3A_187 : vector<16xf32>
            %mul3A_194 = arith.mulf %add3A_187, %add3A_187 : vector<16xf32>
            %add3A_195 = arith.addf %add3A_174, %mul3A_194 : vector<16xf32>
            %scan3A_196 = arith.constant 2 : i32
            %scan3A_197 = arith.addi %scan3A_153, %scan3A_196 : i32
            %mul3A_198 = arith.constant 16 : i32
            %mul3A_199 = arith.muli %scan3A_197, %mul3A_198 : i32
            %get3A_200 = arith.index_cast %scan3A_130 : i32 to index
            %get3A_201 = arith.index_cast %mul3A_199 : i32 to index
            %get3A_202 = tpu.vector_load %arg12[%get3A_200, %get3A_201] {strides = array<i32>} : memref<32x768xf32, #tpu.memory_space<vmem>>, vector<16xf32>,
            %mul3A_203 = arith.constant 16 : i32
            %mul3A_204 = arith.muli %scan3A_197, %mul3A_203 : i32
            %get3A_205 = arith.index_cast %get3A_135 : i32 to index
            %get3A_206 = arith.index_cast %mul3A_204 : i32 to index
            %get3A_207 = tpu.vector_load %arg14[%get3A_205, %get3A_206] {strides = array<i32>} : memref<64x768xf32, #tpu.memory_space<vmem>>, vector<16xf32>,
            %add3A_208 = arith.addf %get3A_202, %get3A_207 : vector<16xf32>
            %mul3A_209 = arith.constant 16 : i32
            %mul3A_210 = arith.muli %scan3A_197, %mul3A_209 : i32
            %swap3A_211 = arith.index_cast %scan3A_130 : i32 to index
            %swap3A_212 = arith.index_cast %mul3A_210 : i32 to index
            %swap3A_213 = tpu.vector_load %arg12[%swap3A_211, %swap3A_212] {strides = array<i32>} : memref<32x768xf32, #tpu.memory_space<vmem>>, vector<16xf32>,
            tpu.vector_store %arg12[%swap3A_211, %swap3A_212], %add3A_208 {strides = array<i32>} : memref<32x768xf32, #tpu.memory_space<vmem>>, vector<16xf32>,
            %add3A_214 = arith.addf %add3A_193, %add3A_208 : vector<16xf32>
            %mul3A_215 = arith.mulf %add3A_208, %add3A_208 : vector<16xf32>
            %add3A_216 = arith.addf %add3A_195, %mul3A_215 : vector<16xf32>
            %scan3A_217 = arith.constant 3 : i32
            %scan3A_218 = arith.addi %scan3A_153, %scan3A_217 : i32
            %mul3A_219 = arith.constant 16 : i32
            %mul3A_220 = arith.muli %scan3A_218, %mul3A_219 : i32
            %get3A_221 = arith.index_cast %scan3A_130 : i32 to index
            %get3A_222 = arith.index_cast %mul3A_220 : i32 to index
            %get3A_223 = tpu.vector_load %arg12[%get3A_221, %get3A_222] {strides = array<i32>} : memref<32x768xf32, #tpu.memory_space<vmem>>, vector<16xf32>,
            %mul3A_224 = arith.constant 16 : i32
            %mul3A_225 = arith.muli %scan3A_218, %mul3A_224 : i32
            %get3A_226 = arith.index_cast %get3A_135 : i32 to index
            %get3A_227 = arith.index_cast %mul3A_225 : i32 to index
            %get3A_228 = tpu.vector_load %arg14[%get3A_226, %get3A_227] {strides = array<i32>} : memref<64x768xf32, #tpu.memory_space<vmem>>, vector<16xf32>,
            %add3A_229 = arith.addf %get3A_223, %get3A_228 : vector<16xf32>
            %mul3A_230 = arith.constant 16 : i32
            %mul3A_231 = arith.muli %scan3A_218, %mul3A_230 : i32
            %swap3A_232 = arith.index_cast %scan3A_130 : i32 to index
            %swap3A_233 = arith.index_cast %mul3A_231 : i32 to index
            %swap3A_234 = tpu.vector_load %arg12[%swap3A_232, %swap3A_233] {strides = array<i32>} : memref<32x768xf32, #tpu.memory_space<vmem>>, vector<16xf32>,
            tpu.vector_store %arg12[%swap3A_232, %swap3A_233], %add3A_229 {strides = array<i32>} : memref<32x768xf32, #tpu.memory_space<vmem>>, vector<16xf32>,
            %add3A_235 = arith.addf %add3A_214, %add3A_229 : vector<16xf32>
            %mul3A_236 = arith.mulf %add3A_229, %add3A_229 : vector<16xf32>
            %add3A_237 = arith.addf %add3A_216, %mul3A_236 : vector<16xf32>
            %scan3A_238 = arith.constant 4 : i32
            %scan3A_239 = arith.addi %scan3A_153, %scan3A_238 : i32
            %mul3A_240 = arith.constant 16 : i32
            %mul3A_241 = arith.muli %scan3A_239, %mul3A_240 : i32
            %get3A_242 = arith.index_cast %scan3A_130 : i32 to index
            %get3A_243 = arith.index_cast %mul3A_241 : i32 to index
            %get3A_244 = tpu.vector_load %arg12[%get3A_242, %get3A_243] {strides = array<i32>} : memref<32x768xf32, #tpu.memory_space<vmem>>, vector<16xf32>,
            %mul3A_245 = arith.constant 16 : i32
            %mul3A_246 = arith.muli %scan3A_239, %mul3A_245 : i32
            %get3A_247 = arith.index_cast %get3A_135 : i32 to index
            %get3A_248 = arith.index_cast %mul3A_246 : i32 to index
            %get3A_249 = tpu.vector_load %arg14[%get3A_247, %get3A_248] {strides = array<i32>} : memref<64x768xf32, #tpu.memory_space<vmem>>, vector<16xf32>,
            %add3A_250 = arith.addf %get3A_244, %get3A_249 : vector<16xf32>
            %mul3A_251 = arith.constant 16 : i32
            %mul3A_252 = arith.muli %scan3A_239, %mul3A_251 : i32
            %swap3A_253 = arith.index_cast %scan3A_130 : i32 to index
            %swap3A_254 = arith.index_cast %mul3A_252 : i32 to index
            %swap3A_255 = tpu.vector_load %arg12[%swap3A_253, %swap3A_254] {strides = array<i32>} : memref<32x768xf32, #tpu.memory_space<vmem>>, vector<16xf32>,
            tpu.vector_store %arg12[%swap3A_253, %swap3A_254], %add3A_250 {strides = array<i32>} : memref<32x768xf32, #tpu.memory_space<vmem>>, vector<16xf32>,
            %add3A_256 = arith.addf %add3A_235, %add3A_250 : vector<16xf32>
            %mul3A_257 = arith.mulf %add3A_250, %add3A_250 : vector<16xf32>
            %add3A_258 = arith.addf %add3A_237, %mul3A_257 : vector<16xf32>
            %scan3A_259 = arith.constant 5 : i32
            %scan3A_260 = arith.addi %scan3A_153, %scan3A_259 : i32
            %mul3A_261 = arith.constant 16 : i32
            %mul3A_262 = arith.muli %scan3A_260, %mul3A_261 : i32
            %get3A_263 = arith.index_cast %scan3A_130 : i32 to index
            %get3A_264 = arith.index_cast %mul3A_262 : i32 to index
            %get3A_265 = tpu.vector_load %arg12[%get3A_263, %get3A_264] {strides = array<i32>} : memref<32x768xf32, #tpu.memory_space<vmem>>, vector<16xf32>,
            %mul3A_266 = arith.constant 16 : i32
            %mul3A_267 = arith.muli %scan3A_260, %mul3A_266 : i32
            %get3A_268 = arith.index_cast %get3A_135 : i32 to index
            %get3A_269 = arith.index_cast %mul3A_267 : i32 to index
            %get3A_270 = tpu.vector_load %arg14[%get3A_268, %get3A_269] {strides = array<i32>} : memref<64x768xf32, #tpu.memory_space<vmem>>, vector<16xf32>,
            %add3A_271 = arith.addf %get3A_265, %get3A_270 : vector<16xf32>
            %mul3A_272 = arith.constant 16 : i32
            %mul3A_273 = arith.muli %scan3A_260, %mul3A_272 : i32
            %swap3A_274 = arith.index_cast %scan3A_130 : i32 to index
            %swap3A_275 = arith.index_cast %mul3A_273 : i32 to index
            %swap3A_276 = tpu.vector_load %arg12[%swap3A_274, %swap3A_275] {strides = array<i32>} : memref<32x768xf32, #tpu.memory_space<vmem>>, vector<16xf32>,
            tpu.vector_store %arg12[%swap3A_274, %swap3A_275], %add3A_271 {strides = array<i32>} : memref<32x768xf32, #tpu.memory_space<vmem>>, vector<16xf32>,
            %add3A_277 = arith.addf %add3A_256, %add3A_271 : vector<16xf32>
            %mul3A_278 = arith.mulf %add3A_271, %add3A_271 : vector<16xf32>
            %add3A_279 = arith.addf %add3A_258, %mul3A_278 : vector<16xf32>
            %scan3A_280 = arith.constant 6 : i32
            %scan3A_281 = arith.addi %scan3A_153, %scan3A_280 : i32
            %mul3A_282 = arith.constant 16 : i32
            %mul3A_283 = arith.muli %scan3A_281, %mul3A_282 : i32
            %get3A_284 = arith.index_cast %scan3A_130 : i32 to index
            %get3A_285 = arith.index_cast %mul3A_283 : i32 to index
            %get3A_286 = tpu.vector_load %arg12[%get3A_284, %get3A_285] {strides = array<i32>} : memref<32x768xf32, #tpu.memory_space<vmem>>, vector<16xf32>,
            %mul3A_287 = arith.constant 16 : i32
            %mul3A_288 = arith.muli %scan3A_281, %mul3A_287 : i32
            %get3A_289 = arith.index_cast %get3A_135 : i32 to index
            %get3A_290 = arith.index_cast %mul3A_288 : i32 to index
            %get3A_291 = tpu.vector_load %arg14[%get3A_289, %get3A_290] {strides = array<i32>} : memref<64x768xf32, #tpu.memory_space<vmem>>, vector<16xf32>,
            %add3A_292 = arith.addf %get3A_286, %get3A_291 : vector<16xf32>
            %mul3A_293 = arith.constant 16 : i32
            %mul3A_294 = arith.muli %scan3A_281, %mul3A_293 : i32
            %swap3A_295 = arith.index_cast %scan3A_130 : i32 to index
            %swap3A_296 = arith.index_cast %mul3A_294 : i32 to index
            %swap3A_297 = tpu.vector_load %arg12[%swap3A_295, %swap3A_296] {strides = array<i32>} : memref<32x768xf32, #tpu.memory_space<vmem>>, vector<16xf32>,
            tpu.vector_store %arg12[%swap3A_295, %swap3A_296], %add3A_292 {strides = array<i32>} : memref<32x768xf32, #tpu.memory_space<vmem>>, vector<16xf32>,
            %add3A_298 = arith.addf %add3A_277, %add3A_292 : vector<16xf32>
            %mul3A_299 = arith.mulf %add3A_292, %add3A_292 : vector<16xf32>
            %add3A_300 = arith.addf %add3A_279, %mul3A_299 : vector<16xf32>
            %scan3A_301 = arith.constant 7 : i32
            %scan3A_302 = arith.addi %scan3A_153, %scan3A_301 : i32
            %mul3A_303 = arith.constant 16 : i32
            %mul3A_304 = arith.muli %scan3A_302, %mul3A_303 : i32
            %get3A_305 = arith.index_cast %scan3A_130 : i32 to index
            %get3A_306 = arith.index_cast %mul3A_304 : i32 to index
            %get3A_307 = tpu.vector_load %arg12[%get3A_305, %get3A_306] {strides = array<i32>} : memref<32x768xf32, #tpu.memory_space<vmem>>, vector<16xf32>,
            %mul3A_308 = arith.constant 16 : i32
            %mul3A_309 = arith.muli %scan3A_302, %mul3A_308 : i32
            %get3A_310 = arith.index_cast %get3A_135 : i32 to index
            %get3A_311 = arith.index_cast %mul3A_309 : i32 to index
            %get3A_312 = tpu.vector_load %arg14[%get3A_310, %get3A_311] {strides = array<i32>} : memref<64x768xf32, #tpu.memory_space<vmem>>, vector<16xf32>,
            %add3A_313 = arith.addf %get3A_307, %get3A_312 : vector<16xf32>
            %mul3A_314 = arith.constant 16 : i32
            %mul3A_315 = arith.muli %scan3A_302, %mul3A_314 : i32
            %swap3A_316 = arith.index_cast %scan3A_130 : i32 to index
            %swap3A_317 = arith.index_cast %mul3A_315 : i32 to index
            %swap3A_318 = tpu.vector_load %arg12[%swap3A_316, %swap3A_317] {strides = array<i32>} : memref<32x768xf32, #tpu.memory_space<vmem>>, vector<16xf32>,
            tpu.vector_store %arg12[%swap3A_316, %swap3A_317], %add3A_313 {strides = array<i32>} : memref<32x768xf32, #tpu.memory_space<vmem>>, vector<16xf32>,
            %add3A_319 = arith.addf %add3A_298, %add3A_313 : vector<16xf32>
            %mul3A_320 = arith.mulf %add3A_313, %add3A_313 : vector<16xf32>
            %add3A_321 = arith.addf %add3A_300, %mul3A_320 : vector<16xf32>
            scf.yield %add3A_319, %add3A_321 : vector<16xf32>, vector<16xf32>
          }
          %scan3A_143 = arith.constant 48 : i32
          %slice3A_144 = vector.extract_strided_slice %scan3A_142#0 {offsets = [0], sizes = [1], strides = [1]} : vector<16xf32> to vector<1xf32>
          %squeeze3A_145 = vector.extract %slice3A_144[0] : f32 from vector<1xf32>
          %swap3A_146 = arith.index_cast %scan3A_130 : i32 to index
          %swap3A_147 = memref.load %arg18[%swap3A_146] : memref<32xf32, #tpu.memory_space<smem>>
          memref.store %squeeze3A_145, %arg18[%swap3A_146] : memref<32xf32, #tpu.memory_space<smem>>
          %slice3A_148 = vector.extract_strided_slice %scan3A_142#1 {offsets = [0], sizes = [1], strides = [1]} : vector<16xf32> to vector<1xf32>
          %squeeze3A_149 = vector.extract %slice3A_148[0] : f32 from vector<1xf32>
          %swap3A_150 = arith.index_cast %scan3A_130 : i32 to index
          %swap3A_151 = memref.load %arg19[%swap3A_150] : memref<32xf32, #tpu.memory_space<smem>>
          memref.store %squeeze3A_149, %arg19[%swap3A_150] : memref<32xf32, #tpu.memory_space<smem>>
          %scan3A_152 = arith.constant 0 : i32
          scf.yield %scan3A_152 : i32
        }
        %scan3A_77 = arith.constant 32 : i32
        %dma_start3A_78 = arith.constant 0 : i32
        %dma_start3A_79 = tpu.memref_slice %arg9[%add3A_53, %dma_start3A_78] : memref<131072x768xf32, #tpu.memory_space<hbm>> -> memref<32x768xf32, #tpu.memory_space<hbm>>
        %dma_start3A_80 = arith.constant 0 : i32
        %dma_start3A_81 = tpu.memref_slice %arg9[%add3A_53, %dma_start3A_80] : memref<131072x768xf32, #tpu.memory_space<hbm>> -> memref<32x768xf32, #tpu.memory_space<hbm>>
        tpu.enqueue_dma source(%arg12 : memref<32x768xf32, #tpu.memory_space<vmem>>) target(%dma_start3A_81 : memref<32x768xf32, #tpu.memory_space<hbm>>) target_semaphore(%arg22 : memref<!tpu.dma_semaphore, #tpu.memory_space<semaphore_mem>>)
        %dma_wait3A_82 = arith.constant 0 : i32
        %dma_wait3A_83 = tpu.memref_slice %arg10[%add3A_47, %dma_wait3A_82] : memref<8x32xi32, #tpu.memory_space<vmem>> -> memref<1x32xi32, #tpu.memory_space<vmem>>
        %dma_wait3A_84 = tpu.memref_squeeze %dma_wait3A_83 : memref<1x32xi32, #tpu.memory_space<vmem>> -> memref<32xi32, #tpu.memory_space<vmem>>
        %dma_wait3A_85 = arith.constant 0 : i32
        %dma_wait3A_86 = arith.constant 0 : i32
        %dma_wait3A_87 = tpu.memref_slice %arg4[%dma_wait3A_85, %dma_wait3A_86] : memref<32000x768xf32, #tpu.memory_space<hbm>> -> memref<32000x768xf32, #tpu.memory_space<hbm>>
        tpu.wait_indirect_dma semaphore(%arg21 : memref<!tpu.dma_semaphore, #tpu.memory_space<semaphore_mem>>) src(%dma_wait3A_87 : memref<32000x768xf32, #tpu.memory_space<hbm>>) dst(%arg13 : memref<32x768xf32, #tpu.memory_space<vmem>>)
        %scan3A_88 = arith.constant 0 : i32
        %scan3A_89 = arith.constant 0 : i32
        %scan3A_90 = arith.constant 32 : i32
        %scan3A_91 = arith.addi %scan3A_89, %scan3A_90 : i32
        %scan3A_92 = arith.constant 2 : i32
        %scan3A_93 = scf.for %scan3A_110 = %scan3A_89 to %scan3A_91 step %scan3A_92 iter_args(%scan3A_111 = %scan3A_88) -> (i32)  : i32 {
          %mul3A_112 = arith.constant 32 : i32
          %mul3A_113 = arith.muli %add3A_47, %mul3A_112 : i32
          %add3A_114 = arith.addi %mul3A_113, %scan3A_110 : i32
          %get3A = arith.index_cast %add3A_114 : i32 to index
          %get3A_115 = memref.load %arg17[%get3A] : memref<256xi32, #tpu.memory_space<smem>>
          %broadcast_in_dim3A = arith.constant 0.000000e+00 : f32
          %broadcast_in_dim3A_116 = vector.broadcast %broadcast_in_dim3A : f32 to vector<16xf32>
          %scan3A_117 = arith.constant 0 : i32
          %scan3A_118 = arith.constant 48 : i32
          %scan3A_119 = arith.addi %scan3A_117, %scan3A_118 : i32
          %scan3A_120 = arith.constant 8 : i32
          %scan3A_121:2 = scf.for %scan3A_153 = %scan3A_117 to %scan3A_119 step %scan3A_120 iter_args(%scan3A_154 = %broadcast_in_dim3A_116, %scan3A_155 = %broadcast_in_dim3A_116) -> (vector<16xf32>, vector<16xf32>)  : i32 {
            %mul3A_156 = arith.constant 16 : i32
            %mul3A_157 = arith.muli %scan3A_153, %mul3A_156 : i32
            %get3A_158 = arith.index_cast %scan3A_110 : i32 to index
            %get3A_159 = arith.index_cast %mul3A_157 : i32 to index
            %get3A_160 = tpu.vector_load %arg13[%get3A_158, %get3A_159] {strides = array<i32>} : memref<32x768xf32, #tpu.memory_space<vmem>>, vector<16xf32>,
            %mul3A_161 = arith.constant 16 : i32
            %mul3A_162 = arith.muli %scan3A_153, %mul3A_161 : i32
            %get3A_163 = arith.index_cast %get3A_115 : i32 to index
            %get3A_164 = arith.index_cast %mul3A_162 : i32 to index
            %get3A_165 = tpu.vector_load %arg14[%get3A_163, %get3A_164] {strides = array<i32>} : memref<64x768xf32, #tpu.memory_space<vmem>>, vector<16xf32>,
            %add3A_166 = arith.addf %get3A_160, %get3A_165 : vector<16xf32>
            %mul3A_167 = arith.constant 16 : i32
            %mul3A_168 = arith.muli %scan3A_153, %mul3A_167 : i32
            %swap3A_169 = arith.index_cast %scan3A_110 : i32 to index
            %swap3A_170 = arith.index_cast %mul3A_168 : i32 to index
            %swap3A_171 = tpu.vector_load %arg13[%swap3A_169, %swap3A_170] {strides = array<i32>} : memref<32x768xf32, #tpu.memory_space<vmem>>, vector<16xf32>,
            tpu.vector_store %arg13[%swap3A_169, %swap3A_170], %add3A_166 {strides = array<i32>} : memref<32x768xf32, #tpu.memory_space<vmem>>, vector<16xf32>,
            %add3A_172 = arith.addf %scan3A_154, %add3A_166 : vector<16xf32>
            %mul3A_173 = arith.mulf %add3A_166, %add3A_166 : vector<16xf32>
            %add3A_174 = arith.addf %scan3A_155, %mul3A_173 : vector<16xf32>
            %scan3A_175 = arith.constant 1 : i32
            %scan3A_176 = arith.addi %scan3A_153, %scan3A_175 : i32
            %mul3A_177 = arith.constant 16 : i32
            %mul3A_178 = arith.muli %scan3A_176, %mul3A_177 : i32
            %get3A_179 = arith.index_cast %scan3A_110 : i32 to index
            %get3A_180 = arith.index_cast %mul3A_178 : i32 to index
            %get3A_181 = tpu.vector_load %arg13[%get3A_179, %get3A_180] {strides = array<i32>} : memref<32x768xf32, #tpu.memory_space<vmem>>, vector<16xf32>,
            %mul3A_182 = arith.constant 16 : i32
            %mul3A_183 = arith.muli %scan3A_176, %mul3A_182 : i32
            %get3A_184 = arith.index_cast %get3A_115 : i32 to index
            %get3A_185 = arith.index_cast %mul3A_183 : i32 to index
            %get3A_186 = tpu.vector_load %arg14[%get3A_184, %get3A_185] {strides = array<i32>} : memref<64x768xf32, #tpu.memory_space<vmem>>, vector<16xf32>,
            %add3A_187 = arith.addf %get3A_181, %get3A_186 : vector<16xf32>
            %mul3A_188 = arith.constant 16 : i32
            %mul3A_189 = arith.muli %scan3A_176, %mul3A_188 : i32
            %swap3A_190 = arith.index_cast %scan3A_110 : i32 to index
            %swap3A_191 = arith.index_cast %mul3A_189 : i32 to index
            %swap3A_192 = tpu.vector_load %arg13[%swap3A_190, %swap3A_191] {strides = array<i32>} : memref<32x768xf32, #tpu.memory_space<vmem>>, vector<16xf32>,
            tpu.vector_store %arg13[%swap3A_190, %swap3A_191], %add3A_187 {strides = array<i32>} : memref<32x768xf32, #tpu.memory_space<vmem>>, vector<16xf32>,
            %add3A_193 = arith.addf %add3A_172, %add3A_187 : vector<16xf32>
            %mul3A_194 = arith.mulf %add3A_187, %add3A_187 : vector<16xf32>
            %add3A_195 = arith.addf %add3A_174, %mul3A_194 : vector<16xf32>
            %scan3A_196 = arith.constant 2 : i32
            %scan3A_197 = arith.addi %scan3A_153, %scan3A_196 : i32
            %mul3A_198 = arith.constant 16 : i32
            %mul3A_199 = arith.muli %scan3A_197, %mul3A_198 : i32
            %get3A_200 = arith.index_cast %scan3A_110 : i32 to index
            %get3A_201 = arith.index_cast %mul3A_199 : i32 to index
            %get3A_202 = tpu.vector_load %arg13[%get3A_200, %get3A_201] {strides = array<i32>} : memref<32x768xf32, #tpu.memory_space<vmem>>, vector<16xf32>,
            %mul3A_203 = arith.constant 16 : i32
            %mul3A_204 = arith.muli %scan3A_197, %mul3A_203 : i32
            %get3A_205 = arith.index_cast %get3A_115 : i32 to index
            %get3A_206 = arith.index_cast %mul3A_204 : i32 to index
            %get3A_207 = tpu.vector_load %arg14[%get3A_205, %get3A_206] {strides = array<i32>} : memref<64x768xf32, #tpu.memory_space<vmem>>, vector<16xf32>,
            %add3A_208 = arith.addf %get3A_202, %get3A_207 : vector<16xf32>
            %mul3A_209 = arith.constant 16 : i32
            %mul3A_210 = arith.muli %scan3A_197, %mul3A_209 : i32
            %swap3A_211 = arith.index_cast %scan3A_110 : i32 to index
            %swap3A_212 = arith.index_cast %mul3A_210 : i32 to index
            %swap3A_213 = tpu.vector_load %arg13[%swap3A_211, %swap3A_212] {strides = array<i32>} : memref<32x768xf32, #tpu.memory_space<vmem>>, vector<16xf32>,
            tpu.vector_store %arg13[%swap3A_211, %swap3A_212], %add3A_208 {strides = array<i32>} : memref<32x768xf32, #tpu.memory_space<vmem>>, vector<16xf32>,
            %add3A_214 = arith.addf %add3A_193, %add3A_208 : vector<16xf32>
            %mul3A_215 = arith.mulf %add3A_208, %add3A_208 : vector<16xf32>
            %add3A_216 = arith.addf %add3A_195, %mul3A_215 : vector<16xf32>
            %scan3A_217 = arith.constant 3 : i32
            %scan3A_218 = arith.addi %scan3A_153, %scan3A_217 : i32
            %mul3A_219 = arith.constant 16 : i32
            %mul3A_220 = arith.muli %scan3A_218, %mul3A_219 : i32
            %get3A_221 = arith.index_cast %scan3A_110 : i32 to index
            %get3A_222 = arith.index_cast %mul3A_220 : i32 to index
            %get3A_223 = tpu.vector_load %arg13[%get3A_221, %get3A_222] {strides = array<i32>} : memref<32x768xf32, #tpu.memory_space<vmem>>, vector<16xf32>,
            %mul3A_224 = arith.constant 16 : i32
            %mul3A_225 = arith.muli %scan3A_218, %mul3A_224 : i32
            %get3A_226 = arith.index_cast %get3A_115 : i32 to index
            %get3A_227 = arith.index_cast %mul3A_225 : i32 to index
            %get3A_228 = tpu.vector_load %arg14[%get3A_226, %get3A_227] {strides = array<i32>} : memref<64x768xf32, #tpu.memory_space<vmem>>, vector<16xf32>,
            %add3A_229 = arith.addf %get3A_223, %get3A_228 : vector<16xf32>
            %mul3A_230 = arith.constant 16 : i32
            %mul3A_231 = arith.muli %scan3A_218, %mul3A_230 : i32
            %swap3A_232 = arith.index_cast %scan3A_110 : i32 to index
            %swap3A_233 = arith.index_cast %mul3A_231 : i32 to index
            %swap3A_234 = tpu.vector_load %arg13[%swap3A_232, %swap3A_233] {strides = array<i32>} : memref<32x768xf32, #tpu.memory_space<vmem>>, vector<16xf32>,
            tpu.vector_store %arg13[%swap3A_232, %swap3A_233], %add3A_229 {strides = array<i32>} : memref<32x768xf32, #tpu.memory_space<vmem>>, vector<16xf32>,
            %add3A_235 = arith.addf %add3A_214, %add3A_229 : vector<16xf32>
            %mul3A_236 = arith.mulf %add3A_229, %add3A_229 : vector<16xf32>
            %add3A_237 = arith.addf %add3A_216, %mul3A_236 : vector<16xf32>
            %scan3A_238 = arith.constant 4 : i32
            %scan3A_239 = arith.addi %scan3A_153, %scan3A_238 : i32
            %mul3A_240 = arith.constant 16 : i32
            %mul3A_241 = arith.muli %scan3A_239, %mul3A_240 : i32
            %get3A_242 = arith.index_cast %scan3A_110 : i32 to index
            %get3A_243 = arith.index_cast %mul3A_241 : i32 to index
            %get3A_244 = tpu.vector_load %arg13[%get3A_242, %get3A_243] {strides = array<i32>} : memref<32x768xf32, #tpu.memory_space<vmem>>, vector<16xf32>,
            %mul3A_245 = arith.constant 16 : i32
            %mul3A_246 = arith.muli %scan3A_239, %mul3A_245 : i32
            %get3A_247 = arith.index_cast %get3A_115 : i32 to index
            %get3A_248 = arith.index_cast %mul3A_246 : i32 to index
            %get3A_249 = tpu.vector_load %arg14[%get3A_247, %get3A_248] {strides = array<i32>} : memref<64x768xf32, #tpu.memory_space<vmem>>, vector<16xf32>,
            %add3A_250 = arith.addf %get3A_244, %get3A_249 : vector<16xf32>
            %mul3A_251 = arith.constant 16 : i32
            %mul3A_252 = arith.muli %scan3A_239, %mul3A_251 : i32
            %swap3A_253 = arith.index_cast %scan3A_110 : i32 to index
            %swap3A_254 = arith.index_cast %mul3A_252 : i32 to index
            %swap3A_255 = tpu.vector_load %arg13[%swap3A_253, %swap3A_254] {strides = array<i32>} : memref<32x768xf32, #tpu.memory_space<vmem>>, vector<16xf32>,
            tpu.vector_store %arg13[%swap3A_253, %swap3A_254], %add3A_250 {strides = array<i32>} : memref<32x768xf32, #tpu.memory_space<vmem>>, vector<16xf32>,
            %add3A_256 = arith.addf %add3A_235, %add3A_250 : vector<16xf32>
            %mul3A_257 = arith.mulf %add3A_250, %add3A_250 : vector<16xf32>
            %add3A_258 = arith.addf %add3A_237, %mul3A_257 : vector<16xf32>
            %scan3A_259 = arith.constant 5 : i32
            %scan3A_260 = arith.addi %scan3A_153, %scan3A_259 : i32
            %mul3A_261 = arith.constant 16 : i32
            %mul3A_262 = arith.muli %scan3A_260, %mul3A_261 : i32
            %get3A_263 = arith.index_cast %scan3A_110 : i32 to index
            %get3A_264 = arith.index_cast %mul3A_262 : i32 to index
            %get3A_265 = tpu.vector_load %arg13[%get3A_263, %get3A_264] {strides = array<i32>} : memref<32x768xf32, #tpu.memory_space<vmem>>, vector<16xf32>,
            %mul3A_266 = arith.constant 16 : i32
            %mul3A_267 = arith.muli %scan3A_260, %mul3A_266 : i32
            %get3A_268 = arith.index_cast %get3A_115 : i32 to index
            %get3A_269 = arith.index_cast %mul3A_267 : i32 to index
            %get3A_270 = tpu.vector_load %arg14[%get3A_268, %get3A_269] {strides = array<i32>} : memref<64x768xf32, #tpu.memory_space<vmem>>, vector<16xf32>,
            %add3A_271 = arith.addf %get3A_265, %get3A_270 : vector<16xf32>
            %mul3A_272 = arith.constant 16 : i32
            %mul3A_273 = arith.muli %scan3A_260, %mul3A_272 : i32
            %swap3A_274 = arith.index_cast %scan3A_110 : i32 to index
            %swap3A_275 = arith.index_cast %mul3A_273 : i32 to index
            %swap3A_276 = tpu.vector_load %arg13[%swap3A_274, %swap3A_275] {strides = array<i32>} : memref<32x768xf32, #tpu.memory_space<vmem>>, vector<16xf32>,
            tpu.vector_store %arg13[%swap3A_274, %swap3A_275], %add3A_271 {strides = array<i32>} : memref<32x768xf32, #tpu.memory_space<vmem>>, vector<16xf32>,
            %add3A_277 = arith.addf %add3A_256, %add3A_271 : vector<16xf32>
            %mul3A_278 = arith.mulf %add3A_271, %add3A_271 : vector<16xf32>
            %add3A_279 = arith.addf %add3A_258, %mul3A_278 : vector<16xf32>
            %scan3A_280 = arith.constant 6 : i32
            %scan3A_281 = arith.addi %scan3A_153, %scan3A_280 : i32
            %mul3A_282 = arith.constant 16 : i32
            %mul3A_283 = arith.muli %scan3A_281, %mul3A_282 : i32
            %get3A_284 = arith.index_cast %scan3A_110 : i32 to index
            %get3A_285 = arith.index_cast %mul3A_283 : i32 to index
            %get3A_286 = tpu.vector_load %arg13[%get3A_284, %get3A_285] {strides = array<i32>} : memref<32x768xf32, #tpu.memory_space<vmem>>, vector<16xf32>,
            %mul3A_287 = arith.constant 16 : i32
            %mul3A_288 = arith.muli %scan3A_281, %mul3A_287 : i32
            %get3A_289 = arith.index_cast %get3A_115 : i32 to index
            %get3A_290 = arith.index_cast %mul3A_288 : i32 to index
            %get3A_291 = tpu.vector_load %arg14[%get3A_289, %get3A_290] {strides = array<i32>} : memref<64x768xf32, #tpu.memory_space<vmem>>, vector<16xf32>,
            %add3A_292 = arith.addf %get3A_286, %get3A_291 : vector<16xf32>
            %mul3A_293 = arith.constant 16 : i32
            %mul3A_294 = arith.muli %scan3A_281, %mul3A_293 : i32
            %swap3A_295 = arith.index_cast %scan3A_110 : i32 to index
            %swap3A_296 = arith.index_cast %mul3A_294 : i32 to index
            %swap3A_297 = tpu.vector_load %arg13[%swap3A_295, %swap3A_296] {strides = array<i32>} : memref<32x768xf32, #tpu.memory_space<vmem>>, vector<16xf32>,
            tpu.vector_store %arg13[%swap3A_295, %swap3A_296], %add3A_292 {strides = array<i32>} : memref<32x768xf32, #tpu.memory_space<vmem>>, vector<16xf32>,
            %add3A_298 = arith.addf %add3A_277, %add3A_292 : vector<16xf32>
            %mul3A_299 = arith.mulf %add3A_292, %add3A_292 : vector<16xf32>
            %add3A_300 = arith.addf %add3A_279, %mul3A_299 : vector<16xf32>
            %scan3A_301 = arith.constant 7 : i32
            %scan3A_302 = arith.addi %scan3A_153, %scan3A_301 : i32
            %mul3A_303 = arith.constant 16 : i32
            %mul3A_304 = arith.muli %scan3A_302, %mul3A_303 : i32
            %get3A_305 = arith.index_cast %scan3A_110 : i32 to index
            %get3A_306 = arith.index_cast %mul3A_304 : i32 to index
            %get3A_307 = tpu.vector_load %arg13[%get3A_305, %get3A_306] {strides = array<i32>} : memref<32x768xf32, #tpu.memory_space<vmem>>, vector<16xf32>,
            %mul3A_308 = arith.constant 16 : i32
            %mul3A_309 = arith.muli %scan3A_302, %mul3A_308 : i32
            %get3A_310 = arith.index_cast %get3A_115 : i32 to index
            %get3A_311 = arith.index_cast %mul3A_309 : i32 to index
            %get3A_312 = tpu.vector_load %arg14[%get3A_310, %get3A_311] {strides = array<i32>} : memref<64x768xf32, #tpu.memory_space<vmem>>, vector<16xf32>,
            %add3A_313 = arith.addf %get3A_307, %get3A_312 : vector<16xf32>
            %mul3A_314 = arith.constant 16 : i32
            %mul3A_315 = arith.muli %scan3A_302, %mul3A_314 : i32
            %swap3A_316 = arith.index_cast %scan3A_110 : i32 to index
            %swap3A_317 = arith.index_cast %mul3A_315 : i32 to index
            %swap3A_318 = tpu.vector_load %arg13[%swap3A_316, %swap3A_317] {strides = array<i32>} : memref<32x768xf32, #tpu.memory_space<vmem>>, vector<16xf32>,
            tpu.vector_store %arg13[%swap3A_316, %swap3A_317], %add3A_313 {strides = array<i32>} : memref<32x768xf32, #tpu.memory_space<vmem>>, vector<16xf32>,
            %add3A_319 = arith.addf %add3A_298, %add3A_313 : vector<16xf32>
            %mul3A_320 = arith.mulf %add3A_313, %add3A_313 : vector<16xf32>
            %add3A_321 = arith.addf %add3A_300, %mul3A_320 : vector<16xf32>
            scf.yield %add3A_319, %add3A_321 : vector<16xf32>, vector<16xf32>
          }
          %scan3A_122 = arith.constant 48 : i32
          %slice3A = vector.extract_strided_slice %scan3A_121#0 {offsets = [0], sizes = [1], strides = [1]} : vector<16xf32> to vector<1xf32>
          %squeeze3A = vector.extract %slice3A[0] : f32 from vector<1xf32>
          %swap3A = arith.index_cast %scan3A_110 : i32 to index
          %swap3A_123 = memref.load %arg18[%swap3A] : memref<32xf32, #tpu.memory_space<smem>>
          memref.store %squeeze3A, %arg18[%swap3A] : memref<32xf32, #tpu.memory_space<smem>>
          %slice3A_124 = vector.extract_strided_slice %scan3A_121#1 {offsets = [0], sizes = [1], strides = [1]} : vector<16xf32> to vector<1xf32>
          %squeeze3A_125 = vector.extract %slice3A_124[0] : f32 from vector<1xf32>
          %swap3A_126 = arith.index_cast %scan3A_110 : i32 to index
          %swap3A_127 = memref.load %arg19[%swap3A_126] : memref<32xf32, #tpu.memory_space<smem>>
          memref.store %squeeze3A_125, %arg19[%swap3A_126] : memref<32xf32, #tpu.memory_space<smem>>
          %scan3A_128 = arith.constant 0 : i32
          %scan3A_129 = arith.constant 1 : i32
          %scan3A_130 = arith.addi %scan3A_110, %scan3A_129 : i32
          %mul3A_131 = arith.constant 32 : i32
          %mul3A_132 = arith.muli %add3A_47, %mul3A_131 : i32
          %add3A_133 = arith.addi %mul3A_132, %scan3A_130 : i32
          %get3A_134 = arith.index_cast %add3A_133 : i32 to index
          %get3A_135 = memref.load %arg17[%get3A_134] : memref<256xi32, #tpu.memory_space<smem>>
          %broadcast_in_dim3A_136 = arith.constant 0.000000e+00 : f32
          %broadcast_in_dim3A_137 = vector.broadcast %broadcast_in_dim3A_136 : f32 to vector<16xf32>
          %scan3A_138 = arith.constant 0 : i32
          %scan3A_139 = arith.constant 48 : i32
          %scan3A_140 = arith.addi %scan3A_138, %scan3A_139 : i32
          %scan3A_141 = arith.constant 8 : i32
          %scan3A_142:2 = scf.for %scan3A_153 = %scan3A_138 to %scan3A_140 step %scan3A_141 iter_args(%scan3A_154 = %broadcast_in_dim3A_137, %scan3A_155 = %broadcast_in_dim3A_137) -> (vector<16xf32>, vector<16xf32>)  : i32 {
            %mul3A_156 = arith.constant 16 : i32
            %mul3A_157 = arith.muli %scan3A_153, %mul3A_156 : i32
            %get3A_158 = arith.index_cast %scan3A_130 : i32 to index
            %get3A_159 = arith.index_cast %mul3A_157 : i32 to index
            %get3A_160 = tpu.vector_load %arg13[%get3A_158, %get3A_159] {strides = array<i32>} : memref<32x768xf32, #tpu.memory_space<vmem>>, vector<16xf32>,
            %mul3A_161 = arith.constant 16 : i32
            %mul3A_162 = arith.muli %scan3A_153, %mul3A_161 : i32
            %get3A_163 = arith.index_cast %get3A_135 : i32 to index
            %get3A_164 = arith.index_cast %mul3A_162 : i32 to index
            %get3A_165 = tpu.vector_load %arg14[%get3A_163, %get3A_164] {strides = array<i32>} : memref<64x768xf32, #tpu.memory_space<vmem>>, vector<16xf32>,
            %add3A_166 = arith.addf %get3A_160, %get3A_165 : vector<16xf32>
            %mul3A_167 = arith.constant 16 : i32
            %mul3A_168 = arith.muli %scan3A_153, %mul3A_167 : i32
            %swap3A_169 = arith.index_cast %scan3A_130 : i32 to index
            %swap3A_170 = arith.index_cast %mul3A_168 : i32 to index
            %swap3A_171 = tpu.vector_load %arg13[%swap3A_169, %swap3A_170] {strides = array<i32>} : memref<32x768xf32, #tpu.memory_space<vmem>>, vector<16xf32>,
            tpu.vector_store %arg13[%swap3A_169, %swap3A_170], %add3A_166 {strides = array<i32>} : memref<32x768xf32, #tpu.memory_space<vmem>>, vector<16xf32>,
            %add3A_172 = arith.addf %scan3A_154, %add3A_166 : vector<16xf32>
            %mul3A_173 = arith.mulf %add3A_166, %add3A_166 : vector<16xf32>
            %add3A_174 = arith.addf %scan3A_155, %mul3A_173 : vector<16xf32>
            %scan3A_175 = arith.constant 1 : i32
            %scan3A_176 = arith.addi %scan3A_153, %scan3A_175 : i32
            %mul3A_177 = arith.constant 16 : i32
            %mul3A_178 = arith.muli %scan3A_176, %mul3A_177 : i32
            %get3A_179 = arith.index_cast %scan3A_130 : i32 to index
            %get3A_180 = arith.index_cast %mul3A_178 : i32 to index
            %get3A_181 = tpu.vector_load %arg13[%get3A_179, %get3A_180] {strides = array<i32>} : memref<32x768xf32, #tpu.memory_space<vmem>>, vector<16xf32>,
            %mul3A_182 = arith.constant 16 : i32
            %mul3A_183 = arith.muli %scan3A_176, %mul3A_182 : i32
            %get3A_184 = arith.index_cast %get3A_135 : i32 to index
            %get3A_185 = arith.index_cast %mul3A_183 : i32 to index
            %get3A_186 = tpu.vector_load %arg14[%get3A_184, %get3A_185] {strides = array<i32>} : memref<64x768xf32, #tpu.memory_space<vmem>>, vector<16xf32>,
            %add3A_187 = arith.addf %get3A_181, %get3A_186 : vector<16xf32>
            %mul3A_188 = arith.constant 16 : i32
            %mul3A_189 = arith.muli %scan3A_176, %mul3A_188 : i32
            %swap3A_190 = arith.index_cast %scan3A_130 : i32 to index
            %swap3A_191 = arith.index_cast %mul3A_189 : i32 to index
            %swap3A_192 = tpu.vector_load %arg13[%swap3A_190, %swap3A_191] {strides = array<i32>} : memref<32x768xf32, #tpu.memory_space<vmem>>, vector<16xf32>,
            tpu.vector_store %arg13[%swap3A_190, %swap3A_191], %add3A_187 {strides = array<i32>} : memref<32x768xf32, #tpu.memory_space<vmem>>, vector<16xf32>,
            %add3A_193 = arith.addf %add3A_172, %add3A_187 : vector<16xf32>
            %mul3A_194 = arith.mulf %add3A_187, %add3A_187 : vector<16xf32>
            %add3A_195 = arith.addf %add3A_174, %mul3A_194 : vector<16xf32>
            %scan3A_196 = arith.constant 2 : i32
            %scan3A_197 = arith.addi %scan3A_153, %scan3A_196 : i32
            %mul3A_198 = arith.constant 16 : i32
            %mul3A_199 = arith.muli %scan3A_197, %mul3A_198 : i32
            %get3A_200 = arith.index_cast %scan3A_130 : i32 to index
            %get3A_201 = arith.index_cast %mul3A_199 : i32 to index
            %get3A_202 = tpu.vector_load %arg13[%get3A_200, %get3A_201] {strides = array<i32>} : memref<32x768xf32, #tpu.memory_space<vmem>>, vector<16xf32>,
            %mul3A_203 = arith.constant 16 : i32
            %mul3A_204 = arith.muli %scan3A_197, %mul3A_203 : i32
            %get3A_205 = arith.index_cast %get3A_135 : i32 to index
            %get3A_206 = arith.index_cast %mul3A_204 : i32 to index
            %get3A_207 = tpu.vector_load %arg14[%get3A_205, %get3A_206] {strides = array<i32>} : memref<64x768xf32, #tpu.memory_space<vmem>>, vector<16xf32>,
            %add3A_208 = arith.addf %get3A_202, %get3A_207 : vector<16xf32>
            %mul3A_209 = arith.constant 16 : i32
            %mul3A_210 = arith.muli %scan3A_197, %mul3A_209 : i32
            %swap3A_211 = arith.index_cast %scan3A_130 : i32 to index
            %swap3A_212 = arith.index_cast %mul3A_210 : i32 to index
            %swap3A_213 = tpu.vector_load %arg13[%swap3A_211, %swap3A_212] {strides = array<i32>} : memref<32x768xf32, #tpu.memory_space<vmem>>, vector<16xf32>,
            tpu.vector_store %arg13[%swap3A_211, %swap3A_212], %add3A_208 {strides = array<i32>} : memref<32x768xf32, #tpu.memory_space<vmem>>, vector<16xf32>,
            %add3A_214 = arith.addf %add3A_193, %add3A_208 : vector<16xf32>
            %mul3A_215 = arith.mulf %add3A_208, %add3A_208 : vector<16xf32>
            %add3A_216 = arith.addf %add3A_195, %mul3A_215 : vector<16xf32>
            %scan3A_217 = arith.constant 3 : i32
            %scan3A_218 = arith.addi %scan3A_153, %scan3A_217 : i32
            %mul3A_219 = arith.constant 16 : i32
            %mul3A_220 = arith.muli %scan3A_218, %mul3A_219 : i32
            %get3A_221 = arith.index_cast %scan3A_130 : i32 to index
            %get3A_222 = arith.index_cast %mul3A_220 : i32 to index
            %get3A_223 = tpu.vector_load %arg13[%get3A_221, %get3A_222] {strides = array<i32>} : memref<32x768xf32, #tpu.memory_space<vmem>>, vector<16xf32>,
            %mul3A_224 = arith.constant 16 : i32
            %mul3A_225 = arith.muli %scan3A_218, %mul3A_224 : i32
            %get3A_226 = arith.index_cast %get3A_135 : i32 to index
            %get3A_227 = arith.index_cast %mul3A_225 : i32 to index
            %get3A_228 = tpu.vector_load %arg14[%get3A_226, %get3A_227] {strides = array<i32>} : memref<64x768xf32, #tpu.memory_space<vmem>>, vector<16xf32>,
            %add3A_229 = arith.addf %get3A_223, %get3A_228 : vector<16xf32>
            %mul3A_230 = arith.constant 16 : i32
            %mul3A_231 = arith.muli %scan3A_218, %mul3A_230 : i32
            %swap3A_232 = arith.index_cast %scan3A_130 : i32 to index
            %swap3A_233 = arith.index_cast %mul3A_231 : i32 to index
            %swap3A_234 = tpu.vector_load %arg13[%swap3A_232, %swap3A_233] {strides = array<i32>} : memref<32x768xf32, #tpu.memory_space<vmem>>, vector<16xf32>,
            tpu.vector_store %arg13[%swap3A_232, %swap3A_233], %add3A_229 {strides = array<i32>} : memref<32x768xf32, #tpu.memory_space<vmem>>, vector<16xf32>,
            %add3A_235 = arith.addf %add3A_214, %add3A_229 : vector<16xf32>
            %mul3A_236 = arith.mulf %add3A_229, %add3A_229 : vector<16xf32>
            %add3A_237 = arith.addf %add3A_216, %mul3A_236 : vector<16xf32>
            %scan3A_238 = arith.constant 4 : i32
            %scan3A_239 = arith.addi %scan3A_153, %scan3A_238 : i32
            %mul3A_240 = arith.constant 16 : i32
            %mul3A_241 = arith.muli %scan3A_239, %mul3A_240 : i32
            %get3A_242 = arith.index_cast %scan3A_130 : i32 to index
            %get3A_243 = arith.index_cast %mul3A_241 : i32 to index
            %get3A_244 = tpu.vector_load %arg13[%get3A_242, %get3A_243] {strides = array<i32>} : memref<32x768xf32, #tpu.memory_space<vmem>>, vector<16xf32>,
            %mul3A_245 = arith.constant 16 : i32
            %mul3A_246 = arith.muli %scan3A_239, %mul3A_245 : i32
            %get3A_247 = arith.index_cast %get3A_135 : i32 to index
            %get3A_248 = arith.index_cast %mul3A_246 : i32 to index
            %get3A_249 = tpu.vector_load %arg14[%get3A_247, %get3A_248] {strides = array<i32>} : memref<64x768xf32, #tpu.memory_space<vmem>>, vector<16xf32>,
            %add3A_250 = arith.addf %get3A_244, %get3A_249 : vector<16xf32>
            %mul3A_251 = arith.constant 16 : i32
            %mul3A_252 = arith.muli %scan3A_239, %mul3A_251 : i32
            %swap3A_253 = arith.index_cast %scan3A_130 : i32 to index
            %swap3A_254 = arith.index_cast %mul3A_252 : i32 to index
            %swap3A_255 = tpu.vector_load %arg13[%swap3A_253, %swap3A_254] {strides = array<i32>} : memref<32x768xf32, #tpu.memory_space<vmem>>, vector<16xf32>,
            tpu.vector_store %arg13[%swap3A_253, %swap3A_254], %add3A_250 {strides = array<i32>} : memref<32x768xf32, #tpu.memory_space<vmem>>, vector<16xf32>,
            %add3A_256 = arith.addf %add3A_235, %add3A_250 : vector<16xf32>
            %mul3A_257 = arith.mulf %add3A_250, %add3A_250 : vector<16xf32>
            %add3A_258 = arith.addf %add3A_237, %mul3A_257 : vector<16xf32>
            %scan3A_259 = arith.constant 5 : i32
            %scan3A_260 = arith.addi %scan3A_153, %scan3A_259 : i32
            %mul3A_261 = arith.constant 16 : i32
            %mul3A_262 = arith.muli %scan3A_260, %mul3A_261 : i32
            %get3A_263 = arith.index_cast %scan3A_130 : i32 to index
            %get3A_264 = arith.index_cast %mul3A_262 : i32 to index
            %get3A_265 = tpu.vector_load %arg13[%get3A_263, %get3A_264] {strides = array<i32>} : memref<32x768xf32, #tpu.memory_space<vmem>>, vector<16xf32>,
            %mul3A_266 = arith.constant 16 : i32
            %mul3A_267 = arith.muli %scan3A_260, %mul3A_266 : i32
            %get3A_268 = arith.index_cast %get3A_135 : i32 to index
            %get3A_269 = arith.index_cast %mul3A_267 : i32 to index
            %get3A_270 = tpu.vector_load %arg14[%get3A_268, %get3A_269] {strides = array<i32>} : memref<64x768xf32, #tpu.memory_space<vmem>>, vector<16xf32>,
            %add3A_271 = arith.addf %get3A_265, %get3A_270 : vector<16xf32>
            %mul3A_272 = arith.constant 16 : i32
            %mul3A_273 = arith.muli %scan3A_260, %mul3A_272 : i32
            %swap3A_274 = arith.index_cast %scan3A_130 : i32 to index
            %swap3A_275 = arith.index_cast %mul3A_273 : i32 to index
            %swap3A_276 = tpu.vector_load %arg13[%swap3A_274, %swap3A_275] {strides = array<i32>} : memref<32x768xf32, #tpu.memory_space<vmem>>, vector<16xf32>,
            tpu.vector_store %arg13[%swap3A_274, %swap3A_275], %add3A_271 {strides = array<i32>} : memref<32x768xf32, #tpu.memory_space<vmem>>, vector<16xf32>,
            %add3A_277 = arith.addf %add3A_256, %add3A_271 : vector<16xf32>
            %mul3A_278 = arith.mulf %add3A_271, %add3A_271 : vector<16xf32>
            %add3A_279 = arith.addf %add3A_258, %mul3A_278 : vector<16xf32>
            %scan3A_280 = arith.constant 6 : i32
            %scan3A_281 = arith.addi %scan3A_153, %scan3A_280 : i32
            %mul3A_282 = arith.constant 16 : i32
            %mul3A_283 = arith.muli %scan3A_281, %mul3A_282 : i32
            %get3A_284 = arith.index_cast %scan3A_130 : i32 to index
            %get3A_285 = arith.index_cast %mul3A_283 : i32 to index
            %get3A_286 = tpu.vector_load %arg13[%get3A_284, %get3A_285] {strides = array<i32>} : memref<32x768xf32, #tpu.memory_space<vmem>>, vector<16xf32>,
            %mul3A_287 = arith.constant 16 : i32
            %mul3A_288 = arith.muli %scan3A_281, %mul3A_287 : i32
            %get3A_289 = arith.index_cast %get3A_135 : i32 to index
            %get3A_290 = arith.index_cast %mul3A_288 : i32 to index
            %get3A_291 = tpu.vector_load %arg14[%get3A_289, %get3A_290] {strides = array<i32>} : memref<64x768xf32, #tpu.memory_space<vmem>>, vector<16xf32>,
            %add3A_292 = arith.addf %get3A_286, %get3A_291 : vector<16xf32>
            %mul3A_293 = arith.constant 16 : i32
            %mul3A_294 = arith.muli %scan3A_281, %mul3A_293 : i32
            %swap3A_295 = arith.index_cast %scan3A_130 : i32 to index
            %swap3A_296 = arith.index_cast %mul3A_294 : i32 to index
            %swap3A_297 = tpu.vector_load %arg13[%swap3A_295, %swap3A_296] {strides = array<i32>} : memref<32x768xf32, #tpu.memory_space<vmem>>, vector<16xf32>,
            tpu.vector_store %arg13[%swap3A_295, %swap3A_296], %add3A_292 {strides = array<i32>} : memref<32x768xf32, #tpu.memory_space<vmem>>, vector<16xf32>,
            %add3A_298 = arith.addf %add3A_277, %add3A_292 : vector<16xf32>
            %mul3A_299 = arith.mulf %add3A_292, %add3A_292 : vector<16xf32>
            %add3A_300 = arith.addf %add3A_279, %mul3A_299 : vector<16xf32>
            %scan3A_301 = arith.constant 7 : i32
            %scan3A_302 = arith.addi %scan3A_153, %scan3A_301 : i32
            %mul3A_303 = arith.constant 16 : i32
            %mul3A_304 = arith.muli %scan3A_302, %mul3A_303 : i32
            %get3A_305 = arith.index_cast %scan3A_130 : i32 to index
            %get3A_306 = arith.index_cast %mul3A_304 : i32 to index
            %get3A_307 = tpu.vector_load %arg13[%get3A_305, %get3A_306] {strides = array<i32>} : memref<32x768xf32, #tpu.memory_space<vmem>>, vector<16xf32>,
            %mul3A_308 = arith.constant 16 : i32
            %mul3A_309 = arith.muli %scan3A_302, %mul3A_308 : i32
            %get3A_310 = arith.index_cast %get3A_135 : i32 to index
            %get3A_311 = arith.index_cast %mul3A_309 : i32 to index
            %get3A_312 = tpu.vector_load %arg14[%get3A_310, %get3A_311] {strides = array<i32>} : memref<64x768xf32, #tpu.memory_space<vmem>>, vector<16xf32>,
            %add3A_313 = arith.addf %get3A_307, %get3A_312 : vector<16xf32>
            %mul3A_314 = arith.constant 16 : i32
            %mul3A_315 = arith.muli %scan3A_302, %mul3A_314 : i32
            %swap3A_316 = arith.index_cast %scan3A_130 : i32 to index
            %swap3A_317 = arith.index_cast %mul3A_315 : i32 to index
            %swap3A_318 = tpu.vector_load %arg13[%swap3A_316, %swap3A_317] {strides = array<i32>} : memref<32x768xf32, #tpu.memory_space<vmem>>, vector<16xf32>,
            tpu.vector_store %arg13[%swap3A_316, %swap3A_317], %add3A_313 {strides = array<i32>} : memref<32x768xf32, #tpu.memory_space<vmem>>, vector<16xf32>,
            %add3A_319 = arith.addf %add3A_298, %add3A_313 : vector<16xf32>
            %mul3A_320 = arith.mulf %add3A_313, %add3A_313 : vector<16xf32>
            %add3A_321 = arith.addf %add3A_300, %mul3A_320 : vector<16xf32>
            scf.yield %add3A_319, %add3A_321 : vector<16xf32>, vector<16xf32>
          }
          %scan3A_143 = arith.constant 48 : i32
          %slice3A_144 = vector.extract_strided_slice %scan3A_142#0 {offsets = [0], sizes = [1], strides = [1]} : vector<16xf32> to vector<1xf32>
          %squeeze3A_145 = vector.extract %slice3A_144[0] : f32 from vector<1xf32>
          %swap3A_146 = arith.index_cast %scan3A_130 : i32 to index
          %swap3A_147 = memref.load %arg18[%swap3A_146] : memref<32xf32, #tpu.memory_space<smem>>
          memref.store %squeeze3A_145, %arg18[%swap3A_146] : memref<32xf32, #tpu.memory_space<smem>>
          %slice3A_148 = vector.extract_strided_slice %scan3A_142#1 {offsets = [0], sizes = [1], strides = [1]} : vector<16xf32> to vector<1xf32>
          %squeeze3A_149 = vector.extract %slice3A_148[0] : f32 from vector<1xf32>
          %swap3A_150 = arith.index_cast %scan3A_130 : i32 to index
          %swap3A_151 = memref.load %arg19[%swap3A_150] : memref<32xf32, #tpu.memory_space<smem>>
          memref.store %squeeze3A_149, %arg19[%swap3A_150] : memref<32xf32, #tpu.memory_space<smem>>
          %scan3A_152 = arith.constant 0 : i32
          scf.yield %scan3A_152 : i32
        }
        %scan3A_94 = arith.constant 32 : i32
        %dma_start3A_95 = arith.constant 0 : i32
        %dma_start3A_96 = tpu.memref_slice %arg9[%add3A_59, %dma_start3A_95] : memref<131072x768xf32, #tpu.memory_space<hbm>> -> memref<32x768xf32, #tpu.memory_space<hbm>>
        %dma_start3A_97 = arith.constant 0 : i32
        %dma_start3A_98 = tpu.memref_slice %arg9[%add3A_59, %dma_start3A_97] : memref<131072x768xf32, #tpu.memory_space<hbm>> -> memref<32x768xf32, #tpu.memory_space<hbm>>
        tpu.enqueue_dma source(%arg13 : memref<32x768xf32, #tpu.memory_space<vmem>>) target(%dma_start3A_98 : memref<32x768xf32, #tpu.memory_space<hbm>>) target_semaphore(%arg23 : memref<!tpu.dma_semaphore, #tpu.memory_space<semaphore_mem>>)
        %dma_wait3A_99 = arith.constant 0 : i32
        %dma_wait3A_100 = tpu.memref_slice %arg9[%add3A_53, %dma_wait3A_99] : memref<131072x768xf32, #tpu.memory_space<hbm>> -> memref<32x768xf32, #tpu.memory_space<hbm>>
        %dma_wait3A_101 = arith.constant 0 : i32
        %dma_wait3A_102 = tpu.memref_slice %arg9[%add3A_53, %dma_wait3A_101] : memref<131072x768xf32, #tpu.memory_space<hbm>> -> memref<32x768xf32, #tpu.memory_space<hbm>>
        tpu.wait_dma2 semaphore(%arg22 : memref<!tpu.dma_semaphore, #tpu.memory_space<semaphore_mem>>) src(%arg12 : memref<32x768xf32, #tpu.memory_space<vmem>>) dst(%dma_wait3A_102 : memref<32x768xf32, #tpu.memory_space<hbm>>)
        %lt3A = arith.constant 3 : i32
        %lt3A_103 = arith.cmpi slt, %scan3A_40, %lt3A : i32
        %convert_element_type3A = arith.extui %lt3A_103 : i1 to i32
        %cond3A = arith.constant 0 : i32
        %cond3A_104 = arith.cmpi ne, %convert_element_type3A, %cond3A : i32
        scf.if %cond3A_104 {
          %add3A_110 = arith.constant 2 : i32
          %add3A_111 = arith.addi %mul3A_43, %add3A_110 : i32
          %dma_start3A_112 = arith.constant 0 : i32
          %dma_start3A_113 = tpu.memref_slice %arg10[%add3A_111, %dma_start3A_112] : memref<8x32xi32, #tpu.memory_space<vmem>> -> memref<1x32xi32, #tpu.memory_space<vmem>>
          %dma_start3A_114 = tpu.memref_squeeze %dma_start3A_113 : memref<1x32xi32, #tpu.memory_space<vmem>> -> memref<32xi32, #tpu.memory_space<vmem>>
          %dma_start3A_115 = arith.constant 0 : i32
          %dma_start3A_116 = arith.constant 0 : i32
          %dma_start3A_117 = tpu.memref_slice %arg4[%dma_start3A_115, %dma_start3A_116] : memref<32000x768xf32, #tpu.memory_space<hbm>> -> memref<32000x768xf32, #tpu.memory_space<hbm>>
          tpu.enqueue_indirect_dma source(%dma_start3A_117 : memref<32000x768xf32, #tpu.memory_space<hbm>>) target(%arg12 : memref<32x768xf32, #tpu.memory_space<vmem>>) offsets(%dma_start3A_114 : memref<32xi32, #tpu.memory_space<vmem>>) semaphore(%arg20 : memref<!tpu.dma_semaphore, #tpu.memory_space<semaphore_mem>>)
        } else {
        }
        %dma_wait3A_105 = arith.constant 0 : i32
        %dma_wait3A_106 = tpu.memref_slice %arg9[%add3A_59, %dma_wait3A_105] : memref<131072x768xf32, #tpu.memory_space<hbm>> -> memref<32x768xf32, #tpu.memory_space<hbm>>
        %dma_wait3A_107 = arith.constant 0 : i32
        %dma_wait3A_108 = tpu.memref_slice %arg9[%add3A_59, %dma_wait3A_107] : memref<131072x768xf32, #tpu.memory_space<hbm>> -> memref<32x768xf32, #tpu.memory_space<hbm>>
        tpu.wait_dma2 semaphore(%arg23 : memref<!tpu.dma_semaphore, #tpu.memory_space<semaphore_mem>>) src(%arg13 : memref<32x768xf32, #tpu.memory_space<vmem>>) dst(%dma_wait3A_108 : memref<32x768xf32, #tpu.memory_space<hbm>>)
        %scan3A_109 = arith.constant 0 : i32
        scf.yield %scan3A_109 : i32
      }
      %scan3A_38 = arith.constant 4 : i32
      %scan3A_39 = arith.constant 0 : i32
      scf.yield %scan3A_39 : i32
    }
    %scan3A_8 = arith.constant 16 : i32
    return
  }
}

</mosaic_0001>

<sc_bundles>
// kernel: _embed.3.cloned.1.call-start
scs
__scs_entry_jumppad:
0x0: {  	(pc) =	sbr.rel $0x88, $3  }
0x1: {  	(tag) =	ssettag $0x0;
	lr =	simm.s32 $0x1  }
0x2: {  	[smem:$0x3F9A] =	sst lr;
	_ =	strace $0xD0000000  }
0x3: {  	_ = 	snop  }
0x4: {  	_ = 	snop  }
0x5: {  	_ = 	snop  }
0x6: {  	_ = 	snop  }
0x7: {  	_ = 	snop  }
__scs_overlays_trampoline_lowered:
0x8: {  	[smem:$0x3FA9] =	sst s0  }
0x9: {  	[smem:$0x3FAA] =	sst s1  }
0xa: {  	[smem:$0x3FAB] =	sst s2  }
0xb: {  	[smem:$0x3FAC] =	sst s3  }
0xc: {  	[smem:$0x3FAD] =	sst s4  }
0xd: {  	[smem:$0x3FAE] =	sst s5  }
0xe: {  	[smem:$0x3FAF] =	sst s6  }
0xf: {  	[smem:$0x3FB0] =	sst s7  }
0x10: {  	[smem:$0x3FB1] =	sst s8  }
0x11: {  	[smem:$0x3FB2] =	sst s9;
	s0 =	simm.s32 @!p0 $0x0  }
0x12: {  	s1 =	sld [smem:$0x3F98];
	s0 =	simm.s32 @p0 $0x1  }
0x13: {  	[smem:$0x3FB3] =	sst s0;
	s0 =	simm.s32 @!p1 $0x0  }
0x14: {  	s2 =	sld [smem:$0x3F97];
	s0 =	simm.s32 @p1 $0x1  }
0x15: {  	[smem:$0x3FB4] =	sst s0;
	s0 =	simm.s32 @!p2 $0x0  }
0x16: {  	s3 =	sld [smem:$0x3FDB];
	s0 =	simm.s32 @p2 $0x1  }
0x17: {  	s4 =	simm.s32 $0x1BF5;
	[smem:$0x3FB6] =	sst s0  }
0x18: {  	s0 =	sld [smem:$0x3F99];
	_ =	swait.ge [sflag:s4], $0x0  }
0x19: {  	s7 =	sld [smem:$0x3F9A]  }
0x1a: {  	s8 =	sadd.s32 $0xFFFFE003, lr  }
0x1b: {  	s9 =	sadd.s32 $0xFFFFFEF7, lr;
	s5 =	simm.s32 $0xFFFFFFFF;
	p2 =	slt.u32 s8, $0xFFFFF086  }
0x1c: {  	p1 =	slt.u32 s9, $0xF7A;
	s5 =	simm.s32 @!p2 $0x0  }
0x1d: {  	s5 =	simm.s32 @p1 $0x1;
	p0 =	seq.s32 s7, s2  }
0x1e: {  	s7 =	smul.u32 @!p0 $0xF7A, s2;
	p2 =	seq.s32 @!p0 s5, $0x0  }
0x1f: {  	s9 =	smul.u32 $0xF7A, s1;
	s8 =	simm.s32 @!p0 $0x1BF5;
	p2 =	por !p2, p0  }
0x20: {  	[sflag:s8] =	ssyncset.s32 @!p0 $0xFFFFF086;
	s6 =	sadd.s32 @!p0 s3, s7;
	s7 =	simm.s32 @!p0 $0x108  }
0x21: {  	s3 =	sadd.s32 s3, s9;
	s6 =	sadd.s32 @!p0 $0x88, s6;
	s7 =	simm.s32 @p2 $0x1082  }
0x22: {  	[simem:s7], [sflag:s8] =	dma.local @!p0 [hbm:s6], $0xF7A  }
0x23: {  	s9 =	sor.u32 $0xD0000000, s2;
	s6 =	simm.s32 $0x108;
	_ =	swait.ge @!p0 [sflag:s8], $0x0  }
0x24: {  	s3 =	sadd.s32 $0x88, s3;
	s6 =	simm.s32 @!p1 $0x1082;
	[sflag:s4] =	ssyncset.s32 $0xFFFFF086  }
0x25: {  	[simem:s6], [sflag:s4] =	dma.local [hbm:s3], $0xF7A  }
0x26: {  	[smem:$0x3F9A] =	sst s1;
	(tag) =	ssettag s2;
	_ =	strace s9  }
0x27: {  	s1 =	sld [smem:$0x3FAA]  }
0x28: {  	s2 =	sld [smem:$0x3FAB]  }
0x29: {  	s4 =	sld [smem:$0x3FAD]  }
0x2a: {  	p0 =	seq.s32 s5, $0x0;
	s5 =	sld [smem:$0x3FAE]  }
0x2b: {  	s6 =	sld [smem:$0x3FAF]  }
0x2c: {  	s7 =	sld [smem:$0x3FB0]  }
0x2d: {  	s3 =	simm.s32 $0x108;
	s8 =	sld [smem:$0x3FB1]  }
0x2e: {  	s3 =	simm.s32 @!p0 $0x1082;
	s9 =	sld [smem:$0x3FB2]  }
0x2f: {  	lr =	sadd.s32 s0, s3;
	s0 =	sld [smem:$0x3FA9]  }
0x30: {  	s3 =	sld [smem:$0x3FAC]  }
0x31: {  	[smem:$0x3FB5] =	sst s10  }
0x32: {  	s10 =	sld [smem:$0x3FB3];
	_ =	sdelay $0x3  }
0x33: {  	p0 =	seq.s32 s10, $0x1;
	s10 =	sld [smem:$0x3FB5];
	_ =	sdelay $0x3  }
0x34: {  	[smem:$0x3FB5] =	sst s10  }
0x35: {  	s10 =	sld [smem:$0x3FB4];
	_ =	sdelay $0x3  }
0x36: {  	p1 =	seq.s32 s10, $0x1;
	s10 =	sld [smem:$0x3FB5];
	_ =	sdelay $0x3  }
0x37: {  	[smem:$0x3FB5] =	sst s10  }
0x38: {  	s10 =	sld [smem:$0x3FB6]  }
0x39: {  	_ = 	snop;
	(pc) =	sbr.ind lr, $3  }
0x3a: {  	_ = 	snop  }
0x3b: {  	_ = 	snop  }
0x3c: {  	p2 =	seq.s32 s10, $0x1;
	s10 =	sld [smem:$0x3FB5]  }
0x3d: {  	_ =	shalt  }
0x3e: {  	_ =	shalt  }
0x3f: {  	_ =	shalt  }
0x40: {  	_ =	shalt  }
0x41: {  	_ =	shalt  }
0x42: {  	_ =	shalt  }
0x43: {  	_ =	shalt  }
0x44: {  	_ =	shalt  }
0x45: {  	_ =	shalt  }
0x46: {  	_ =	shalt  }
0x47: {  	_ =	shalt  }
0x48: {  	_ =	shalt  }
0x49: {  	_ =	shalt  }
0x4a: {  	_ =	shalt  }
0x4b: {  	_ =	shalt  }
0x4c: {  	_ =	shalt  }
0x4d: {  	_ =	shalt  }
0x4e: {  	_ =	shalt  }
0x4f: {  	_ =	shalt  }
0x50: {  	_ =	shalt  }
0x51: {  	_ =	shalt  }
0x52: {  	_ =	shalt  }
0x53: {  	_ =	shalt  }
0x54: {  	_ =	shalt  }
0x55: {  	_ =	shalt  }
0x56: {  	_ =	shalt  }
0x57: {  	_ =	shalt  }
0x58: {  	_ =	shalt  }
0x59: {  	_ =	shalt  }
0x5a: {  	_ =	shalt  }
0x5b: {  	_ =	shalt  }
0x5c: {  	_ =	shalt  }
0x5d: {  	_ =	shalt  }
0x5e: {  	_ =	shalt  }
0x5f: {  	_ =	shalt  }
0x60: {  	_ =	shalt  }
0x61: {  	_ =	shalt  }
0x62: {  	_ =	shalt  }
0x63: {  	_ =	shalt  }
0x64: {  	_ =	shalt  }
0x65: {  	_ =	shalt  }
0x66: {  	_ =	shalt  }
0x67: {  	_ =	shalt  }
0x68: {  	_ =	shalt  }
0x69: {  	_ =	shalt  }
0x6a: {  	_ =	shalt  }
0x6b: {  	_ =	shalt  }
0x6c: {  	_ =	shalt  }
0x6d: {  	_ =	shalt  }
0x6e: {  	_ =	shalt  }
0x6f: {  	_ =	shalt  }
0x70: {  	_ =	shalt  }
0x71: {  	_ =	shalt  }
0x72: {  	_ =	shalt  }
0x73: {  	_ =	shalt  }
0x74: {  	_ =	shalt  }
0x75: {  	_ =	shalt  }
0x76: {  	_ =	shalt  }
0x77: {  	_ =	shalt  }
0x78: {  	_ =	shalt  }
0x79: {  	_ =	shalt  }
0x7a: {  	_ =	shalt  }
0x7b: {  	_ =	shalt  }
0x7c: {  	_ =	shalt  }
0x7d: {  	_ =	shalt  }
0x7e: {  	_ =	shalt  }
0x7f: {  	_ =	shalt  }
0x80: {  	_ =	shalt  }
0x81: {  	_ =	shalt  }
0x82: {  	_ =	shalt  }
0x83: {  	_ =	shalt  }
0x84: {  	_ =	shalt  }
0x85: {  	_ =	shalt  }
0x86: {  	_ =	shalt  }
0x87: {  	_ =	shalt  }
.Lfunc_end0:
.L_simem_size_0:
called_computation_lowered:
.L_overlay_start_0:
0x88: {  	s2 =	sld [smem:$0x3FD9]  }
0x89: {  	s3 =	sld [smem:$0x3FFE];
	_ =	sdelay $0x1  }
0x8a: {  	s1 =	srdreg.scid  }
0x8b: {  	s0 =	sand.u32 $0x1, s1  }
0x8c: {  	s17 =	sshll.u32 s0, $0xA;
	s2 =	sadd.s32 s3, s2  }
0x8d: {  	s2 =	sadd.s32 s2, s17  }
0x8e: {  	[smem:$0x3FC1] =	sst s2  }
0x8f: {  	_ = 	snop  }
0x90: {  	s2 =	sld [smem:$0x3FC4]  }
0x91: {  	s18 =	sld [smem:$0x3FC3]  }
0x92: {  	s4 =	sld [smem:$0x3FD0];
	(tm) =	ssettm $0x1  }
0x93: {  	s5 =	sld [smem:$0x3FFB];
	_ =	sdelay $0x3  }
0x94: {  	_ =	strace s5  }
0x95: {  	s5 =	sld [smem:$0x3FFC];
	_ =	sdelay $0x3  }
0x96: {  	_ =	strace s5  }
0x97: {  	s5 =	sld [smem:$0x3FFD];
	_ =	sdelay $0x3  }
0x98: {  	_ =	strace s5  }
0x99: {  	_ =	strace $0x8FFFFFFF  }
0x9a: {  	s19 =	sld [smem:$0x3FDB];
	_ =	sdelay $0x1  }
0x9b: {  	s6 =	simm.s32 $_scs_section_size  }
0x9c: {  	s7 =	simm.s32 $_size__tile_overlayer_lowered;
	s8 =	simm.s32 $_tile_overlayer_lowered  }
0x9d: {  	s22 =	simm.s32 $0x1BFF;
	s21 =	sshll.u32 s8, $0x1;
	s5 =	sadd.s32 s6, s19  }
0x9e: {  	s9 =	simm.s32 $0x0;
	s20 =	sshll.u32 s7, $0x1;
	s7 =	sadd.s32 s21, s5  }
0x9f: {  	[timem:s9], [sflag:s22] =	dma.local [hbm:s7], s20  }
0xa0: {  	_ =	swait.ge [sflag:s22], s20  }
0xa1: {  	s6 =	ssub.s32 $0x0, s20;
	[sflag:s22] =	ssyncset.done $0x0  }
0xa2: {  	[sflag:s22] =	ssyncadd.s32 s6;
	_ =	sdelay $0x1  }
0xa3: {  	s23 =	simm.s32 $0x1B8B  }
0xa4: {  	_ =	swait.ge [sflag:s23], $0x1  }
0xa5: {  	[sflag:s23] =	ssyncset.done $0x0  }
0xa6: {  	s25 =	simm.s32 $0x1B8E;
	s24 =	sld [smem:$0x3FFE];
	[sflag:s23] =	ssyncadd.s32 $0xFFFFFFFF  }
0xa7: {  	s26 =	simm.s32 $execute0_lowered;
	[smem:$0x3FD2] =	sst s25  }
0xa8: {  	s7 =	sshll.u32 s26, $0x1;
	_ =	strace $0x80000046;
	[dreg:$0x1] =	wrdreg $0xFFFFFFFF  }
0xa9: {  	s28 =	simm.s32 $_size_execute0_lowered;
	s5 =	sadd.s32 s5, s7;
	[dreg:$0x0] =	wrdreg $0x0  }
0xaa: {  	s7 =	sshll.u32 s28, $0x1;
	[dreg:$0x2] =	wrdreg s5  }
0xab: {  	[dreg:$0x3] =	wrdreg s7  }
0xac: {  	[dreg:$0x4] =	wrdreg $0xC0  }
0xad: {  	_ =	task [dreg:s9], $0x5FFFF  }
0xae: {  	[dreg:$0x1] =	wrdreg $0xFFFFFFFF  }
0xaf: {  	[dreg:$0x0] =	wrdreg $0x60  }
0xb0: {  	[dreg:$0x2] =	wrdreg s24  }
0xb1: {  	[dreg:$0x3] =	wrdreg s4  }
0xb2: {  	[dreg:$0x4] =	wrdreg s2  }
0xb3: {  	[dreg:$0x5] =	wrdreg s18  }
0xb4: {  	[dreg:$0x6] =	wrdreg $0x9  }
0xb5: {  	_ =	task.clear_ibuf [dreg:s9], $0x7FFFF;
	_ =	strace $0x90000046  }
0xb6: {  	s29 =	simm.s32 $0x9;
	_ =	strace $0x80000048  }
0xb7: {  	_ =	swait.ge [sflag:s29], $0x1  }
0xb8: {  	[sflag:s29] =	ssyncadd.s32 $0xFFFFFFFF  }
0xb9: {  	_ =	strace $0x90000048  }
0xba: {  	_ =	sfence  }
0xbb: {  	s30 =	sld [smem:$0x0];
	_ =	sdelay $0x2  }
0xbc: {  	s31 =	sshll.u32 s1, $0xD;
	s1 =	sshrl.u32 s1, $0x2  }
0xbd: {  	s3 =	sand.u32 $0x4000, s31;
	s1 =	sadd.s32 s1, s30  }
0xbe: {  	s0 =	sor.u32 s3, s0;
	s1 =	sshll.u32 s1, $0x11  }
0xbf: {  	s0 =	sor.u32 s1, s0  }
0xc0: {  	s0 =	sadd.s32 $0x8F2B, s0  }
0xc1: {  	[sflag:s0] =	ssyncadd.remote.s32 $0x1  }
0xc2: {  	_ =	sfence.sel $0xFFFF  }
0xc3: {  	[dreg:$0x0] =	wrdreg $0xFFFFFFFF;
	(pc) =	sbr.abs _section_cstart, $3  }
0xc4: {  	[dreg:$0x1] =	wrdreg $0xFFFFFFFF  }
0xc5: {  	_ =	task.clear_ibuf [dreg:s9], $0x2FFFF;
	_ =	strace $0x9FFFFFFF  }
0xc6: {  	(tm) =	ssettm $0x7FFFFFFF  }
0xc7: {  	_ =	shalt  }
tec
execute0_lowered:
.L_overlay_start_1:
0x0: {  	(tag) =	ssettag $0x1  }
0x1: {  	s0 =	rddreg [dreg:$0x0]  }
0x2: {  	s1 =	rddreg [dreg:$0x1];
	s4 =	simm.s32 $0x0  }
0x3: {  	s30 =	srdreg.scid;
	s5 =	stileid.u32;
	s15 =	simm.s32 $0x5  }
0x4: {  	s17 =	simm.s32 $0x20;
	s18 =	simm.s32 $0x200;
	s22 =	simm.s32 $0x6200  }
0x5: {  	s23 =	simm.s32 $0x1;
	s24 =	simm.s32 $0x2;
	s25 =	simm.s32 $0x3  }
0x6: {  	s26 =	simm.s32 $0x4;
	[smem:$0x7FF] =	sst s4;
	s2 =	sadd.s32 $0x400, s0  }
0x7: {  	_ =	strace $0x80000047;
	[dreg:$0x5] =	wrdreg s2;
	s2 =	sand.u32 $0x1, s30  }
0x8: {  	s29 =	sadd.s32 $0x4400, s0;
	s8 =	sadd.s32 $0x8400, s0;
	s3 =	ssub.s32 $0x2, s2  }
0x9: {  	s5 =	sshll.u32 s5, $0x4;
	s9 =	sadd.s32 $0x14400, s0;
	s6 =	sshrl.u32 s3, $0x1  }
0xa: {  	s11 =	sadd.s32 $0x20400, s0;
	s2 =	sshll.u32 s2, $0x3;
	s31 =	ssub.s32 s3, s6  }
0xb: {  	v0 =	vlaneseq.u32;
	[dreg:$0x6] =	wrdreg s29;
	s10 =	sor.u32 s2, s5;
	s0 =	smax.u32 s31, $0x1  }
0xc: {  	v1 =	vor.u32 $0x10, v0;
	s2 =	simm.s32 $0x0;
	s12 =	sshll.u32 s10, $0x9;
	[dreg:$0x7] =	wrdreg s0  }
.LBB2_1:
0xd: {  	[dreg:$0x8] =	wrdreg s2  }
0xe: {  	s0 =	rddreg [dreg:$0x2];
	s28 =	simm.s32 $0x18200  }
0xf: {  	[tilespmem:s28], [sflag:$0x5] =	stream.linear.gather [hbm4b:s0+s4], $0x300, $0x38;
	[tilespmem:$0x18800] =	vst v63  }
0x10: {  	_ =	swait.ge [sflag:s15], $0x300  }
0x11: {  	[sflag:s15] =	ssyncset.done $0x0  }
0x12: {  	[sflag:s15] =	ssyncadd.s32 $0xFFFFFD00  }
0x13: {  	s31 =	simm.s32 $0x18500;
	s30 =	rddreg [dreg:$0x3]  }
0x14: {  	[tilespmem:s31], [sflag:$0x5] =	stream.linear.gather [hbm4b:s30+s4], $0x300, $0x38;
	[tilespmem:$0x18800] =	vst v63  }
0x15: {  	_ =	swait.ge [sflag:s15], $0x300  }
0x16: {  	[sflag:s15] =	ssyncset.done $0x0  }
0x17: {  	s29 =	simm.s32 $0x0;
	[sflag:s15] =	ssyncadd.s32 $0xFFFFFD00  }
.LBB2_2:
0x18: {  	s30 =	sshll.u32 s29, $0x5  }
0x19: {  	s0 =	sadd.s32 s12, s30  }
0x1a: {  	s2 =	rddreg [dreg:$0x5];
	s0 =	sshrl.u32 s0, $0x3  }
0x1b: {  	s31 =	simm.s32 $0x0;
	s2 =	sadd.s32 s2, s0  }
0x1c: {  	[tilespmem:s31], [sflag:$0x5] =	stream.strided.gather [hbm4b:s2+s17], $0x100, s18, s17, $0x38;
	[tilespmem:$0x18800] =	vst v63  }
0x1d: {  	_ =	swait.ge [sflag:s15], $0x100  }
0x1e: {  	[sflag:s15] =	ssyncset.done $0x0  }
0x1f: {  	s7 =	rddreg [dreg:$0x6];
	[sflag:s15] =	ssyncadd.s32 $0xFFFFFF00  }
0x20: {  	[tilespmem:s18], [sflag:$0x1] =	stream.indirect.gather [hbm4b:s1+s17], $0x300, s31, s17, $0xb8;
	[tilespmem:$0x18800] =	vst v63  }
0x21: {  	s13 =	simm.s32 $0x100;
	s0 =	sadd.s32 s7, s0  }
0x22: {  	[tilespmem:s13], [sflag:$0x5] =	stream.strided.gather [hbm4b:s0+s17], $0x100, s18, s17, $0x38;
	[tilespmem:$0x18800] =	vst v63  }
0x23: {  	s14 =	smul.u32 $0xC00, s29;
	_ =	swait.ge [sflag:s15], $0x100  }
0x24: {  	[sflag:s15] =	ssyncset.done $0x0  }
0x25: {  	s3 =	simm.s32 $0xC200;
	s16 =	sadd.s32 s8, s14;
	[sflag:s15] =	ssyncadd.s32 $0xFFFFFF00  }
0x26: {  	[tilespmem:s3], [sflag:$0x5] =	stream.linear.gather [hbm4b:s16+s31], $0x6000, $0x38;
	[tilespmem:$0x18800] =	vst v63  }
0x27: {  	_ =	swait.ge [sflag:s15], $0x6000  }
0x28: {  	[sflag:s15] =	ssyncset.done $0x0  }
0x29: {  	s19 =	simm.s32 $0x12200;
	s0 =	sadd.s32 s9, s14;
	[sflag:s15] =	ssyncadd.s32 $0xFFFFA000  }
0x2a: {  	[tilespmem:s19], [sflag:$0x5] =	stream.linear.gather [hbm4b:s0+s31], $0x6000, $0x38;
	[tilespmem:$0x18800] =	vst v63  }
0x2b: {  	_ =	swait.ge [sflag:s15], $0x6000  }
0x2c: {  	[sflag:s15] =	ssyncset.done $0x0  }
0x2d: {  	s0 =	simm.s32 $0x0;
	[sflag:s15] =	ssyncadd.s32 $0xFFFFA000  }
0x2e: {  	v2 =	vld [tilespmem:s0+$0x100];
	_ =	sdelay $0x4  }
0x2f: {  	v2 =	vshll.u32 v2, $0x5  }
0x30: {  	v2 =	vor.u32 v0, v2  }
0x31: {  	(v2sf) =	vpush v2, $0x0  }
0x32: {  	(v2sf) =	vpush v2, $0x1;
	_ =	sdelay $0x1  }
0x33: {  	(v2sf) =	vpush v2, $0x2  }
0x34: {  	(v2sf) =	vpush v2, $0x3  }
0x35: {  	(v2sf) =	vpush v2, $0x4  }
0x36: {  	(v2sf) =	vpush v2, $0x5  }
0x37: {  	(v2sf) =	vpush v2, $0x6  }
0x38: {  	(v2sf) =	vpush v2, $0x7  }
0x39: {  	(v2sf) =	vpush v2, $0x8  }
0x3a: {  	v3 =	vld [tilespmem:s0+$0x110];
	(v2sf) =	vpush v2, $0x9  }
0x3b: {  	(v2sf) =	vpush v2, $0xA  }
0x3c: {  	(v2sf) =	vpush v2, $0xB  }
0x3d: {  	(v2sf) =	vpush v2, $0xC  }
0x3e: {  	(v2sf) =	vpush v2, $0xD  }
0x3f: {  	v3 =	vshll.u32 v3, $0x5;
	(v2sf) =	vpush v2, $0xE;
	s20 =	spop (v2sf)  }
0x40: {  	v3 =	vor.u32 v1, v3;
	(v2sf) =	vpush v2, $0xF;
	[smem:s0] =	sst s20;
	s21 =	spop (v2sf)  }
0x41: {  	(v2sf) =	vpush v3, $0x0;
	[smem:$0x1] =	sst s21  }
0x42: {  	s2 =	spop (v2sf)  }
0x43: {  	(v2sf) =	vpush v3, $0x1;
	[smem:$0x2] =	sst s2  }
0x44: {  	s2 =	spop (v2sf)  }
0x45: {  	(v2sf) =	vpush v3, $0x2;
	[smem:$0x3] =	sst s2  }
0x46: {  	s2 =	spop (v2sf)  }
0x47: {  	(v2sf) =	vpush v3, $0x3;
	[smem:$0x4] =	sst s2  }
0x48: {  	s2 =	spop (v2sf)  }
0x49: {  	(v2sf) =	vpush v3, $0x4;
	[smem:$0x5] =	sst s2  }
0x4a: {  	s2 =	spop (v2sf)  }
0x4b: {  	(v2sf) =	vpush v3, $0x5;
	[smem:$0x6] =	sst s2  }
0x4c: {  	s2 =	spop (v2sf)  }
0x4d: {  	(v2sf) =	vpush v3, $0x6;
	[smem:$0x7] =	sst s2  }
0x4e: {  	s2 =	spop (v2sf)  }
0x4f: {  	(v2sf) =	vpush v3, $0x7;
	[smem:$0x8] =	sst s2  }
0x50: {  	s28 =	spop (v2sf)  }
0x51: {  	(v2sf) =	vpush v3, $0x8;
	[smem:$0x9] =	sst s28  }
0x52: {  	s2 =	simm.s32 $0x20;
	s3 =	spop (v2sf)  }
0x53: {  	(v2sf) =	vpush v3, $0x9;
	v2 =	vld [tilespmem:s2+$0x100];
	[smem:$0xA] =	sst s3  }
0x54: {  	s3 =	spop (v2sf)  }
0x55: {  	(v2sf) =	vpush v3, $0xA;
	v4 =	vld [tilespmem:s2+$0x110];
	[smem:$0xB] =	sst s3  }
0x56: {  	s3 =	spop (v2sf)  }
0x57: {  	(v2sf) =	vpush v3, $0xB;
	[smem:$0xC] =	sst s3  }
0x58: {  	s3 =	spop (v2sf)  }
0x59: {  	(v2sf) =	vpush v3, $0xC;
	[smem:$0xD] =	sst s3  }
0x5a: {  	s3 =	spop (v2sf)  }
0x5b: {  	(v2sf) =	vpush v3, $0xD;
	[smem:$0xE] =	sst s3  }
0x5c: {  	s3 =	spop (v2sf)  }
0x5d: {  	(v2sf) =	vpush v3, $0xE;
	[smem:$0xF] =	sst s3  }
0x5e: {  	s3 =	spop (v2sf)  }
0x5f: {  	v2 =	vshll.u32 v2, $0x5;
	(v2sf) =	vpush v3, $0xF;
	[smem:$0x10] =	sst s3  }
0x60: {  	v3 =	vor.u32 v0, v2;
	s3 =	spop (v2sf)  }
0x61: {  	(v2sf) =	vpush v3, $0x0;
	[smem:$0x11] =	sst s3  }
0x62: {  	s3 =	spop (v2sf)  }
0x63: {  	(v2sf) =	vpush v3, $0x1;
	[smem:$0x12] =	sst s3  }
0x64: {  	s3 =	spop (v2sf)  }
0x65: {  	(v2sf) =	vpush v3, $0x2;
	[smem:$0x13] =	sst s3  }
0x66: {  	s3 =	spop (v2sf)  }
0x67: {  	(v2sf) =	vpush v3, $0x3;
	[smem:$0x14] =	sst s3  }
0x68: {  	s3 =	spop (v2sf)  }
0x69: {  	(v2sf) =	vpush v3, $0x4;
	[smem:$0x15] =	sst s3  }
0x6a: {  	s3 =	spop (v2sf)  }
0x6b: {  	(v2sf) =	vpush v3, $0x5;
	[smem:$0x16] =	sst s3  }
0x6c: {  	s3 =	spop (v2sf)  }
0x6d: {  	(v2sf) =	vpush v3, $0x6;
	[smem:$0x17] =	sst s3  }
0x6e: {  	s3 =	spop (v2sf)  }
0x6f: {  	(v2sf) =	vpush v3, $0x7;
	[smem:$0x18] =	sst s3  }
0x70: {  	s3 =	spop (v2sf)  }
0x71: {  	(v2sf) =	vpush v3, $0x8;
	[smem:$0x19] =	sst s3  }
0x72: {  	s3 =	spop (v2sf)  }
0x73: {  	(v2sf) =	vpush v3, $0x9;
	[smem:$0x1A] =	sst s3  }
0x74: {  	s3 =	spop (v2sf)  }
0x75: {  	(v2sf) =	vpush v3, $0xA;
	[smem:$0x1B] =	sst s3  }
0x76: {  	s3 =	spop (v2sf)  }
0x77: {  	(v2sf) =	vpush v3, $0xB;
	[smem:$0x1C] =	sst s3  }
0x78: {  	s3 =	spop (v2sf)  }
0x79: {  	(v2sf) =	vpush v3, $0xC;
	[smem:$0x1D] =	sst s3  }
0x7a: {  	s3 =	spop (v2sf)  }
0x7b: {  	v2 =	vshll.u32 v4, $0x5;
	(v2sf) =	vpush v3, $0xD;
	[smem:$0x1E] =	sst s3  }
0x7c: {  	v2 =	vor.u32 v1, v2;
	s3 =	simm.s32 $0x100;
	s5 =	spop (v2sf)  }
.LBB2_3:
0x7d: {  	p0 =	sne.s32 s3, $0x380;
	[smem:s0+$0x1F] =	sst s5  }
0x7e: {  	(v2sf) =	vpush v3, $0xE;
	s5 =	smov.u32 s3;
	s3 =	sadd.s32 $0x80, s3;
	s0 =	smov.u32 s2  }
0x7f: {  	s2 =	spop (v2sf);
	(v2sf) =	vpush v3, $0xF  }
0x80: {  	[smem:s0] =	sst s2;
	s2 =	spop (v2sf);
	(v2sf) =	vpush v2, $0x0  }
0x81: {  	[smem:s0+$0x1] =	sst s2;
	s2 =	spop (v2sf);
	(v2sf) =	vpush v2, $0x1  }
0x82: {  	[smem:s0+$0x2] =	sst s2;
	s2 =	spop (v2sf);
	(v2sf) =	vpush v2, $0x2  }
0x83: {  	[smem:s0+$0x3] =	sst s2;
	s2 =	spop (v2sf);
	(v2sf) =	vpush v2, $0x3  }
0x84: {  	[smem:s0+$0x4] =	sst s2;
	s2 =	spop (v2sf);
	(v2sf) =	vpush v2, $0x4  }
0x85: {  	[smem:s0+$0x5] =	sst s2;
	s2 =	spop (v2sf);
	(v2sf) =	vpush v2, $0x5  }
0x86: {  	[smem:s0+$0x6] =	sst s2;
	s2 =	spop (v2sf);
	(v2sf) =	vpush v2, $0x6  }
0x87: {  	[smem:s0+$0x7] =	sst s2;
	s2 =	spop (v2sf);
	(v2sf) =	vpush v2, $0x7  }
0x88: {  	[smem:s0+$0x8] =	sst s2;
	s6 =	spop (v2sf);
	(v2sf) =	vpush v2, $0x8  }
0x89: {  	s2 =	sshra.s32 s5, $0x2;
	[smem:s0+$0x9] =	sst s6;
	s5 =	spop (v2sf);
	(v2sf) =	vpush v2, $0x9  }
0x8a: {  	v3 =	vld [tilespmem:s2+$0x100];
	[smem:s0+$0xA] =	sst s5;
	s5 =	spop (v2sf);
	(v2sf) =	vpush v2, $0xA  }
0x8b: {  	v4 =	vld [tilespmem:s2+$0x110];
	[smem:s0+$0xB] =	sst s5;
	s5 =	spop (v2sf);
	(v2sf) =	vpush v2, $0xB  }
0x8c: {  	[smem:s0+$0xC] =	sst s5;
	s5 =	spop (v2sf);
	(v2sf) =	vpush v2, $0xC  }
0x8d: {  	[smem:s0+$0xD] =	sst s5;
	s5 =	spop (v2sf);
	(v2sf) =	vpush v2, $0xD  }
0x8e: {  	[smem:s0+$0xE] =	sst s5;
	s5 =	spop (v2sf);
	(v2sf) =	vpush v2, $0xE  }
0x8f: {  	v3 =	vshll.u32 v3, $0x5;
	[smem:s0+$0xF] =	sst s5;
	s5 =	spop (v2sf);
	(v2sf) =	vpush v2, $0xF  }
0x90: {  	v3 =	vor.u32 v0, v3;
	v2 =	vshll.u32 v4, $0x5;
	[smem:s0+$0x10] =	sst s5;
	s5 =	spop (v2sf)  }
0x91: {  	v2 =	vor.u32 v1, v2;
	(v2sf) =	vpush v3, $0x0;
	[smem:s0+$0x11] =	sst s5;
	s5 =	spop (v2sf)  }
0x92: {  	(v2sf) =	vpush v3, $0x1;
	[smem:s0+$0x12] =	sst s5;
	s5 =	spop (v2sf)  }
0x93: {  	(v2sf) =	vpush v3, $0x2;
	[smem:s0+$0x13] =	sst s5;
	s5 =	spop (v2sf)  }
0x94: {  	(v2sf) =	vpush v3, $0x3;
	[smem:s0+$0x14] =	sst s5;
	s5 =	spop (v2sf)  }
0x95: {  	(v2sf) =	vpush v3, $0x4;
	[smem:s0+$0x15] =	sst s5;
	s5 =	spop (v2sf)  }
0x96: {  	(v2sf) =	vpush v3, $0x5;
	[smem:s0+$0x16] =	sst s5;
	s5 =	spop (v2sf)  }
0x97: {  	(v2sf) =	vpush v3, $0x6;
	[smem:s0+$0x17] =	sst s5;
	s5 =	spop (v2sf)  }
0x98: {  	(v2sf) =	vpush v3, $0x7;
	[smem:s0+$0x18] =	sst s5;
	s5 =	spop (v2sf)  }
0x99: {  	(v2sf) =	vpush v3, $0x8;
	[smem:s0+$0x19] =	sst s5;
	s5 =	spop (v2sf)  }
0x9a: {  	[smem:s0+$0x1A] =	sst s5  }
.Ltmp0:
0x9b: {  	(v2sf) =	vpush v3, $0x9;
	s5 =	spop (v2sf);
	(pc) =	sbr.rel @p0 .LBB2_3-.Ltmp0, $4  }
0x9c: {  	(v2sf) =	vpush v3, $0xA;
	[smem:s0+$0x1B] =	sst s5;
	s5 =	spop (v2sf)  }
0x9d: {  	(v2sf) =	vpush v3, $0xB;
	[smem:s0+$0x1C] =	sst s5;
	s5 =	spop (v2sf)  }
0x9e: {  	(v2sf) =	vpush v3, $0xC;
	[smem:s0+$0x1D] =	sst s5;
	s5 =	spop (v2sf)  }
0x9f: {  	(v2sf) =	vpush v3, $0xD;
	[smem:s0+$0x1E] =	sst s5;
	s5 =	spop (v2sf)  }
0xa0: {  	(v2sf) =	vpush v3, $0xE  }
0xa1: {  	[smem:s0+$0x1F] =	sst s5;
	s5 =	spop (v2sf);
	(v2sf) =	vpush v3, $0xF  }
0xa2: {  	[smem:s2] =	sst s5;
	s6 =	spop (v2sf);
	(v2sf) =	vpush v2, $0x0  }
0xa3: {  	[smem:s2+$0x1] =	sst s6;
	s7 =	spop (v2sf);
	(v2sf) =	vpush v2, $0x1  }
0xa4: {  	[smem:s2+$0x2] =	sst s7;
	s13 =	spop (v2sf);
	(v2sf) =	vpush v2, $0x2  }
0xa5: {  	[smem:s2+$0x3] =	sst s13;
	s14 =	spop (v2sf);
	(v2sf) =	vpush v2, $0x3  }
0xa6: {  	[smem:s2+$0x4] =	sst s14;
	s16 =	spop (v2sf);
	(v2sf) =	vpush v2, $0x4  }
0xa7: {  	[smem:s2+$0x5] =	sst s16;
	s19 =	spop (v2sf);
	(v2sf) =	vpush v2, $0x5  }
0xa8: {  	[smem:s2+$0x6] =	sst s19;
	s20 =	spop (v2sf);
	(v2sf) =	vpush v2, $0x6  }
0xa9: {  	[smem:s2+$0x7] =	sst s20;
	s21 =	spop (v2sf);
	(v2sf) =	vpush v2, $0x7  }
0xaa: {  	[smem:s2+$0x8] =	sst s21;
	s28 =	spop (v2sf);
	(v2sf) =	vpush v2, $0x8  }
0xab: {  	[smem:s2+$0x9] =	sst s28;
	s3 =	spop (v2sf);
	(v2sf) =	vpush v2, $0x9  }
0xac: {  	[smem:s2+$0xA] =	sst s3;
	s5 =	spop (v2sf);
	(v2sf) =	vpush v2, $0xA  }
0xad: {  	[smem:s2+$0xB] =	sst s5;
	s6 =	spop (v2sf);
	(v2sf) =	vpush v2, $0xB  }
0xae: {  	[smem:s2+$0xC] =	sst s6;
	s7 =	spop (v2sf);
	(v2sf) =	vpush v2, $0xC  }
0xaf: {  	[smem:s2+$0xD] =	sst s7;
	s13 =	spop (v2sf);
	(v2sf) =	vpush v2, $0xD  }
0xb0: {  	[smem:s2+$0xE] =	sst s13;
	s14 =	spop (v2sf);
	(v2sf) =	vpush v2, $0xE  }
0xb1: {  	[smem:s2+$0xF] =	sst s14;
	s16 =	spop (v2sf);
	(v2sf) =	vpush v2, $0xF  }
0xb2: {  	[smem:s2+$0x10] =	sst s16;
	s19 =	spop (v2sf)  }
0xb3: {  	[smem:s2+$0x11] =	sst s19;
	s20 =	spop (v2sf)  }
0xb4: {  	[smem:s2+$0x12] =	sst s20;
	s21 =	spop (v2sf)  }
0xb5: {  	[smem:s2+$0x13] =	sst s21;
	s28 =	spop (v2sf)  }
0xb6: {  	[smem:s2+$0x14] =	sst s28;
	s3 =	spop (v2sf)  }
0xb7: {  	[smem:s2+$0x15] =	sst s3;
	s5 =	spop (v2sf)  }
0xb8: {  	[smem:s2+$0x16] =	sst s5;
	s6 =	spop (v2sf)  }
0xb9: {  	[smem:s2+$0x17] =	sst s6;
	s7 =	spop (v2sf)  }
0xba: {  	[smem:s2+$0x18] =	sst s7;
	s13 =	spop (v2sf)  }
0xbb: {  	[smem:s2+$0x19] =	sst s13;
	s14 =	spop (v2sf)  }
0xbc: {  	[smem:s2+$0x1A] =	sst s14;
	s16 =	spop (v2sf)  }
0xbd: {  	[smem:s2+$0x1B] =	sst s16;
	s19 =	spop (v2sf)  }
0xbe: {  	[smem:s2+$0x1C] =	sst s19;
	s20 =	spop (v2sf)  }
0xbf: {  	[smem:s2+$0x1D] =	sst s20;
	s21 =	spop (v2sf)  }
0xc0: {  	[smem:s2+$0x1E] =	sst s21;
	s28 =	spop (v2sf)  }
0xc1: {  	s5 =	simm.s32 $0x21;
	s21 =	simm.s32 $0x1;
	[smem:s2+$0x1F] =	sst s28  }
.LBB2_5:
0xc2: {  	s3 =	sshllo.u32 s31, $0x1  }
0xc3: {  	s14 =	sshll.u32 s3, $0x5  }
0xc4: {  	[tilespmem:s22], [sflag:$0x2] =	stream.indirect.gather [hbm4b:s1+s17], $0x300, s14, s17, $0xb8;
	[tilespmem:$0x18800] =	vst v63  }
0xc5: {  	s2 =	sshll.u32 s31, $0x8;
	s16 =	simm.s32 $0x0;
	_ =	swait.ge [sflag:s23], $0x6000  }
0xc6: {  	s13 =	sshrl.u32 s2, $0x2;
	s0 =	sand.u32 $0x18, s16;
	[sflag:s23] =	ssyncset.done $0x0  }
0xc7: {  	s6 =	sand.u32 $0x6, s16;
	s0 =	sadd.s32 s0, s13;
	[sflag:s23] =	ssyncadd.s32 $0xFFFFA000  }
0xc8: {  	s0 =	sld [smem:s0+s6];
	_ =	sdelay $0x2  }
0xc9: {  	s0 =	smul.u32 $0xC00, s0  }
0xca: {  	s28 =	simm.s32 $0x500  }
0xcb: {  	v2 =	vld [tilespmem:s28+$0xFFFFFD00];
	s0 =	sshra.s32 s0, $0x2  }
0xcc: {  	v3 =	vld [tilespmem:s0+$0xC200];
	_ =	sdelay $0x4  }
0xcd: {  	v2 =	vadd.f32 v3, v2;
	_ =	sdelay $0x1  }
0xce: {  	[tilespmem:s28+$0xFFFFFD00] =	vst v2;
	v2 =	vld [tilespmem:s28+$0xFFFFFD10]  }
0xcf: {  	v3 =	vld [tilespmem:s0+$0xC210];
	_ =	sdelay $0x4  }
0xd0: {  	v2 =	vadd.f32 v3, v2;
	_ =	sdelay $0x1  }
0xd1: {  	[tilespmem:s28+$0xFFFFFD10] =	vst v2;
	v2 =	vld [tilespmem:s28+$0xFFFFFD20]  }
0xd2: {  	v3 =	vld [tilespmem:s0+$0xC220];
	_ =	sdelay $0x4  }
0xd3: {  	v2 =	vadd.f32 v3, v2;
	_ =	sdelay $0x1  }
0xd4: {  	[tilespmem:s28+$0xFFFFFD20] =	vst v2;
	v2 =	vld [tilespmem:s28+$0xFFFFFD30]  }
0xd5: {  	v3 =	vld [tilespmem:s0+$0xC230];
	_ =	sdelay $0x4  }
0xd6: {  	v2 =	vadd.f32 v3, v2;
	_ =	sdelay $0x1  }
0xd7: {  	[tilespmem:s28+$0xFFFFFD30] =	vst v2;
	v2 =	vld [tilespmem:s28+$0xFFFFFD40]  }
0xd8: {  	v3 =	vld [tilespmem:s0+$0xC240];
	_ =	sdelay $0x4  }
0xd9: {  	v2 =	vadd.f32 v3, v2;
	_ =	sdelay $0x1  }
0xda: {  	[tilespmem:s28+$0xFFFFFD40] =	vst v2;
	v2 =	vld [tilespmem:s28+$0xFFFFFD50]  }
0xdb: {  	v3 =	vld [tilespmem:s0+$0xC250];
	_ =	sdelay $0x4  }
0xdc: {  	v2 =	vadd.f32 v3, v2;
	_ =	sdelay $0x1  }
0xdd: {  	[tilespmem:s28+$0xFFFFFD50] =	vst v2;
	v2 =	vld [tilespmem:s28+$0xFFFFFD60]  }
0xde: {  	v3 =	vld [tilespmem:s0+$0xC260];
	_ =	sdelay $0x4  }
0xdf: {  	v2 =	vadd.f32 v3, v2;
	_ =	sdelay $0x1  }
0xe0: {  	[tilespmem:s28+$0xFFFFFD60] =	vst v2;
	v2 =	vld [tilespmem:s28+$0xFFFFFD70]  }
0xe1: {  	v3 =	vld [tilespmem:s0+$0xC270];
	_ =	sdelay $0x4  }
0xe2: {  	v2 =	vadd.f32 v3, v2;
	_ =	sdelay $0x1  }
0xe3: {  	[tilespmem:s28+$0xFFFFFD70] =	vst v2;
	v2 =	vld [tilespmem:s28+$0xFFFFFD80]  }
0xe4: {  	v3 =	vld [tilespmem:s0+$0xC280];
	_ =	sdelay $0x4  }
0xe5: {  	v2 =	vadd.f32 v3, v2;
	_ =	sdelay $0x1  }
0xe6: {  	[tilespmem:s28+$0xFFFFFD80] =	vst v2;
	v2 =	vld [tilespmem:s28+$0xFFFFFD90]  }
0xe7: {  	v3 =	vld [tilespmem:s0+$0xC290];
	_ =	sdelay $0x4  }
0xe8: {  	v2 =	vadd.f32 v3, v2;
	_ =	sdelay $0x1  }
0xe9: {  	[tilespmem:s28+$0xFFFFFD90] =	vst v2;
	v2 =	vld [tilespmem:s28+$0xFFFFFDA0]  }
0xea: {  	v3 =	vld [tilespmem:s0+$0xC2A0];
	_ =	sdelay $0x4  }
0xeb: {  	v2 =	vadd.f32 v3, v2;
	_ =	sdelay $0x1  }
0xec: {  	[tilespmem:s28+$0xFFFFFDA0] =	vst v2;
	v2 =	vld [tilespmem:s28+$0xFFFFFDB0]  }
0xed: {  	v3 =	vld [tilespmem:s0+$0xC2B0];
	_ =	sdelay $0x4  }
0xee: {  	v2 =	vadd.f32 v3, v2;
	_ =	sdelay $0x1  }
0xef: {  	[tilespmem:s28+$0xFFFFFDB0] =	vst v2;
	v2 =	vld [tilespmem:s28+$0xFFFFFDC0]  }
0xf0: {  	v3 =	vld [tilespmem:s0+$0xC2C0];
	_ =	sdelay $0x4  }
0xf1: {  	v2 =	vadd.f32 v3, v2;
	_ =	sdelay $0x1  }
0xf2: {  	[tilespmem:s28+$0xFFFFFDC0] =	vst v2;
	v2 =	vld [tilespmem:s28+$0xFFFFFDD0]  }
0xf3: {  	v3 =	vld [tilespmem:s0+$0xC2D0];
	_ =	sdelay $0x4  }
0xf4: {  	v2 =	vadd.f32 v3, v2;
	_ =	sdelay $0x1  }
0xf5: {  	[tilespmem:s28+$0xFFFFFDD0] =	vst v2;
	v2 =	vld [tilespmem:s28+$0xFFFFFDE0]  }
0xf6: {  	v3 =	vld [tilespmem:s0+$0xC2E0];
	_ =	sdelay $0x4  }
0xf7: {  	v2 =	vadd.f32 v3, v2;
	_ =	sdelay $0x1  }
0xf8: {  	[tilespmem:s28+$0xFFFFFDE0] =	vst v2;
	v2 =	vld [tilespmem:s28+$0xFFFFFDF0]  }
0xf9: {  	v3 =	vld [tilespmem:s0+$0xC2F0];
	_ =	sdelay $0x4  }
0xfa: {  	v2 =	vadd.f32 v3, v2;
	_ =	sdelay $0x1  }
0xfb: {  	[tilespmem:s28+$0xFFFFFDF0] =	vst v2;
	v2 =	vld [tilespmem:s28+$0xFFFFFE00]  }
0xfc: {  	v3 =	vld [tilespmem:s0+$0xC300];
	_ =	sdelay $0x4  }
0xfd: {  	v2 =	vadd.f32 v3, v2;
	_ =	sdelay $0x1  }
0xfe: {  	[tilespmem:s28+$0xFFFFFE00] =	vst v2;
	v2 =	vld [tilespmem:s28+$0xFFFFFE10]  }
0xff: {  	v3 =	vld [tilespmem:s0+$0xC310];
	_ =	sdelay $0x4  }
0x100: {  	v2 =	vadd.f32 v3, v2;
	_ =	sdelay $0x1  }
0x101: {  	[tilespmem:s28+$0xFFFFFE10] =	vst v2;
	v2 =	vld [tilespmem:s28+$0xFFFFFE20]  }
0x102: {  	v3 =	vld [tilespmem:s0+$0xC320];
	_ =	sdelay $0x4  }
0x103: {  	v2 =	vadd.f32 v3, v2;
	_ =	sdelay $0x1  }
0x104: {  	[tilespmem:s28+$0xFFFFFE20] =	vst v2;
	v2 =	vld [tilespmem:s28+$0xFFFFFE30]  }
0x105: {  	v3 =	vld [tilespmem:s0+$0xC330];
	_ =	sdelay $0x4  }
0x106: {  	v2 =	vadd.f32 v3, v2;
	_ =	sdelay $0x1  }
0x107: {  	[tilespmem:s28+$0xFFFFFE30] =	vst v2;
	v2 =	vld [tilespmem:s28+$0xFFFFFE40]  }
0x108: {  	v3 =	vld [tilespmem:s0+$0xC340];
	_ =	sdelay $0x4  }
0x109: {  	v2 =	vadd.f32 v3, v2;
	_ =	sdelay $0x1  }
0x10a: {  	[tilespmem:s28+$0xFFFFFE40] =	vst v2;
	v2 =	vld [tilespmem:s28+$0xFFFFFE50]  }
0x10b: {  	v3 =	vld [tilespmem:s0+$0xC350];
	_ =	sdelay $0x4  }
0x10c: {  	v2 =	vadd.f32 v3, v2;
	_ =	sdelay $0x1  }
0x10d: {  	[tilespmem:s28+$0xFFFFFE50] =	vst v2;
	v2 =	vld [tilespmem:s28+$0xFFFFFE60]  }
0x10e: {  	v3 =	vld [tilespmem:s0+$0xC360];
	_ =	sdelay $0x4  }
0x10f: {  	v2 =	vadd.f32 v3, v2;
	_ =	sdelay $0x1  }
0x110: {  	[tilespmem:s28+$0xFFFFFE60] =	vst v2;
	v2 =	vld [tilespmem:s28+$0xFFFFFE70]  }
0x111: {  	v3 =	vld [tilespmem:s0+$0xC370];
	_ =	sdelay $0x4  }
0x112: {  	v2 =	vadd.f32 v3, v2;
	_ =	sdelay $0x1  }
0x113: {  	[tilespmem:s28+$0xFFFFFE70] =	vst v2;
	v2 =	vld [tilespmem:s28+$0xFFFFFE80]  }
0x114: {  	v3 =	vld [tilespmem:s0+$0xC380];
	_ =	sdelay $0x4  }
0x115: {  	v2 =	vadd.f32 v3, v2;
	_ =	sdelay $0x1  }
0x116: {  	[tilespmem:s28+$0xFFFFFE80] =	vst v2;
	v2 =	vld [tilespmem:s28+$0xFFFFFE90]  }
0x117: {  	v3 =	vld [tilespmem:s0+$0xC390];
	_ =	sdelay $0x4  }
0x118: {  	v2 =	vadd.f32 v3, v2;
	_ =	sdelay $0x1  }
0x119: {  	[tilespmem:s28+$0xFFFFFE90] =	vst v2;
	v2 =	vld [tilespmem:s28+$0xFFFFFEA0]  }
0x11a: {  	v3 =	vld [tilespmem:s0+$0xC3A0];
	_ =	sdelay $0x4  }
0x11b: {  	v2 =	vadd.f32 v3, v2;
	_ =	sdelay $0x1  }
0x11c: {  	[tilespmem:s28+$0xFFFFFEA0] =	vst v2;
	v2 =	vld [tilespmem:s28+$0xFFFFFEB0]  }
0x11d: {  	v3 =	vld [tilespmem:s0+$0xC3B0];
	_ =	sdelay $0x4  }
0x11e: {  	v2 =	vadd.f32 v3, v2;
	_ =	sdelay $0x1  }
0x11f: {  	[tilespmem:s28+$0xFFFFFEB0] =	vst v2;
	v2 =	vld [tilespmem:s28+$0xFFFFFEC0]  }
0x120: {  	v3 =	vld [tilespmem:s0+$0xC3C0];
	_ =	sdelay $0x4  }
0x121: {  	v2 =	vadd.f32 v3, v2;
	_ =	sdelay $0x1  }
0x122: {  	[tilespmem:s28+$0xFFFFFEC0] =	vst v2;
	v2 =	vld [tilespmem:s28+$0xFFFFFED0]  }
0x123: {  	v3 =	vld [tilespmem:s0+$0xC3D0];
	_ =	sdelay $0x4  }
0x124: {  	v2 =	vadd.f32 v3, v2;
	_ =	sdelay $0x1  }
0x125: {  	[tilespmem:s28+$0xFFFFFED0] =	vst v2;
	v2 =	vld [tilespmem:s28+$0xFFFFFEE0]  }
0x126: {  	v3 =	vld [tilespmem:s0+$0xC3E0];
	_ =	sdelay $0x4  }
0x127: {  	v2 =	vadd.f32 v3, v2;
	_ =	sdelay $0x1  }
0x128: {  	[tilespmem:s28+$0xFFFFFEE0] =	vst v2;
	v2 =	vld [tilespmem:s28+$0xFFFFFEF0]  }
0x129: {  	v3 =	vld [tilespmem:s0+$0xC3F0];
	_ =	sdelay $0x4  }
0x12a: {  	v2 =	vadd.f32 v3, v2;
	_ =	sdelay $0x1  }
0x12b: {  	[tilespmem:s28+$0xFFFFFEF0] =	vst v2;
	v2 =	vld [tilespmem:s28+$0xFFFFFF00]  }
0x12c: {  	v3 =	vld [tilespmem:s0+$0xC400];
	_ =	sdelay $0x4  }
0x12d: {  	v2 =	vadd.f32 v3, v2;
	_ =	sdelay $0x1  }
0x12e: {  	[tilespmem:s28+$0xFFFFFF00] =	vst v2;
	v2 =	vld [tilespmem:s28+$0xFFFFFF10]  }
0x12f: {  	v3 =	vld [tilespmem:s0+$0xC410];
	_ =	sdelay $0x4  }
0x130: {  	v2 =	vadd.f32 v3, v2;
	_ =	sdelay $0x1  }
0x131: {  	[tilespmem:s28+$0xFFFFFF10] =	vst v2;
	v2 =	vld [tilespmem:s28+$0xFFFFFF20]  }
0x132: {  	v3 =	vld [tilespmem:s0+$0xC420];
	_ =	sdelay $0x4  }
0x133: {  	v2 =	vadd.f32 v3, v2;
	_ =	sdelay $0x1  }
0x134: {  	[tilespmem:s28+$0xFFFFFF20] =	vst v2;
	v2 =	vld [tilespmem:s28+$0xFFFFFF30]  }
0x135: {  	v3 =	vld [tilespmem:s0+$0xC430];
	_ =	sdelay $0x4  }
0x136: {  	v2 =	vadd.f32 v3, v2;
	_ =	sdelay $0x1  }
0x137: {  	[tilespmem:s28+$0xFFFFFF30] =	vst v2;
	v2 =	vld [tilespmem:s28+$0xFFFFFF40]  }
0x138: {  	v3 =	vld [tilespmem:s0+$0xC440];
	_ =	sdelay $0x4  }
0x139: {  	v2 =	vadd.f32 v3, v2;
	_ =	sdelay $0x1  }
0x13a: {  	[tilespmem:s28+$0xFFFFFF40] =	vst v2;
	v2 =	vld [tilespmem:s28+$0xFFFFFF50]  }
0x13b: {  	v3 =	vld [tilespmem:s0+$0xC450];
	_ =	sdelay $0x4  }
0x13c: {  	v2 =	vadd.f32 v3, v2;
	_ =	sdelay $0x1  }
0x13d: {  	[tilespmem:s28+$0xFFFFFF50] =	vst v2;
	v2 =	vld [tilespmem:s28+$0xFFFFFF60]  }
0x13e: {  	v3 =	vld [tilespmem:s0+$0xC460];
	_ =	sdelay $0x4  }
0x13f: {  	v2 =	vadd.f32 v3, v2;
	_ =	sdelay $0x1  }
0x140: {  	[tilespmem:s28+$0xFFFFFF60] =	vst v2;
	v2 =	vld [tilespmem:s28+$0xFFFFFF70]  }
0x141: {  	v3 =	vld [tilespmem:s0+$0xC470];
	_ =	sdelay $0x4  }
0x142: {  	v2 =	vadd.f32 v3, v2;
	_ =	sdelay $0x1  }
0x143: {  	[tilespmem:s28+$0xFFFFFF70] =	vst v2;
	v2 =	vld [tilespmem:s28+$0xFFFFFF80]  }
0x144: {  	v3 =	vld [tilespmem:s0+$0xC480];
	_ =	sdelay $0x4  }
0x145: {  	v2 =	vadd.f32 v3, v2;
	_ =	sdelay $0x1  }
0x146: {  	[tilespmem:s28+$0xFFFFFF80] =	vst v2;
	v2 =	vld [tilespmem:s28+$0xFFFFFF90]  }
0x147: {  	v3 =	vld [tilespmem:s0+$0xC490];
	_ =	sdelay $0x4  }
0x148: {  	v2 =	vadd.f32 v3, v2;
	_ =	sdelay $0x1  }
0x149: {  	[tilespmem:s28+$0xFFFFFF90] =	vst v2;
	v2 =	vld [tilespmem:s28+$0xFFFFFFA0]  }
0x14a: {  	v3 =	vld [tilespmem:s0+$0xC4A0];
	_ =	sdelay $0x4  }
0x14b: {  	v2 =	vadd.f32 v3, v2;
	_ =	sdelay $0x1  }
0x14c: {  	[tilespmem:s28+$0xFFFFFFA0] =	vst v2;
	v2 =	vld [tilespmem:s28+$0xFFFFFFB0]  }
0x14d: {  	v3 =	vld [tilespmem:s0+$0xC4B0];
	_ =	sdelay $0x4  }
0x14e: {  	v2 =	vadd.f32 v3, v2;
	_ =	sdelay $0x1  }
0x14f: {  	[tilespmem:s28+$0xFFFFFFB0] =	vst v2;
	v2 =	vld [tilespmem:s28+$0xFFFFFFC0]  }
0x150: {  	v3 =	vld [tilespmem:s0+$0xC4C0];
	_ =	sdelay $0x4  }
0x151: {  	v2 =	vadd.f32 v3, v2;
	_ =	sdelay $0x1  }
0x152: {  	[tilespmem:s28+$0xFFFFFFC0] =	vst v2;
	v2 =	vld [tilespmem:s28+$0xFFFFFFD0]  }
0x153: {  	v3 =	vld [tilespmem:s0+$0xC4D0];
	_ =	sdelay $0x4  }
0x154: {  	v2 =	vadd.f32 v3, v2;
	_ =	sdelay $0x1  }
0x155: {  	[tilespmem:s28+$0xFFFFFFD0] =	vst v2;
	v2 =	vld [tilespmem:s28+$0xFFFFFFE0]  }
0x156: {  	v3 =	vld [tilespmem:s0+$0xC4E0];
	_ =	sdelay $0x4  }
0x157: {  	v2 =	vadd.f32 v3, v2;
	_ =	sdelay $0x1  }
0x158: {  	[tilespmem:s28+$0xFFFFFFE0] =	vst v2;
	v2 =	vld [tilespmem:s28+$0xFFFFFFF0]  }
0x159: {  	v3 =	vld [tilespmem:s0+$0xC4F0];
	_ =	sdelay $0x1  }
0x15a: {  	s20 =	sld [smem:s21+$0x0];
	_ =	sdelay $0x2  }
0x15b: {  	s0 =	smul.u32 $0xC00, s20;
	v2 =	vadd.f32 v3, v2;
	_ =	sdelay $0x1  }
0x15c: {  	s6 =	sshra.s32 s0, $0x2;
	[tilespmem:s28+$0xFFFFFFF0] =	vst v2;
	v2 =	vld [tilespmem:s28+$0x0]  }
0x15d: {  	v3 =	vld [tilespmem:s6+$0xC200];
	_ =	sdelay $0x4  }
0x15e: {  	v2 =	vadd.f32 v3, v2;
	_ =	sdelay $0x1  }
0x15f: {  	[tilespmem:s28+$0x0] =	vst v2;
	v2 =	vld [tilespmem:s28+$0x10]  }
0x160: {  	v3 =	vld [tilespmem:s6+$0xC210];
	_ =	sdelay $0x4  }
0x161: {  	v2 =	vadd.f32 v3, v2;
	_ =	sdelay $0x1  }
0x162: {  	[tilespmem:s28+$0x10] =	vst v2;
	v2 =	vld [tilespmem:s28+$0x20]  }
0x163: {  	v3 =	vld [tilespmem:s6+$0xC220];
	_ =	sdelay $0x4  }
0x164: {  	v2 =	vadd.f32 v3, v2;
	_ =	sdelay $0x1  }
0x165: {  	[tilespmem:s28+$0x20] =	vst v2;
	v2 =	vld [tilespmem:s28+$0x30]  }
0x166: {  	v3 =	vld [tilespmem:s6+$0xC230];
	_ =	sdelay $0x4  }
0x167: {  	v2 =	vadd.f32 v3, v2;
	_ =	sdelay $0x1  }
0x168: {  	[tilespmem:s28+$0x30] =	vst v2;
	v2 =	vld [tilespmem:s28+$0x40]  }
0x169: {  	v3 =	vld [tilespmem:s6+$0xC240];
	_ =	sdelay $0x4  }
0x16a: {  	v2 =	vadd.f32 v3, v2;
	_ =	sdelay $0x1  }
0x16b: {  	[tilespmem:s28+$0x40] =	vst v2;
	v2 =	vld [tilespmem:s28+$0x50]  }
0x16c: {  	v3 =	vld [tilespmem:s6+$0xC250];
	_ =	sdelay $0x4  }
0x16d: {  	v2 =	vadd.f32 v3, v2;
	_ =	sdelay $0x1  }
0x16e: {  	[tilespmem:s28+$0x50] =	vst v2;
	v2 =	vld [tilespmem:s28+$0x60]  }
0x16f: {  	v3 =	vld [tilespmem:s6+$0xC260];
	_ =	sdelay $0x4  }
0x170: {  	v2 =	vadd.f32 v3, v2;
	_ =	sdelay $0x1  }
0x171: {  	[tilespmem:s28+$0x60] =	vst v2;
	v2 =	vld [tilespmem:s28+$0x70]  }
0x172: {  	v3 =	vld [tilespmem:s6+$0xC270];
	_ =	sdelay $0x4  }
0x173: {  	v2 =	vadd.f32 v3, v2;
	_ =	sdelay $0x1  }
0x174: {  	[tilespmem:s28+$0x70] =	vst v2;
	v2 =	vld [tilespmem:s28+$0x80]  }
0x175: {  	v3 =	vld [tilespmem:s6+$0xC280];
	_ =	sdelay $0x4  }
0x176: {  	v2 =	vadd.f32 v3, v2;
	_ =	sdelay $0x1  }
0x177: {  	[tilespmem:s28+$0x80] =	vst v2;
	v2 =	vld [tilespmem:s28+$0x90]  }
0x178: {  	v3 =	vld [tilespmem:s6+$0xC290];
	_ =	sdelay $0x4  }
0x179: {  	v2 =	vadd.f32 v3, v2;
	_ =	sdelay $0x1  }
0x17a: {  	[tilespmem:s28+$0x90] =	vst v2;
	v2 =	vld [tilespmem:s28+$0xA0]  }
0x17b: {  	v3 =	vld [tilespmem:s6+$0xC2A0];
	_ =	sdelay $0x4  }
0x17c: {  	v2 =	vadd.f32 v3, v2;
	_ =	sdelay $0x1  }
0x17d: {  	[tilespmem:s28+$0xA0] =	vst v2;
	v2 =	vld [tilespmem:s28+$0xB0]  }
0x17e: {  	v3 =	vld [tilespmem:s6+$0xC2B0];
	_ =	sdelay $0x4  }
0x17f: {  	v2 =	vadd.f32 v3, v2;
	_ =	sdelay $0x1  }
0x180: {  	[tilespmem:s28+$0xB0] =	vst v2;
	v2 =	vld [tilespmem:s28+$0xC0]  }
0x181: {  	v3 =	vld [tilespmem:s6+$0xC2C0];
	_ =	sdelay $0x4  }
0x182: {  	v2 =	vadd.f32 v3, v2;
	_ =	sdelay $0x1  }
0x183: {  	[tilespmem:s28+$0xC0] =	vst v2;
	v2 =	vld [tilespmem:s28+$0xD0]  }
0x184: {  	v3 =	vld [tilespmem:s6+$0xC2D0];
	_ =	sdelay $0x4  }
0x185: {  	v2 =	vadd.f32 v3, v2;
	_ =	sdelay $0x1  }
0x186: {  	[tilespmem:s28+$0xD0] =	vst v2;
	v2 =	vld [tilespmem:s28+$0xE0]  }
0x187: {  	v3 =	vld [tilespmem:s6+$0xC2E0];
	_ =	sdelay $0x4  }
0x188: {  	v2 =	vadd.f32 v3, v2;
	_ =	sdelay $0x1  }
0x189: {  	[tilespmem:s28+$0xE0] =	vst v2;
	v2 =	vld [tilespmem:s28+$0xF0]  }
0x18a: {  	v3 =	vld [tilespmem:s6+$0xC2F0];
	_ =	sdelay $0x4  }
0x18b: {  	v2 =	vadd.f32 v3, v2;
	_ =	sdelay $0x1  }
0x18c: {  	[tilespmem:s28+$0xF0] =	vst v2;
	v2 =	vld [tilespmem:s28+$0x100]  }
0x18d: {  	v3 =	vld [tilespmem:s6+$0xC300];
	_ =	sdelay $0x4  }
0x18e: {  	v2 =	vadd.f32 v3, v2;
	_ =	sdelay $0x1  }
0x18f: {  	[tilespmem:s28+$0x100] =	vst v2;
	v2 =	vld [tilespmem:s28+$0x110]  }
0x190: {  	v3 =	vld [tilespmem:s6+$0xC310];
	_ =	sdelay $0x4  }
0x191: {  	v2 =	vadd.f32 v3, v2;
	_ =	sdelay $0x1  }
0x192: {  	[tilespmem:s28+$0x110] =	vst v2;
	v2 =	vld [tilespmem:s28+$0x120]  }
0x193: {  	v3 =	vld [tilespmem:s6+$0xC320];
	_ =	sdelay $0x4  }
0x194: {  	v2 =	vadd.f32 v3, v2;
	_ =	sdelay $0x1  }
0x195: {  	[tilespmem:s28+$0x120] =	vst v2;
	v2 =	vld [tilespmem:s28+$0x130]  }
0x196: {  	v3 =	vld [tilespmem:s6+$0xC330];
	_ =	sdelay $0x4  }
0x197: {  	v2 =	vadd.f32 v3, v2;
	_ =	sdelay $0x1  }
0x198: {  	[tilespmem:s28+$0x130] =	vst v2;
	v2 =	vld [tilespmem:s28+$0x140]  }
0x199: {  	v3 =	vld [tilespmem:s6+$0xC340];
	_ =	sdelay $0x4  }
0x19a: {  	v2 =	vadd.f32 v3, v2;
	_ =	sdelay $0x1  }
0x19b: {  	[tilespmem:s28+$0x140] =	vst v2;
	v2 =	vld [tilespmem:s28+$0x150]  }
0x19c: {  	v3 =	vld [tilespmem:s6+$0xC350];
	_ =	sdelay $0x4  }
0x19d: {  	v2 =	vadd.f32 v3, v2;
	_ =	sdelay $0x1  }
0x19e: {  	[tilespmem:s28+$0x150] =	vst v2;
	v2 =	vld [tilespmem:s28+$0x160]  }
0x19f: {  	v3 =	vld [tilespmem:s6+$0xC360];
	_ =	sdelay $0x4  }
0x1a0: {  	v2 =	vadd.f32 v3, v2;
	_ =	sdelay $0x1  }
0x1a1: {  	[tilespmem:s28+$0x160] =	vst v2;
	v2 =	vld [tilespmem:s28+$0x170]  }
0x1a2: {  	v3 =	vld [tilespmem:s6+$0xC370];
	_ =	sdelay $0x4  }
0x1a3: {  	v2 =	vadd.f32 v3, v2;
	_ =	sdelay $0x1  }
0x1a4: {  	[tilespmem:s28+$0x170] =	vst v2;
	v2 =	vld [tilespmem:s28+$0x180]  }
0x1a5: {  	v3 =	vld [tilespmem:s6+$0xC380];
	_ =	sdelay $0x4  }
0x1a6: {  	v2 =	vadd.f32 v3, v2;
	_ =	sdelay $0x1  }
0x1a7: {  	[tilespmem:s28+$0x180] =	vst v2;
	v2 =	vld [tilespmem:s28+$0x190]  }
0x1a8: {  	v3 =	vld [tilespmem:s6+$0xC390];
	_ =	sdelay $0x4  }
0x1a9: {  	v2 =	vadd.f32 v3, v2;
	_ =	sdelay $0x1  }
0x1aa: {  	[tilespmem:s28+$0x190] =	vst v2;
	v2 =	vld [tilespmem:s28+$0x1A0]  }
0x1ab: {  	v3 =	vld [tilespmem:s6+$0xC3A0];
	_ =	sdelay $0x4  }
0x1ac: {  	v2 =	vadd.f32 v3, v2;
	_ =	sdelay $0x1  }
0x1ad: {  	[tilespmem:s28+$0x1A0] =	vst v2;
	v2 =	vld [tilespmem:s28+$0x1B0]  }
0x1ae: {  	v3 =	vld [tilespmem:s6+$0xC3B0];
	_ =	sdelay $0x4  }
0x1af: {  	v2 =	vadd.f32 v3, v2;
	_ =	sdelay $0x1  }
0x1b0: {  	[tilespmem:s28+$0x1B0] =	vst v2;
	v2 =	vld [tilespmem:s28+$0x1C0]  }
0x1b1: {  	v3 =	vld [tilespmem:s6+$0xC3C0];
	_ =	sdelay $0x4  }
0x1b2: {  	v2 =	vadd.f32 v3, v2;
	_ =	sdelay $0x1  }
0x1b3: {  	[tilespmem:s28+$0x1C0] =	vst v2;
	v2 =	vld [tilespmem:s28+$0x1D0]  }
0x1b4: {  	v3 =	vld [tilespmem:s6+$0xC3D0];
	_ =	sdelay $0x4  }
0x1b5: {  	v2 =	vadd.f32 v3, v2;
	_ =	sdelay $0x1  }
0x1b6: {  	[tilespmem:s28+$0x1D0] =	vst v2;
	v2 =	vld [tilespmem:s28+$0x1E0]  }
0x1b7: {  	v3 =	vld [tilespmem:s6+$0xC3E0];
	_ =	sdelay $0x4  }
0x1b8: {  	v2 =	vadd.f32 v3, v2;
	_ =	sdelay $0x1  }
0x1b9: {  	[tilespmem:s28+$0x1E0] =	vst v2;
	v2 =	vld [tilespmem:s28+$0x1F0]  }
0x1ba: {  	v3 =	vld [tilespmem:s6+$0xC3F0];
	_ =	sdelay $0x4  }
0x1bb: {  	v2 =	vadd.f32 v3, v2;
	_ =	sdelay $0x1  }
0x1bc: {  	[tilespmem:s28+$0x1F0] =	vst v2;
	v2 =	vld [tilespmem:s28+$0x200]  }
0x1bd: {  	v3 =	vld [tilespmem:s6+$0xC400];
	_ =	sdelay $0x4  }
0x1be: {  	v2 =	vadd.f32 v3, v2;
	_ =	sdelay $0x1  }
0x1bf: {  	[tilespmem:s28+$0x200] =	vst v2;
	v2 =	vld [tilespmem:s28+$0x210]  }
0x1c0: {  	v3 =	vld [tilespmem:s6+$0xC410];
	_ =	sdelay $0x4  }
0x1c1: {  	v2 =	vadd.f32 v3, v2;
	_ =	sdelay $0x1  }
0x1c2: {  	[tilespmem:s28+$0x210] =	vst v2;
	v2 =	vld [tilespmem:s28+$0x220]  }
0x1c3: {  	v3 =	vld [tilespmem:s6+$0xC420];
	_ =	sdelay $0x4  }
0x1c4: {  	v2 =	vadd.f32 v3, v2;
	_ =	sdelay $0x1  }
0x1c5: {  	[tilespmem:s28+$0x220] =	vst v2;
	v2 =	vld [tilespmem:s28+$0x230]  }
0x1c6: {  	v3 =	vld [tilespmem:s6+$0xC430];
	_ =	sdelay $0x4  }
0x1c7: {  	v2 =	vadd.f32 v3, v2;
	_ =	sdelay $0x1  }
0x1c8: {  	[tilespmem:s28+$0x230] =	vst v2;
	v2 =	vld [tilespmem:s28+$0x240]  }
0x1c9: {  	v3 =	vld [tilespmem:s6+$0xC440];
	_ =	sdelay $0x4  }
0x1ca: {  	v2 =	vadd.f32 v3, v2;
	_ =	sdelay $0x1  }
0x1cb: {  	[tilespmem:s28+$0x240] =	vst v2;
	v2 =	vld [tilespmem:s28+$0x250]  }
0x1cc: {  	v3 =	vld [tilespmem:s6+$0xC450];
	_ =	sdelay $0x4  }
0x1cd: {  	v2 =	vadd.f32 v3, v2;
	_ =	sdelay $0x1  }
0x1ce: {  	[tilespmem:s28+$0x250] =	vst v2;
	v2 =	vld [tilespmem:s28+$0x260]  }
0x1cf: {  	v3 =	vld [tilespmem:s6+$0xC460];
	_ =	sdelay $0x4  }
0x1d0: {  	v2 =	vadd.f32 v3, v2;
	_ =	sdelay $0x1  }
0x1d1: {  	[tilespmem:s28+$0x260] =	vst v2;
	v2 =	vld [tilespmem:s28+$0x270]  }
0x1d2: {  	v3 =	vld [tilespmem:s6+$0xC470];
	_ =	sdelay $0x4  }
0x1d3: {  	v2 =	vadd.f32 v3, v2;
	_ =	sdelay $0x1  }
0x1d4: {  	[tilespmem:s28+$0x270] =	vst v2;
	v2 =	vld [tilespmem:s28+$0x280]  }
0x1d5: {  	v3 =	vld [tilespmem:s6+$0xC480];
	_ =	sdelay $0x4  }
0x1d6: {  	v2 =	vadd.f32 v3, v2;
	_ =	sdelay $0x1  }
0x1d7: {  	[tilespmem:s28+$0x280] =	vst v2;
	v2 =	vld [tilespmem:s28+$0x290]  }
0x1d8: {  	v3 =	vld [tilespmem:s6+$0xC490];
	_ =	sdelay $0x4  }
0x1d9: {  	v2 =	vadd.f32 v3, v2;
	_ =	sdelay $0x1  }
0x1da: {  	[tilespmem:s28+$0x290] =	vst v2;
	v2 =	vld [tilespmem:s28+$0x2A0]  }
0x1db: {  	v3 =	vld [tilespmem:s6+$0xC4A0];
	_ =	sdelay $0x4  }
0x1dc: {  	v2 =	vadd.f32 v3, v2;
	_ =	sdelay $0x1  }
0x1dd: {  	[tilespmem:s28+$0x2A0] =	vst v2;
	v2 =	vld [tilespmem:s28+$0x2B0]  }
0x1de: {  	v3 =	vld [tilespmem:s6+$0xC4B0];
	_ =	sdelay $0x4  }
0x1df: {  	v2 =	vadd.f32 v3, v2;
	_ =	sdelay $0x1  }
0x1e0: {  	[tilespmem:s28+$0x2B0] =	vst v2;
	v2 =	vld [tilespmem:s28+$0x2C0]  }
0x1e1: {  	v3 =	vld [tilespmem:s6+$0xC4C0];
	_ =	sdelay $0x4  }
0x1e2: {  	v2 =	vadd.f32 v3, v2;
	_ =	sdelay $0x1  }
0x1e3: {  	[tilespmem:s28+$0x2C0] =	vst v2;
	v2 =	vld [tilespmem:s28+$0x2D0]  }
0x1e4: {  	v3 =	vld [tilespmem:s6+$0xC4D0];
	_ =	sdelay $0x4  }
0x1e5: {  	v2 =	vadd.f32 v3, v2;
	_ =	sdelay $0x1  }
0x1e6: {  	[tilespmem:s28+$0x2D0] =	vst v2;
	v2 =	vld [tilespmem:s28+$0x2E0]  }
0x1e7: {  	v3 =	vld [tilespmem:s6+$0xC4E0];
	_ =	sdelay $0x4  }
0x1e8: {  	s19 =	simm.s32 $0x500;
	s20 =	sshll.u32 s31, $0x1;
	s0 =	smov.u32 s21;
	v2 =	vadd.f32 v3, v2  }
.LBB2_6:
0x1e9: {  	_ = 	snop  }
0x1ea: {  	s16 =	sadd.s32 $0x2, s16;
	[tilespmem:s28+$0x2E0] =	vst v2;
	v2 =	vld [tilespmem:s28+$0x2F0]  }
0x1eb: {  	s7 =	sand.u32 $0x18, s16;
	p0 =	slt.u32 s16, $0x1E;
	v3 =	vld [tilespmem:s6+$0xC4F0]  }
0x1ec: {  	s6 =	sand.u32 $0x6, s16;
	s7 =	sadd.s32 s7, s13  }
0x1ed: {  	s6 =	sld [smem:s7+s6];
	_ =	sdelay $0x2  }
0x1ee: {  	s6 =	smul.u32 $0xC00, s6;
	v2 =	vadd.f32 v3, v2  }
0x1ef: {  	s28 =	sadd.s32 $0x600, s28  }
0x1f0: {  	s6 =	sshra.s32 s6, $0x2;
	v3 =	vld [tilespmem:s28+$0xFFFFFD00];
	[tilespmem:s19+$0x2F0] =	vst v2;
	s19 =	smov.u32 s28  }
0x1f1: {  	v2 =	vld [tilespmem:s6+$0xC200];
	_ =	sdelay $0x4  }
0x1f2: {  	v2 =	vadd.f32 v2, v3;
	_ =	sdelay $0x1  }
0x1f3: {  	[tilespmem:s28+$0xFFFFFD00] =	vst v2;
	v2 =	vld [tilespmem:s28+$0xFFFFFD10]  }
0x1f4: {  	v3 =	vld [tilespmem:s6+$0xC210];
	_ =	sdelay $0x4  }
0x1f5: {  	v2 =	vadd.f32 v3, v2;
	_ =	sdelay $0x1  }
0x1f6: {  	[tilespmem:s28+$0xFFFFFD10] =	vst v2;
	v2 =	vld [tilespmem:s28+$0xFFFFFD20]  }
0x1f7: {  	v3 =	vld [tilespmem:s6+$0xC220];
	_ =	sdelay $0x4  }
0x1f8: {  	v2 =	vadd.f32 v3, v2;
	_ =	sdelay $0x1  }
0x1f9: {  	[tilespmem:s28+$0xFFFFFD20] =	vst v2;
	v2 =	vld [tilespmem:s28+$0xFFFFFD30]  }
0x1fa: {  	v3 =	vld [tilespmem:s6+$0xC230];
	_ =	sdelay $0x4  }
0x1fb: {  	v2 =	vadd.f32 v3, v2;
	_ =	sdelay $0x1  }
0x1fc: {  	[tilespmem:s28+$0xFFFFFD30] =	vst v2;
	v2 =	vld [tilespmem:s28+$0xFFFFFD40]  }
0x1fd: {  	v3 =	vld [tilespmem:s6+$0xC240];
	_ =	sdelay $0x4  }
0x1fe: {  	v2 =	vadd.f32 v3, v2;
	_ =	sdelay $0x1  }
0x1ff: {  	[tilespmem:s28+$0xFFFFFD40] =	vst v2;
	v2 =	vld [tilespmem:s28+$0xFFFFFD50]  }
0x200: {  	v3 =	vld [tilespmem:s6+$0xC250];
	_ =	sdelay $0x4  }
0x201: {  	v2 =	vadd.f32 v3, v2;
	_ =	sdelay $0x1  }
0x202: {  	[tilespmem:s28+$0xFFFFFD50] =	vst v2;
	v2 =	vld [tilespmem:s28+$0xFFFFFD60]  }
0x203: {  	v3 =	vld [tilespmem:s6+$0xC260];
	_ =	sdelay $0x4  }
0x204: {  	v2 =	vadd.f32 v3, v2;
	_ =	sdelay $0x1  }
0x205: {  	[tilespmem:s28+$0xFFFFFD60] =	vst v2;
	v2 =	vld [tilespmem:s28+$0xFFFFFD70]  }
0x206: {  	v3 =	vld [tilespmem:s6+$0xC270];
	_ =	sdelay $0x4  }
0x207: {  	v2 =	vadd.f32 v3, v2;
	_ =	sdelay $0x1  }
0x208: {  	[tilespmem:s28+$0xFFFFFD70] =	vst v2;
	v2 =	vld [tilespmem:s28+$0xFFFFFD80]  }
0x209: {  	v3 =	vld [tilespmem:s6+$0xC280];
	_ =	sdelay $0x4  }
0x20a: {  	v2 =	vadd.f32 v3, v2;
	_ =	sdelay $0x1  }
0x20b: {  	[tilespmem:s28+$0xFFFFFD80] =	vst v2;
	v2 =	vld [tilespmem:s28+$0xFFFFFD90]  }
0x20c: {  	v3 =	vld [tilespmem:s6+$0xC290];
	_ =	sdelay $0x4  }
0x20d: {  	v2 =	vadd.f32 v3, v2;
	_ =	sdelay $0x1  }
0x20e: {  	[tilespmem:s28+$0xFFFFFD90] =	vst v2;
	v2 =	vld [tilespmem:s28+$0xFFFFFDA0]  }
0x20f: {  	v3 =	vld [tilespmem:s6+$0xC2A0];
	_ =	sdelay $0x4  }
0x210: {  	v2 =	vadd.f32 v3, v2;
	_ =	sdelay $0x1  }
0x211: {  	[tilespmem:s28+$0xFFFFFDA0] =	vst v2;
	v2 =	vld [tilespmem:s28+$0xFFFFFDB0]  }
0x212: {  	v3 =	vld [tilespmem:s6+$0xC2B0];
	_ =	sdelay $0x4  }
0x213: {  	v2 =	vadd.f32 v3, v2;
	_ =	sdelay $0x1  }
0x214: {  	[tilespmem:s28+$0xFFFFFDB0] =	vst v2;
	v2 =	vld [tilespmem:s28+$0xFFFFFDC0]  }
0x215: {  	v3 =	vld [tilespmem:s6+$0xC2C0];
	_ =	sdelay $0x4  }
0x216: {  	v2 =	vadd.f32 v3, v2;
	_ =	sdelay $0x1  }
0x217: {  	[tilespmem:s28+$0xFFFFFDC0] =	vst v2;
	v2 =	vld [tilespmem:s28+$0xFFFFFDD0]  }
0x218: {  	v3 =	vld [tilespmem:s6+$0xC2D0];
	_ =	sdelay $0x4  }
0x219: {  	v2 =	vadd.f32 v3, v2;
	_ =	sdelay $0x1  }
0x21a: {  	[tilespmem:s28+$0xFFFFFDD0] =	vst v2;
	v2 =	vld [tilespmem:s28+$0xFFFFFDE0]  }
0x21b: {  	v3 =	vld [tilespmem:s6+$0xC2E0];
	_ =	sdelay $0x4  }
0x21c: {  	v2 =	vadd.f32 v3, v2;
	_ =	sdelay $0x1  }
0x21d: {  	[tilespmem:s28+$0xFFFFFDE0] =	vst v2;
	v2 =	vld [tilespmem:s28+$0xFFFFFDF0]  }
0x21e: {  	v3 =	vld [tilespmem:s6+$0xC2F0];
	_ =	sdelay $0x4  }
0x21f: {  	v2 =	vadd.f32 v3, v2;
	_ =	sdelay $0x1  }
0x220: {  	[tilespmem:s28+$0xFFFFFDF0] =	vst v2;
	v2 =	vld [tilespmem:s28+$0xFFFFFE00]  }
0x221: {  	v3 =	vld [tilespmem:s6+$0xC300];
	_ =	sdelay $0x4  }
0x222: {  	v2 =	vadd.f32 v3, v2;
	_ =	sdelay $0x1  }
0x223: {  	[tilespmem:s28+$0xFFFFFE00] =	vst v2;
	v2 =	vld [tilespmem:s28+$0xFFFFFE10]  }
0x224: {  	v3 =	vld [tilespmem:s6+$0xC310];
	_ =	sdelay $0x4  }
0x225: {  	v2 =	vadd.f32 v3, v2;
	_ =	sdelay $0x1  }
0x226: {  	[tilespmem:s28+$0xFFFFFE10] =	vst v2;
	v2 =	vld [tilespmem:s28+$0xFFFFFE20]  }
0x227: {  	v3 =	vld [tilespmem:s6+$0xC320];
	_ =	sdelay $0x4  }
0x228: {  	v2 =	vadd.f32 v3, v2;
	_ =	sdelay $0x1  }
0x229: {  	[tilespmem:s28+$0xFFFFFE20] =	vst v2;
	v2 =	vld [tilespmem:s28+$0xFFFFFE30]  }
0x22a: {  	v3 =	vld [tilespmem:s6+$0xC330];
	_ =	sdelay $0x4  }
0x22b: {  	v2 =	vadd.f32 v3, v2;
	_ =	sdelay $0x1  }
0x22c: {  	[tilespmem:s28+$0xFFFFFE30] =	vst v2;
	v2 =	vld [tilespmem:s28+$0xFFFFFE40]  }
0x22d: {  	v3 =	vld [tilespmem:s6+$0xC340];
	_ =	sdelay $0x4  }
0x22e: {  	v2 =	vadd.f32 v3, v2;
	_ =	sdelay $0x1  }
0x22f: {  	[tilespmem:s28+$0xFFFFFE40] =	vst v2;
	v2 =	vld [tilespmem:s28+$0xFFFFFE50]  }
0x230: {  	v3 =	vld [tilespmem:s6+$0xC350];
	_ =	sdelay $0x4  }
0x231: {  	v2 =	vadd.f32 v3, v2;
	_ =	sdelay $0x1  }
0x232: {  	[tilespmem:s28+$0xFFFFFE50] =	vst v2;
	v2 =	vld [tilespmem:s28+$0xFFFFFE60]  }
0x233: {  	v3 =	vld [tilespmem:s6+$0xC360];
	_ =	sdelay $0x4  }
0x234: {  	v2 =	vadd.f32 v3, v2;
	_ =	sdelay $0x1  }
0x235: {  	[tilespmem:s28+$0xFFFFFE60] =	vst v2;
	v2 =	vld [tilespmem:s28+$0xFFFFFE70]  }
0x236: {  	v3 =	vld [tilespmem:s6+$0xC370];
	_ =	sdelay $0x4  }
0x237: {  	v2 =	vadd.f32 v3, v2;
	_ =	sdelay $0x1  }
0x238: {  	[tilespmem:s28+$0xFFFFFE70] =	vst v2;
	v2 =	vld [tilespmem:s28+$0xFFFFFE80]  }
0x239: {  	v3 =	vld [tilespmem:s6+$0xC380];
	_ =	sdelay $0x4  }
0x23a: {  	v2 =	vadd.f32 v3, v2;
	_ =	sdelay $0x1  }
0x23b: {  	[tilespmem:s28+$0xFFFFFE80] =	vst v2;
	v2 =	vld [tilespmem:s28+$0xFFFFFE90]  }
0x23c: {  	v3 =	vld [tilespmem:s6+$0xC390];
	_ =	sdelay $0x4  }
0x23d: {  	v2 =	vadd.f32 v3, v2;
	_ =	sdelay $0x1  }
0x23e: {  	[tilespmem:s28+$0xFFFFFE90] =	vst v2;
	v2 =	vld [tilespmem:s28+$0xFFFFFEA0]  }
0x23f: {  	v3 =	vld [tilespmem:s6+$0xC3A0];
	_ =	sdelay $0x4  }
0x240: {  	v2 =	vadd.f32 v3, v2;
	_ =	sdelay $0x1  }
0x241: {  	[tilespmem:s28+$0xFFFFFEA0] =	vst v2;
	v2 =	vld [tilespmem:s28+$0xFFFFFEB0]  }
0x242: {  	v3 =	vld [tilespmem:s6+$0xC3B0];
	_ =	sdelay $0x4  }
0x243: {  	v2 =	vadd.f32 v3, v2;
	_ =	sdelay $0x1  }
0x244: {  	[tilespmem:s28+$0xFFFFFEB0] =	vst v2;
	v2 =	vld [tilespmem:s28+$0xFFFFFEC0]  }
0x245: {  	v3 =	vld [tilespmem:s6+$0xC3C0];
	_ =	sdelay $0x4  }
0x246: {  	v2 =	vadd.f32 v3, v2;
	_ =	sdelay $0x1  }
0x247: {  	[tilespmem:s28+$0xFFFFFEC0] =	vst v2;
	v2 =	vld [tilespmem:s28+$0xFFFFFED0]  }
0x248: {  	v3 =	vld [tilespmem:s6+$0xC3D0];
	_ =	sdelay $0x4  }
0x249: {  	v2 =	vadd.f32 v3, v2;
	_ =	sdelay $0x1  }
0x24a: {  	[tilespmem:s28+$0xFFFFFED0] =	vst v2;
	v2 =	vld [tilespmem:s28+$0xFFFFFEE0]  }
0x24b: {  	v3 =	vld [tilespmem:s6+$0xC3E0];
	_ =	sdelay $0x4  }
0x24c: {  	v2 =	vadd.f32 v3, v2;
	_ =	sdelay $0x1  }
0x24d: {  	[tilespmem:s28+$0xFFFFFEE0] =	vst v2;
	v2 =	vld [tilespmem:s28+$0xFFFFFEF0]  }
0x24e: {  	v3 =	vld [tilespmem:s6+$0xC3F0];
	_ =	sdelay $0x4  }
0x24f: {  	v2 =	vadd.f32 v3, v2;
	_ =	sdelay $0x1  }
0x250: {  	[tilespmem:s28+$0xFFFFFEF0] =	vst v2;
	v2 =	vld [tilespmem:s28+$0xFFFFFF00]  }
0x251: {  	v3 =	vld [tilespmem:s6+$0xC400];
	_ =	sdelay $0x4  }
0x252: {  	v2 =	vadd.f32 v3, v2;
	_ =	sdelay $0x1  }
0x253: {  	[tilespmem:s28+$0xFFFFFF00] =	vst v2;
	v2 =	vld [tilespmem:s28+$0xFFFFFF10]  }
0x254: {  	v3 =	vld [tilespmem:s6+$0xC410];
	_ =	sdelay $0x4  }
0x255: {  	v2 =	vadd.f32 v3, v2;
	_ =	sdelay $0x1  }
0x256: {  	[tilespmem:s28+$0xFFFFFF10] =	vst v2;
	v2 =	vld [tilespmem:s28+$0xFFFFFF20]  }
0x257: {  	v3 =	vld [tilespmem:s6+$0xC420];
	_ =	sdelay $0x4  }
0x258: {  	v2 =	vadd.f32 v3, v2;
	_ =	sdelay $0x1  }
0x259: {  	[tilespmem:s28+$0xFFFFFF20] =	vst v2;
	v2 =	vld [tilespmem:s28+$0xFFFFFF30]  }
0x25a: {  	v3 =	vld [tilespmem:s6+$0xC430];
	_ =	sdelay $0x4  }
0x25b: {  	v2 =	vadd.f32 v3, v2;
	_ =	sdelay $0x1  }
0x25c: {  	[tilespmem:s28+$0xFFFFFF30] =	vst v2;
	v2 =	vld [tilespmem:s28+$0xFFFFFF40]  }
0x25d: {  	v3 =	vld [tilespmem:s6+$0xC440];
	_ =	sdelay $0x4  }
0x25e: {  	v2 =	vadd.f32 v3, v2;
	_ =	sdelay $0x1  }
0x25f: {  	[tilespmem:s28+$0xFFFFFF40] =	vst v2;
	v2 =	vld [tilespmem:s28+$0xFFFFFF50]  }
0x260: {  	v3 =	vld [tilespmem:s6+$0xC450];
	_ =	sdelay $0x4  }
0x261: {  	v2 =	vadd.f32 v3, v2;
	_ =	sdelay $0x1  }
0x262: {  	[tilespmem:s28+$0xFFFFFF50] =	vst v2;
	v2 =	vld [tilespmem:s28+$0xFFFFFF60]  }
0x263: {  	v3 =	vld [tilespmem:s6+$0xC460];
	_ =	sdelay $0x4  }
0x264: {  	v2 =	vadd.f32 v3, v2;
	_ =	sdelay $0x1  }
0x265: {  	[tilespmem:s28+$0xFFFFFF60] =	vst v2;
	v2 =	vld [tilespmem:s28+$0xFFFFFF70]  }
0x266: {  	v3 =	vld [tilespmem:s6+$0xC470];
	_ =	sdelay $0x4  }
0x267: {  	v2 =	vadd.f32 v3, v2;
	_ =	sdelay $0x1  }
0x268: {  	[tilespmem:s28+$0xFFFFFF70] =	vst v2;
	v2 =	vld [tilespmem:s28+$0xFFFFFF80]  }
0x269: {  	v3 =	vld [tilespmem:s6+$0xC480];
	_ =	sdelay $0x4  }
0x26a: {  	v2 =	vadd.f32 v3, v2;
	_ =	sdelay $0x1  }
0x26b: {  	[tilespmem:s28+$0xFFFFFF80] =	vst v2;
	v2 =	vld [tilespmem:s28+$0xFFFFFF90]  }
0x26c: {  	v3 =	vld [tilespmem:s6+$0xC490];
	_ =	sdelay $0x4  }
0x26d: {  	v2 =	vadd.f32 v3, v2;
	_ =	sdelay $0x1  }
0x26e: {  	[tilespmem:s28+$0xFFFFFF90] =	vst v2;
	v2 =	vld [tilespmem:s28+$0xFFFFFFA0]  }
0x26f: {  	v3 =	vld [tilespmem:s6+$0xC4A0];
	_ =	sdelay $0x4  }
0x270: {  	v2 =	vadd.f32 v3, v2;
	_ =	sdelay $0x1  }
0x271: {  	[tilespmem:s28+$0xFFFFFFA0] =	vst v2;
	v2 =	vld [tilespmem:s28+$0xFFFFFFB0]  }
0x272: {  	v3 =	vld [tilespmem:s6+$0xC4B0];
	_ =	sdelay $0x4  }
0x273: {  	v2 =	vadd.f32 v3, v2;
	_ =	sdelay $0x1  }
0x274: {  	[tilespmem:s28+$0xFFFFFFB0] =	vst v2;
	v2 =	vld [tilespmem:s28+$0xFFFFFFC0]  }
0x275: {  	v3 =	vld [tilespmem:s6+$0xC4C0];
	_ =	sdelay $0x4  }
0x276: {  	v2 =	vadd.f32 v3, v2;
	_ =	sdelay $0x1  }
0x277: {  	[tilespmem:s28+$0xFFFFFFC0] =	vst v2;
	v2 =	vld [tilespmem:s28+$0xFFFFFFD0]  }
0x278: {  	v3 =	vld [tilespmem:s6+$0xC4D0];
	_ =	sdelay $0x4  }
0x279: {  	v2 =	vadd.f32 v3, v2;
	_ =	sdelay $0x1  }
0x27a: {  	[tilespmem:s28+$0xFFFFFFD0] =	vst v2;
	v2 =	vld [tilespmem:s28+$0xFFFFFFE0]  }
0x27b: {  	v3 =	vld [tilespmem:s6+$0xC4E0];
	_ =	sdelay $0x4  }
0x27c: {  	v2 =	vadd.f32 v3, v2;
	_ =	sdelay $0x1  }
0x27d: {  	[tilespmem:s28+$0xFFFFFFE0] =	vst v2;
	v2 =	vld [tilespmem:s28+$0xFFFFFFF0]  }
0x27e: {  	v3 =	vld [tilespmem:s6+$0xC4F0]  }
0x27f: {  	s0 =	sadd.s32 $0x2, s0  }
0x280: {  	s6 =	sld [smem:s0+$0x0];
	_ =	sdelay $0x2  }
0x281: {  	v2 =	vadd.f32 v3, v2;
	s6 =	smul.u32 $0xC00, s6;
	_ =	sdelay $0x1  }
0x282: {  	[tilespmem:s28+$0xFFFFFFF0] =	vst v2;
	s6 =	sshra.s32 s6, $0x2;
	v2 =	vld [tilespmem:s28+$0x0]  }
0x283: {  	v3 =	vld [tilespmem:s6+$0xC200];
	_ =	sdelay $0x4  }
0x284: {  	v2 =	vadd.f32 v3, v2;
	_ =	sdelay $0x1  }
0x285: {  	[tilespmem:s28+$0x0] =	vst v2;
	v2 =	vld [tilespmem:s28+$0x10]  }
0x286: {  	v3 =	vld [tilespmem:s6+$0xC210];
	_ =	sdelay $0x4  }
0x287: {  	v2 =	vadd.f32 v3, v2;
	_ =	sdelay $0x1  }
0x288: {  	[tilespmem:s28+$0x10] =	vst v2;
	v2 =	vld [tilespmem:s28+$0x20]  }
0x289: {  	v3 =	vld [tilespmem:s6+$0xC220];
	_ =	sdelay $0x4  }
0x28a: {  	v2 =	vadd.f32 v3, v2;
	_ =	sdelay $0x1  }
0x28b: {  	[tilespmem:s28+$0x20] =	vst v2;
	v2 =	vld [tilespmem:s28+$0x30]  }
0x28c: {  	v3 =	vld [tilespmem:s6+$0xC230];
	_ =	sdelay $0x4  }
0x28d: {  	v2 =	vadd.f32 v3, v2;
	_ =	sdelay $0x1  }
0x28e: {  	[tilespmem:s28+$0x30] =	vst v2;
	v2 =	vld [tilespmem:s28+$0x40]  }
0x28f: {  	v3 =	vld [tilespmem:s6+$0xC240];
	_ =	sdelay $0x4  }
0x290: {  	v2 =	vadd.f32 v3, v2;
	_ =	sdelay $0x1  }
0x291: {  	[tilespmem:s28+$0x40] =	vst v2;
	v2 =	vld [tilespmem:s28+$0x50]  }
0x292: {  	v3 =	vld [tilespmem:s6+$0xC250];
	_ =	sdelay $0x4  }
0x293: {  	v2 =	vadd.f32 v3, v2;
	_ =	sdelay $0x1  }
0x294: {  	[tilespmem:s28+$0x50] =	vst v2;
	v2 =	vld [tilespmem:s28+$0x60]  }
0x295: {  	v3 =	vld [tilespmem:s6+$0xC260];
	_ =	sdelay $0x4  }
0x296: {  	v2 =	vadd.f32 v3, v2;
	_ =	sdelay $0x1  }
0x297: {  	[tilespmem:s28+$0x60] =	vst v2;
	v2 =	vld [tilespmem:s28+$0x70]  }
0x298: {  	v3 =	vld [tilespmem:s6+$0xC270];
	_ =	sdelay $0x4  }
0x299: {  	v2 =	vadd.f32 v3, v2;
	_ =	sdelay $0x1  }
0x29a: {  	[tilespmem:s28+$0x70] =	vst v2;
	v2 =	vld [tilespmem:s28+$0x80]  }
0x29b: {  	v3 =	vld [tilespmem:s6+$0xC280];
	_ =	sdelay $0x4  }
0x29c: {  	v2 =	vadd.f32 v3, v2;
	_ =	sdelay $0x1  }
0x29d: {  	[tilespmem:s28+$0x80] =	vst v2;
	v2 =	vld [tilespmem:s28+$0x90]  }
0x29e: {  	v3 =	vld [tilespmem:s6+$0xC290];
	_ =	sdelay $0x4  }
0x29f: {  	v2 =	vadd.f32 v3, v2;
	_ =	sdelay $0x1  }
0x2a0: {  	[tilespmem:s28+$0x90] =	vst v2;
	v2 =	vld [tilespmem:s28+$0xA0]  }
0x2a1: {  	v3 =	vld [tilespmem:s6+$0xC2A0];
	_ =	sdelay $0x4  }
0x2a2: {  	v2 =	vadd.f32 v3, v2;
	_ =	sdelay $0x1  }
0x2a3: {  	[tilespmem:s28+$0xA0] =	vst v2;
	v2 =	vld [tilespmem:s28+$0xB0]  }
0x2a4: {  	v3 =	vld [tilespmem:s6+$0xC2B0];
	_ =	sdelay $0x4  }
0x2a5: {  	v2 =	vadd.f32 v3, v2;
	_ =	sdelay $0x1  }
0x2a6: {  	[tilespmem:s28+$0xB0] =	vst v2;
	v2 =	vld [tilespmem:s28+$0xC0]  }
0x2a7: {  	v3 =	vld [tilespmem:s6+$0xC2C0];
	_ =	sdelay $0x4  }
0x2a8: {  	v2 =	vadd.f32 v3, v2;
	_ =	sdelay $0x1  }
0x2a9: {  	[tilespmem:s28+$0xC0] =	vst v2;
	v2 =	vld [tilespmem:s28+$0xD0]  }
0x2aa: {  	v3 =	vld [tilespmem:s6+$0xC2D0];
	_ =	sdelay $0x4  }
0x2ab: {  	v2 =	vadd.f32 v3, v2;
	_ =	sdelay $0x1  }
0x2ac: {  	[tilespmem:s28+$0xD0] =	vst v2;
	v2 =	vld [tilespmem:s28+$0xE0]  }
0x2ad: {  	v3 =	vld [tilespmem:s6+$0xC2E0];
	_ =	sdelay $0x4  }
0x2ae: {  	v2 =	vadd.f32 v3, v2;
	_ =	sdelay $0x1  }
0x2af: {  	[tilespmem:s28+$0xE0] =	vst v2;
	v2 =	vld [tilespmem:s28+$0xF0]  }
0x2b0: {  	v3 =	vld [tilespmem:s6+$0xC2F0];
	_ =	sdelay $0x4  }
0x2b1: {  	v2 =	vadd.f32 v3, v2;
	_ =	sdelay $0x1  }
0x2b2: {  	[tilespmem:s28+$0xF0] =	vst v2;
	v2 =	vld [tilespmem:s28+$0x100]  }
0x2b3: {  	v3 =	vld [tilespmem:s6+$0xC300];
	_ =	sdelay $0x4  }
0x2b4: {  	v2 =	vadd.f32 v3, v2;
	_ =	sdelay $0x1  }
0x2b5: {  	[tilespmem:s28+$0x100] =	vst v2;
	v2 =	vld [tilespmem:s28+$0x110]  }
0x2b6: {  	v3 =	vld [tilespmem:s6+$0xC310];
	_ =	sdelay $0x4  }
0x2b7: {  	v2 =	vadd.f32 v3, v2;
	_ =	sdelay $0x1  }
0x2b8: {  	[tilespmem:s28+$0x110] =	vst v2;
	v2 =	vld [tilespmem:s28+$0x120]  }
0x2b9: {  	v3 =	vld [tilespmem:s6+$0xC320];
	_ =	sdelay $0x4  }
0x2ba: {  	v2 =	vadd.f32 v3, v2;
	_ =	sdelay $0x1  }
0x2bb: {  	[tilespmem:s28+$0x120] =	vst v2;
	v2 =	vld [tilespmem:s28+$0x130]  }
0x2bc: {  	v3 =	vld [tilespmem:s6+$0xC330];
	_ =	sdelay $0x4  }
0x2bd: {  	v2 =	vadd.f32 v3, v2;
	_ =	sdelay $0x1  }
0x2be: {  	[tilespmem:s28+$0x130] =	vst v2;
	v2 =	vld [tilespmem:s28+$0x140]  }
0x2bf: {  	v3 =	vld [tilespmem:s6+$0xC340];
	_ =	sdelay $0x4  }
0x2c0: {  	v2 =	vadd.f32 v3, v2;
	_ =	sdelay $0x1  }
0x2c1: {  	[tilespmem:s28+$0x140] =	vst v2;
	v2 =	vld [tilespmem:s28+$0x150]  }
0x2c2: {  	v3 =	vld [tilespmem:s6+$0xC350];
	_ =	sdelay $0x4  }
0x2c3: {  	v2 =	vadd.f32 v3, v2;
	_ =	sdelay $0x1  }
0x2c4: {  	[tilespmem:s28+$0x150] =	vst v2;
	v2 =	vld [tilespmem:s28+$0x160]  }
0x2c5: {  	v3 =	vld [tilespmem:s6+$0xC360];
	_ =	sdelay $0x4  }
0x2c6: {  	v2 =	vadd.f32 v3, v2;
	_ =	sdelay $0x1  }
0x2c7: {  	[tilespmem:s28+$0x160] =	vst v2;
	v2 =	vld [tilespmem:s28+$0x170]  }
0x2c8: {  	v3 =	vld [tilespmem:s6+$0xC370];
	_ =	sdelay $0x4  }
0x2c9: {  	v2 =	vadd.f32 v3, v2;
	_ =	sdelay $0x1  }
0x2ca: {  	[tilespmem:s28+$0x170] =	vst v2;
	v2 =	vld [tilespmem:s28+$0x180]  }
0x2cb: {  	v3 =	vld [tilespmem:s6+$0xC380];
	_ =	sdelay $0x4  }
0x2cc: {  	v2 =	vadd.f32 v3, v2;
	_ =	sdelay $0x1  }
0x2cd: {  	[tilespmem:s28+$0x180] =	vst v2;
	v2 =	vld [tilespmem:s28+$0x190]  }
0x2ce: {  	v3 =	vld [tilespmem:s6+$0xC390];
	_ =	sdelay $0x4  }
0x2cf: {  	v2 =	vadd.f32 v3, v2;
	_ =	sdelay $0x1  }
0x2d0: {  	[tilespmem:s28+$0x190] =	vst v2;
	v2 =	vld [tilespmem:s28+$0x1A0]  }
0x2d1: {  	v3 =	vld [tilespmem:s6+$0xC3A0];
	_ =	sdelay $0x4  }
0x2d2: {  	v2 =	vadd.f32 v3, v2;
	_ =	sdelay $0x1  }
0x2d3: {  	[tilespmem:s28+$0x1A0] =	vst v2;
	v2 =	vld [tilespmem:s28+$0x1B0]  }
0x2d4: {  	v3 =	vld [tilespmem:s6+$0xC3B0];
	_ =	sdelay $0x4  }
0x2d5: {  	v2 =	vadd.f32 v3, v2;
	_ =	sdelay $0x1  }
0x2d6: {  	[tilespmem:s28+$0x1B0] =	vst v2;
	v2 =	vld [tilespmem:s28+$0x1C0]  }
0x2d7: {  	v3 =	vld [tilespmem:s6+$0xC3C0];
	_ =	sdelay $0x4  }
0x2d8: {  	v2 =	vadd.f32 v3, v2;
	_ =	sdelay $0x1  }
0x2d9: {  	[tilespmem:s28+$0x1C0] =	vst v2;
	v2 =	vld [tilespmem:s28+$0x1D0]  }
0x2da: {  	v3 =	vld [tilespmem:s6+$0xC3D0];
	_ =	sdelay $0x4  }
0x2db: {  	v2 =	vadd.f32 v3, v2;
	_ =	sdelay $0x1  }
0x2dc: {  	[tilespmem:s28+$0x1D0] =	vst v2;
	v2 =	vld [tilespmem:s28+$0x1E0]  }
0x2dd: {  	v3 =	vld [tilespmem:s6+$0xC3E0];
	_ =	sdelay $0x4  }
0x2de: {  	v2 =	vadd.f32 v3, v2;
	_ =	sdelay $0x1  }
0x2df: {  	[tilespmem:s28+$0x1E0] =	vst v2;
	v2 =	vld [tilespmem:s28+$0x1F0]  }
0x2e0: {  	v3 =	vld [tilespmem:s6+$0xC3F0];
	_ =	sdelay $0x4  }
0x2e1: {  	v2 =	vadd.f32 v3, v2;
	_ =	sdelay $0x1  }
0x2e2: {  	[tilespmem:s28+$0x1F0] =	vst v2;
	v2 =	vld [tilespmem:s28+$0x200]  }
0x2e3: {  	v3 =	vld [tilespmem:s6+$0xC400];
	_ =	sdelay $0x4  }
0x2e4: {  	v2 =	vadd.f32 v3, v2;
	_ =	sdelay $0x1  }
0x2e5: {  	[tilespmem:s28+$0x200] =	vst v2;
	v2 =	vld [tilespmem:s28+$0x210]  }
0x2e6: {  	v3 =	vld [tilespmem:s6+$0xC410];
	_ =	sdelay $0x4  }
0x2e7: {  	v2 =	vadd.f32 v3, v2;
	_ =	sdelay $0x1  }
0x2e8: {  	[tilespmem:s28+$0x210] =	vst v2;
	v2 =	vld [tilespmem:s28+$0x220]  }
0x2e9: {  	v3 =	vld [tilespmem:s6+$0xC420];
	_ =	sdelay $0x4  }
0x2ea: {  	v2 =	vadd.f32 v3, v2;
	_ =	sdelay $0x1  }
0x2eb: {  	[tilespmem:s28+$0x220] =	vst v2;
	v2 =	vld [tilespmem:s28+$0x230]  }
0x2ec: {  	v3 =	vld [tilespmem:s6+$0xC430];
	_ =	sdelay $0x4  }
0x2ed: {  	v2 =	vadd.f32 v3, v2;
	_ =	sdelay $0x1  }
0x2ee: {  	[tilespmem:s28+$0x230] =	vst v2;
	v2 =	vld [tilespmem:s28+$0x240]  }
0x2ef: {  	v3 =	vld [tilespmem:s6+$0xC440];
	_ =	sdelay $0x4  }
0x2f0: {  	v2 =	vadd.f32 v3, v2;
	_ =	sdelay $0x1  }
0x2f1: {  	[tilespmem:s28+$0x240] =	vst v2;
	v2 =	vld [tilespmem:s28+$0x250]  }
0x2f2: {  	v3 =	vld [tilespmem:s6+$0xC450];
	_ =	sdelay $0x4  }
0x2f3: {  	v2 =	vadd.f32 v3, v2;
	_ =	sdelay $0x1  }
0x2f4: {  	[tilespmem:s28+$0x250] =	vst v2;
	v2 =	vld [tilespmem:s28+$0x260]  }
0x2f5: {  	v3 =	vld [tilespmem:s6+$0xC460];
	_ =	sdelay $0x4  }
0x2f6: {  	v2 =	vadd.f32 v3, v2;
	_ =	sdelay $0x1  }
0x2f7: {  	[tilespmem:s28+$0x260] =	vst v2;
	v2 =	vld [tilespmem:s28+$0x270]  }
0x2f8: {  	v3 =	vld [tilespmem:s6+$0xC470];
	_ =	sdelay $0x4  }
0x2f9: {  	v2 =	vadd.f32 v3, v2;
	_ =	sdelay $0x1  }
0x2fa: {  	[tilespmem:s28+$0x270] =	vst v2;
	v2 =	vld [tilespmem:s28+$0x280]  }
0x2fb: {  	v3 =	vld [tilespmem:s6+$0xC480];
	_ =	sdelay $0x4  }
0x2fc: {  	v2 =	vadd.f32 v3, v2;
	_ =	sdelay $0x1  }
0x2fd: {  	[tilespmem:s28+$0x280] =	vst v2;
	v2 =	vld [tilespmem:s28+$0x290]  }
0x2fe: {  	v3 =	vld [tilespmem:s6+$0xC490];
	_ =	sdelay $0x4  }
0x2ff: {  	v2 =	vadd.f32 v3, v2;
	_ =	sdelay $0x1  }
0x300: {  	[tilespmem:s28+$0x290] =	vst v2;
	v2 =	vld [tilespmem:s28+$0x2A0]  }
0x301: {  	v3 =	vld [tilespmem:s6+$0xC4A0];
	_ =	sdelay $0x4  }
0x302: {  	v2 =	vadd.f32 v3, v2;
	_ =	sdelay $0x1  }
0x303: {  	[tilespmem:s28+$0x2A0] =	vst v2;
	v2 =	vld [tilespmem:s28+$0x2B0]  }
0x304: {  	v3 =	vld [tilespmem:s6+$0xC4B0];
	_ =	sdelay $0x4  }
0x305: {  	v2 =	vadd.f32 v3, v2;
	_ =	sdelay $0x1  }
0x306: {  	[tilespmem:s28+$0x2B0] =	vst v2;
	v2 =	vld [tilespmem:s28+$0x2C0]  }
0x307: {  	v3 =	vld [tilespmem:s6+$0xC4C0];
	_ =	sdelay $0x4  }
0x308: {  	v2 =	vadd.f32 v3, v2;
	_ =	sdelay $0x1  }
0x309: {  	[tilespmem:s28+$0x2C0] =	vst v2;
	v2 =	vld [tilespmem:s28+$0x2D0]  }
0x30a: {  	v3 =	vld [tilespmem:s6+$0xC4D0];
	_ =	sdelay $0x4  }
0x30b: {  	v2 =	vadd.f32 v3, v2;
	_ =	sdelay $0x1  }
0x30c: {  	[tilespmem:s28+$0x2D0] =	vst v2;
	v2 =	vld [tilespmem:s28+$0x2E0]  }
0x30d: {  	v3 =	vld [tilespmem:s6+$0xC4E0]  }
.Ltmp1:
0x30e: {  	(pc) =	sbr.rel @p0 .LBB2_6-.Ltmp1, $2  }
0x30f: {  	_ =	sdelay $0x2  }
0x310: {  	v2 =	vadd.f32 v3, v2  }
0x311: {  	_ = 	snop  }
0x312: {  	[tilespmem:s28+$0x2E0] =	vst v2;
	v2 =	vld [tilespmem:s28+$0x2F0]  }
0x313: {  	v3 =	vld [tilespmem:s6+$0xC4F0];
	_ =	sdelay $0x1  }
0x314: {  	s0 =	sadd.s32 s10, s20  }
0x315: {  	s0 =	sshll.u32 s0, $0x9  }
0x316: {  	s0 =	sadd.s32 s30, s0  }
0x317: {  	s0 =	smul.u32 $0x60, s0;
	v2 =	vadd.f32 v3, v2;
	_ =	sdelay $0x1  }
0x318: {  	s0 =	sadd.s32 s11, s0;
	[tilespmem:s19+$0x2F0] =	vst v2  }
0x319: {  	[hbm4b:s0+s4] =	stream.linear.scatter [tilespmem:s18], [sflag:$0x3], $0x6000, $0x38;
	[tilespmem:$0x18800] =	vst v63  }
0x31a: {  	s13 =	simm.s32 $0x0;
	_ =	swait.ge [sflag:s24], $0x6000  }
0x31b: {  	s19 =	sand.u32 $0x18, s13;
	[sflag:s24] =	ssyncset.done $0x0  }
0x31c: {  	s20 =	sand.u32 $0x6, s13;
	s0 =	sadd.s32 s19, s14;
	[sflag:s24] =	ssyncadd.s32 $0xFFFFA000  }
0x31d: {  	s0 =	sld [smem:s0+s20];
	_ =	sdelay $0x2  }
0x31e: {  	s0 =	smul.u32 $0xC00, s0  }
0x31f: {  	s16 =	simm.s32 $0x6500  }
0x320: {  	v2 =	vld [tilespmem:s16+$0xFFFFFD00];
	s0 =	sshra.s32 s0, $0x2  }
0x321: {  	v3 =	vld [tilespmem:s0+$0xC200];
	_ =	sdelay $0x4  }
0x322: {  	v2 =	vadd.f32 v3, v2;
	_ =	sdelay $0x1  }
0x323: {  	[tilespmem:s16+$0xFFFFFD00] =	vst v2;
	v2 =	vld [tilespmem:s16+$0xFFFFFD10]  }
0x324: {  	v3 =	vld [tilespmem:s0+$0xC210];
	_ =	sdelay $0x4  }
0x325: {  	v2 =	vadd.f32 v3, v2;
	_ =	sdelay $0x1  }
0x326: {  	[tilespmem:s16+$0xFFFFFD10] =	vst v2;
	v2 =	vld [tilespmem:s16+$0xFFFFFD20]  }
0x327: {  	v3 =	vld [tilespmem:s0+$0xC220];
	_ =	sdelay $0x4  }
0x328: {  	v2 =	vadd.f32 v3, v2;
	_ =	sdelay $0x1  }
0x329: {  	[tilespmem:s16+$0xFFFFFD20] =	vst v2;
	v2 =	vld [tilespmem:s16+$0xFFFFFD30]  }
0x32a: {  	v3 =	vld [tilespmem:s0+$0xC230];
	_ =	sdelay $0x4  }
0x32b: {  	v2 =	vadd.f32 v3, v2;
	_ =	sdelay $0x1  }
0x32c: {  	[tilespmem:s16+$0xFFFFFD30] =	vst v2;
	v2 =	vld [tilespmem:s16+$0xFFFFFD40]  }
0x32d: {  	v3 =	vld [tilespmem:s0+$0xC240];
	_ =	sdelay $0x4  }
0x32e: {  	v2 =	vadd.f32 v3, v2;
	_ =	sdelay $0x1  }
0x32f: {  	[tilespmem:s16+$0xFFFFFD40] =	vst v2;
	v2 =	vld [tilespmem:s16+$0xFFFFFD50]  }
0x330: {  	v3 =	vld [tilespmem:s0+$0xC250];
	_ =	sdelay $0x4  }
0x331: {  	v2 =	vadd.f32 v3, v2;
	_ =	sdelay $0x1  }
0x332: {  	[tilespmem:s16+$0xFFFFFD50] =	vst v2;
	v2 =	vld [tilespmem:s16+$0xFFFFFD60]  }
0x333: {  	v3 =	vld [tilespmem:s0+$0xC260];
	_ =	sdelay $0x4  }
0x334: {  	v2 =	vadd.f32 v3, v2;
	_ =	sdelay $0x1  }
0x335: {  	[tilespmem:s16+$0xFFFFFD60] =	vst v2;
	v2 =	vld [tilespmem:s16+$0xFFFFFD70]  }
0x336: {  	v3 =	vld [tilespmem:s0+$0xC270];
	_ =	sdelay $0x4  }
0x337: {  	v2 =	vadd.f32 v3, v2;
	_ =	sdelay $0x1  }
0x338: {  	[tilespmem:s16+$0xFFFFFD70] =	vst v2;
	v2 =	vld [tilespmem:s16+$0xFFFFFD80]  }
0x339: {  	v3 =	vld [tilespmem:s0+$0xC280];
	_ =	sdelay $0x4  }
0x33a: {  	v2 =	vadd.f32 v3, v2;
	_ =	sdelay $0x1  }
0x33b: {  	[tilespmem:s16+$0xFFFFFD80] =	vst v2;
	v2 =	vld [tilespmem:s16+$0xFFFFFD90]  }
0x33c: {  	v3 =	vld [tilespmem:s0+$0xC290];
	_ =	sdelay $0x4  }
0x33d: {  	v2 =	vadd.f32 v3, v2;
	_ =	sdelay $0x1  }
0x33e: {  	[tilespmem:s16+$0xFFFFFD90] =	vst v2;
	v2 =	vld [tilespmem:s16+$0xFFFFFDA0]  }
0x33f: {  	v3 =	vld [tilespmem:s0+$0xC2A0];
	_ =	sdelay $0x4  }
0x340: {  	v2 =	vadd.f32 v3, v2;
	_ =	sdelay $0x1  }
0x341: {  	[tilespmem:s16+$0xFFFFFDA0] =	vst v2;
	v2 =	vld [tilespmem:s16+$0xFFFFFDB0]  }
0x342: {  	v3 =	vld [tilespmem:s0+$0xC2B0];
	_ =	sdelay $0x4  }
0x343: {  	v2 =	vadd.f32 v3, v2;
	_ =	sdelay $0x1  }
0x344: {  	[tilespmem:s16+$0xFFFFFDB0] =	vst v2;
	v2 =	vld [tilespmem:s16+$0xFFFFFDC0]  }
0x345: {  	v3 =	vld [tilespmem:s0+$0xC2C0];
	_ =	sdelay $0x4  }
0x346: {  	v2 =	vadd.f32 v3, v2;
	_ =	sdelay $0x1  }
0x347: {  	[tilespmem:s16+$0xFFFFFDC0] =	vst v2;
	v2 =	vld [tilespmem:s16+$0xFFFFFDD0]  }
0x348: {  	v3 =	vld [tilespmem:s0+$0xC2D0];
	_ =	sdelay $0x4  }
0x349: {  	v2 =	vadd.f32 v3, v2;
	_ =	sdelay $0x1  }
0x34a: {  	[tilespmem:s16+$0xFFFFFDD0] =	vst v2;
	v2 =	vld [tilespmem:s16+$0xFFFFFDE0]  }
0x34b: {  	v3 =	vld [tilespmem:s0+$0xC2E0];
	_ =	sdelay $0x4  }
0x34c: {  	v2 =	vadd.f32 v3, v2;
	_ =	sdelay $0x1  }
0x34d: {  	[tilespmem:s16+$0xFFFFFDE0] =	vst v2;
	v2 =	vld [tilespmem:s16+$0xFFFFFDF0]  }
0x34e: {  	v3 =	vld [tilespmem:s0+$0xC2F0];
	_ =	sdelay $0x4  }
0x34f: {  	v2 =	vadd.f32 v3, v2;
	_ =	sdelay $0x1  }
0x350: {  	[tilespmem:s16+$0xFFFFFDF0] =	vst v2;
	v2 =	vld [tilespmem:s16+$0xFFFFFE00]  }
0x351: {  	v3 =	vld [tilespmem:s0+$0xC300];
	_ =	sdelay $0x4  }
0x352: {  	v2 =	vadd.f32 v3, v2;
	_ =	sdelay $0x1  }
0x353: {  	[tilespmem:s16+$0xFFFFFE00] =	vst v2;
	v2 =	vld [tilespmem:s16+$0xFFFFFE10]  }
0x354: {  	v3 =	vld [tilespmem:s0+$0xC310];
	_ =	sdelay $0x4  }
0x355: {  	v2 =	vadd.f32 v3, v2;
	_ =	sdelay $0x1  }
0x356: {  	[tilespmem:s16+$0xFFFFFE10] =	vst v2;
	v2 =	vld [tilespmem:s16+$0xFFFFFE20]  }
0x357: {  	v3 =	vld [tilespmem:s0+$0xC320];
	_ =	sdelay $0x4  }
0x358: {  	v2 =	vadd.f32 v3, v2;
	_ =	sdelay $0x1  }
0x359: {  	[tilespmem:s16+$0xFFFFFE20] =	vst v2;
	v2 =	vld [tilespmem:s16+$0xFFFFFE30]  }
0x35a: {  	v3 =	vld [tilespmem:s0+$0xC330];
	_ =	sdelay $0x4  }
0x35b: {  	v2 =	vadd.f32 v3, v2;
	_ =	sdelay $0x1  }
0x35c: {  	[tilespmem:s16+$0xFFFFFE30] =	vst v2;
	v2 =	vld [tilespmem:s16+$0xFFFFFE40]  }
0x35d: {  	v3 =	vld [tilespmem:s0+$0xC340];
	_ =	sdelay $0x4  }
0x35e: {  	v2 =	vadd.f32 v3, v2;
	_ =	sdelay $0x1  }
0x35f: {  	[tilespmem:s16+$0xFFFFFE40] =	vst v2;
	v2 =	vld [tilespmem:s16+$0xFFFFFE50]  }
0x360: {  	v3 =	vld [tilespmem:s0+$0xC350];
	_ =	sdelay $0x4  }
0x361: {  	v2 =	vadd.f32 v3, v2;
	_ =	sdelay $0x1  }
0x362: {  	[tilespmem:s16+$0xFFFFFE50] =	vst v2;
	v2 =	vld [tilespmem:s16+$0xFFFFFE60]  }
0x363: {  	v3 =	vld [tilespmem:s0+$0xC360];
	_ =	sdelay $0x4  }
0x364: {  	v2 =	vadd.f32 v3, v2;
	_ =	sdelay $0x1  }
0x365: {  	[tilespmem:s16+$0xFFFFFE60] =	vst v2;
	v2 =	vld [tilespmem:s16+$0xFFFFFE70]  }
0x366: {  	v3 =	vld [tilespmem:s0+$0xC370];
	_ =	sdelay $0x4  }
0x367: {  	v2 =	vadd.f32 v3, v2;
	_ =	sdelay $0x1  }
0x368: {  	[tilespmem:s16+$0xFFFFFE70] =	vst v2;
	v2 =	vld [tilespmem:s16+$0xFFFFFE80]  }
0x369: {  	v3 =	vld [tilespmem:s0+$0xC380];
	_ =	sdelay $0x4  }
0x36a: {  	v2 =	vadd.f32 v3, v2;
	_ =	sdelay $0x1  }
0x36b: {  	[tilespmem:s16+$0xFFFFFE80] =	vst v2;
	v2 =	vld [tilespmem:s16+$0xFFFFFE90]  }
0x36c: {  	v3 =	vld [tilespmem:s0+$0xC390];
	_ =	sdelay $0x4  }
0x36d: {  	v2 =	vadd.f32 v3, v2;
	_ =	sdelay $0x1  }
0x36e: {  	[tilespmem:s16+$0xFFFFFE90] =	vst v2;
	v2 =	vld [tilespmem:s16+$0xFFFFFEA0]  }
0x36f: {  	v3 =	vld [tilespmem:s0+$0xC3A0];
	_ =	sdelay $0x4  }
0x370: {  	v2 =	vadd.f32 v3, v2;
	_ =	sdelay $0x1  }
0x371: {  	[tilespmem:s16+$0xFFFFFEA0] =	vst v2;
	v2 =	vld [tilespmem:s16+$0xFFFFFEB0]  }
0x372: {  	v3 =	vld [tilespmem:s0+$0xC3B0];
	_ =	sdelay $0x4  }
0x373: {  	v2 =	vadd.f32 v3, v2;
	_ =	sdelay $0x1  }
0x374: {  	[tilespmem:s16+$0xFFFFFEB0] =	vst v2;
	v2 =	vld [tilespmem:s16+$0xFFFFFEC0]  }
0x375: {  	v3 =	vld [tilespmem:s0+$0xC3C0];
	_ =	sdelay $0x4  }
0x376: {  	v2 =	vadd.f32 v3, v2;
	_ =	sdelay $0x1  }
0x377: {  	[tilespmem:s16+$0xFFFFFEC0] =	vst v2;
	v2 =	vld [tilespmem:s16+$0xFFFFFED0]  }
0x378: {  	v3 =	vld [tilespmem:s0+$0xC3D0];
	_ =	sdelay $0x4  }
0x379: {  	v2 =	vadd.f32 v3, v2;
	_ =	sdelay $0x1  }
0x37a: {  	[tilespmem:s16+$0xFFFFFED0] =	vst v2;
	v2 =	vld [tilespmem:s16+$0xFFFFFEE0]  }
0x37b: {  	v3 =	vld [tilespmem:s0+$0xC3E0];
	_ =	sdelay $0x4  }
0x37c: {  	v2 =	vadd.f32 v3, v2;
	_ =	sdelay $0x1  }
0x37d: {  	[tilespmem:s16+$0xFFFFFEE0] =	vst v2;
	v2 =	vld [tilespmem:s16+$0xFFFFFEF0]  }
0x37e: {  	v3 =	vld [tilespmem:s0+$0xC3F0];
	_ =	sdelay $0x4  }
0x37f: {  	v2 =	vadd.f32 v3, v2;
	_ =	sdelay $0x1  }
0x380: {  	[tilespmem:s16+$0xFFFFFEF0] =	vst v2;
	v2 =	vld [tilespmem:s16+$0xFFFFFF00]  }
0x381: {  	v3 =	vld [tilespmem:s0+$0xC400];
	_ =	sdelay $0x4  }
0x382: {  	v2 =	vadd.f32 v3, v2;
	_ =	sdelay $0x1  }
0x383: {  	[tilespmem:s16+$0xFFFFFF00] =	vst v2;
	v2 =	vld [tilespmem:s16+$0xFFFFFF10]  }
0x384: {  	v3 =	vld [tilespmem:s0+$0xC410];
	_ =	sdelay $0x4  }
0x385: {  	v2 =	vadd.f32 v3, v2;
	_ =	sdelay $0x1  }
0x386: {  	[tilespmem:s16+$0xFFFFFF10] =	vst v2;
	v2 =	vld [tilespmem:s16+$0xFFFFFF20]  }
0x387: {  	v3 =	vld [tilespmem:s0+$0xC420];
	_ =	sdelay $0x4  }
0x388: {  	v2 =	vadd.f32 v3, v2;
	_ =	sdelay $0x1  }
0x389: {  	[tilespmem:s16+$0xFFFFFF20] =	vst v2;
	v2 =	vld [tilespmem:s16+$0xFFFFFF30]  }
0x38a: {  	v3 =	vld [tilespmem:s0+$0xC430];
	_ =	sdelay $0x4  }
0x38b: {  	v2 =	vadd.f32 v3, v2;
	_ =	sdelay $0x1  }
0x38c: {  	[tilespmem:s16+$0xFFFFFF30] =	vst v2;
	v2 =	vld [tilespmem:s16+$0xFFFFFF40]  }
0x38d: {  	v3 =	vld [tilespmem:s0+$0xC440];
	_ =	sdelay $0x4  }
0x38e: {  	v2 =	vadd.f32 v3, v2;
	_ =	sdelay $0x1  }
0x38f: {  	[tilespmem:s16+$0xFFFFFF40] =	vst v2;
	v2 =	vld [tilespmem:s16+$0xFFFFFF50]  }
0x390: {  	v3 =	vld [tilespmem:s0+$0xC450];
	_ =	sdelay $0x4  }
0x391: {  	v2 =	vadd.f32 v3, v2;
	_ =	sdelay $0x1  }
0x392: {  	[tilespmem:s16+$0xFFFFFF50] =	vst v2;
	v2 =	vld [tilespmem:s16+$0xFFFFFF60]  }
0x393: {  	v3 =	vld [tilespmem:s0+$0xC460];
	_ =	sdelay $0x4  }
0x394: {  	v2 =	vadd.f32 v3, v2;
	_ =	sdelay $0x1  }
0x395: {  	[tilespmem:s16+$0xFFFFFF60] =	vst v2;
	v2 =	vld [tilespmem:s16+$0xFFFFFF70]  }
0x396: {  	v3 =	vld [tilespmem:s0+$0xC470];
	_ =	sdelay $0x4  }
0x397: {  	v2 =	vadd.f32 v3, v2;
	_ =	sdelay $0x1  }
0x398: {  	[tilespmem:s16+$0xFFFFFF70] =	vst v2;
	v2 =	vld [tilespmem:s16+$0xFFFFFF80]  }
0x399: {  	v3 =	vld [tilespmem:s0+$0xC480];
	_ =	sdelay $0x4  }
0x39a: {  	v2 =	vadd.f32 v3, v2;
	_ =	sdelay $0x1  }
0x39b: {  	[tilespmem:s16+$0xFFFFFF80] =	vst v2;
	v2 =	vld [tilespmem:s16+$0xFFFFFF90]  }
0x39c: {  	v3 =	vld [tilespmem:s0+$0xC490];
	_ =	sdelay $0x4  }
0x39d: {  	v2 =	vadd.f32 v3, v2;
	_ =	sdelay $0x1  }
0x39e: {  	[tilespmem:s16+$0xFFFFFF90] =	vst v2;
	v2 =	vld [tilespmem:s16+$0xFFFFFFA0]  }
0x39f: {  	v3 =	vld [tilespmem:s0+$0xC4A0];
	_ =	sdelay $0x4  }
0x3a0: {  	v2 =	vadd.f32 v3, v2;
	_ =	sdelay $0x1  }
0x3a1: {  	[tilespmem:s16+$0xFFFFFFA0] =	vst v2;
	v2 =	vld [tilespmem:s16+$0xFFFFFFB0]  }
0x3a2: {  	v3 =	vld [tilespmem:s0+$0xC4B0];
	_ =	sdelay $0x4  }
0x3a3: {  	v2 =	vadd.f32 v3, v2;
	_ =	sdelay $0x1  }
0x3a4: {  	[tilespmem:s16+$0xFFFFFFB0] =	vst v2;
	v2 =	vld [tilespmem:s16+$0xFFFFFFC0]  }
0x3a5: {  	v3 =	vld [tilespmem:s0+$0xC4C0];
	_ =	sdelay $0x4  }
0x3a6: {  	v2 =	vadd.f32 v3, v2;
	_ =	sdelay $0x1  }
0x3a7: {  	[tilespmem:s16+$0xFFFFFFC0] =	vst v2;
	v2 =	vld [tilespmem:s16+$0xFFFFFFD0]  }
0x3a8: {  	v3 =	vld [tilespmem:s0+$0xC4D0];
	_ =	sdelay $0x4  }
0x3a9: {  	v2 =	vadd.f32 v3, v2;
	_ =	sdelay $0x1  }
0x3aa: {  	[tilespmem:s16+$0xFFFFFFD0] =	vst v2;
	v2 =	vld [tilespmem:s16+$0xFFFFFFE0]  }
0x3ab: {  	v3 =	vld [tilespmem:s0+$0xC4E0];
	_ =	sdelay $0x4  }
0x3ac: {  	v2 =	vadd.f32 v3, v2;
	_ =	sdelay $0x1  }
0x3ad: {  	[tilespmem:s16+$0xFFFFFFE0] =	vst v2;
	v2 =	vld [tilespmem:s16+$0xFFFFFFF0]  }
0x3ae: {  	v3 =	vld [tilespmem:s0+$0xC4F0];
	_ =	sdelay $0x1  }
0x3af: {  	s28 =	sld [smem:s5+$0x0];
	_ =	sdelay $0x2  }
0x3b0: {  	s0 =	smul.u32 $0xC00, s28;
	v2 =	vadd.f32 v3, v2;
	_ =	sdelay $0x1  }
0x3b1: {  	s6 =	sshra.s32 s0, $0x2;
	[tilespmem:s16+$0xFFFFFFF0] =	vst v2;
	v2 =	vld [tilespmem:s16+$0x0]  }
0x3b2: {  	v3 =	vld [tilespmem:s6+$0xC200];
	_ =	sdelay $0x4  }
0x3b3: {  	v2 =	vadd.f32 v3, v2;
	_ =	sdelay $0x1  }
0x3b4: {  	[tilespmem:s16+$0x0] =	vst v2;
	v2 =	vld [tilespmem:s16+$0x10]  }
0x3b5: {  	v3 =	vld [tilespmem:s6+$0xC210];
	_ =	sdelay $0x4  }
0x3b6: {  	v2 =	vadd.f32 v3, v2;
	_ =	sdelay $0x1  }
0x3b7: {  	[tilespmem:s16+$0x10] =	vst v2;
	v2 =	vld [tilespmem:s16+$0x20]  }
0x3b8: {  	v3 =	vld [tilespmem:s6+$0xC220];
	_ =	sdelay $0x4  }
0x3b9: {  	v2 =	vadd.f32 v3, v2;
	_ =	sdelay $0x1  }
0x3ba: {  	[tilespmem:s16+$0x20] =	vst v2;
	v2 =	vld [tilespmem:s16+$0x30]  }
0x3bb: {  	v3 =	vld [tilespmem:s6+$0xC230];
	_ =	sdelay $0x4  }
0x3bc: {  	v2 =	vadd.f32 v3, v2;
	_ =	sdelay $0x1  }
0x3bd: {  	[tilespmem:s16+$0x30] =	vst v2;
	v2 =	vld [tilespmem:s16+$0x40]  }
0x3be: {  	v3 =	vld [tilespmem:s6+$0xC240];
	_ =	sdelay $0x4  }
0x3bf: {  	v2 =	vadd.f32 v3, v2;
	_ =	sdelay $0x1  }
0x3c0: {  	[tilespmem:s16+$0x40] =	vst v2;
	v2 =	vld [tilespmem:s16+$0x50]  }
0x3c1: {  	v3 =	vld [tilespmem:s6+$0xC250];
	_ =	sdelay $0x4  }
0x3c2: {  	v2 =	vadd.f32 v3, v2;
	_ =	sdelay $0x1  }
0x3c3: {  	[tilespmem:s16+$0x50] =	vst v2;
	v2 =	vld [tilespmem:s16+$0x60]  }
0x3c4: {  	v3 =	vld [tilespmem:s6+$0xC260];
	_ =	sdelay $0x4  }
0x3c5: {  	v2 =	vadd.f32 v3, v2;
	_ =	sdelay $0x1  }
0x3c6: {  	[tilespmem:s16+$0x60] =	vst v2;
	v2 =	vld [tilespmem:s16+$0x70]  }
0x3c7: {  	v3 =	vld [tilespmem:s6+$0xC270];
	_ =	sdelay $0x4  }
0x3c8: {  	v2 =	vadd.f32 v3, v2;
	_ =	sdelay $0x1  }
0x3c9: {  	[tilespmem:s16+$0x70] =	vst v2;
	v2 =	vld [tilespmem:s16+$0x80]  }
0x3ca: {  	v3 =	vld [tilespmem:s6+$0xC280];
	_ =	sdelay $0x4  }
0x3cb: {  	v2 =	vadd.f32 v3, v2;
	_ =	sdelay $0x1  }
0x3cc: {  	[tilespmem:s16+$0x80] =	vst v2;
	v2 =	vld [tilespmem:s16+$0x90]  }
0x3cd: {  	v3 =	vld [tilespmem:s6+$0xC290];
	_ =	sdelay $0x4  }
0x3ce: {  	v2 =	vadd.f32 v3, v2;
	_ =	sdelay $0x1  }
0x3cf: {  	[tilespmem:s16+$0x90] =	vst v2;
	v2 =	vld [tilespmem:s16+$0xA0]  }
0x3d0: {  	v3 =	vld [tilespmem:s6+$0xC2A0];
	_ =	sdelay $0x4  }
0x3d1: {  	v2 =	vadd.f32 v3, v2;
	_ =	sdelay $0x1  }
0x3d2: {  	[tilespmem:s16+$0xA0] =	vst v2;
	v2 =	vld [tilespmem:s16+$0xB0]  }
0x3d3: {  	v3 =	vld [tilespmem:s6+$0xC2B0];
	_ =	sdelay $0x4  }
0x3d4: {  	v2 =	vadd.f32 v3, v2;
	_ =	sdelay $0x1  }
0x3d5: {  	[tilespmem:s16+$0xB0] =	vst v2;
	v2 =	vld [tilespmem:s16+$0xC0]  }
0x3d6: {  	v3 =	vld [tilespmem:s6+$0xC2C0];
	_ =	sdelay $0x4  }
0x3d7: {  	v2 =	vadd.f32 v3, v2;
	_ =	sdelay $0x1  }
0x3d8: {  	[tilespmem:s16+$0xC0] =	vst v2;
	v2 =	vld [tilespmem:s16+$0xD0]  }
0x3d9: {  	v3 =	vld [tilespmem:s6+$0xC2D0];
	_ =	sdelay $0x4  }
0x3da: {  	v2 =	vadd.f32 v3, v2;
	_ =	sdelay $0x1  }
0x3db: {  	[tilespmem:s16+$0xD0] =	vst v2;
	v2 =	vld [tilespmem:s16+$0xE0]  }
0x3dc: {  	v3 =	vld [tilespmem:s6+$0xC2E0];
	_ =	sdelay $0x4  }
0x3dd: {  	v2 =	vadd.f32 v3, v2;
	_ =	sdelay $0x1  }
0x3de: {  	[tilespmem:s16+$0xE0] =	vst v2;
	v2 =	vld [tilespmem:s16+$0xF0]  }
0x3df: {  	v3 =	vld [tilespmem:s6+$0xC2F0];
	_ =	sdelay $0x4  }
0x3e0: {  	v2 =	vadd.f32 v3, v2;
	_ =	sdelay $0x1  }
0x3e1: {  	[tilespmem:s16+$0xF0] =	vst v2;
	v2 =	vld [tilespmem:s16+$0x100]  }
0x3e2: {  	v3 =	vld [tilespmem:s6+$0xC300];
	_ =	sdelay $0x4  }
0x3e3: {  	v2 =	vadd.f32 v3, v2;
	_ =	sdelay $0x1  }
0x3e4: {  	[tilespmem:s16+$0x100] =	vst v2;
	v2 =	vld [tilespmem:s16+$0x110]  }
0x3e5: {  	v3 =	vld [tilespmem:s6+$0xC310];
	_ =	sdelay $0x4  }
0x3e6: {  	v2 =	vadd.f32 v3, v2;
	_ =	sdelay $0x1  }
0x3e7: {  	[tilespmem:s16+$0x110] =	vst v2;
	v2 =	vld [tilespmem:s16+$0x120]  }
0x3e8: {  	v3 =	vld [tilespmem:s6+$0xC320];
	_ =	sdelay $0x4  }
0x3e9: {  	v2 =	vadd.f32 v3, v2;
	_ =	sdelay $0x1  }
0x3ea: {  	[tilespmem:s16+$0x120] =	vst v2;
	v2 =	vld [tilespmem:s16+$0x130]  }
0x3eb: {  	v3 =	vld [tilespmem:s6+$0xC330];
	_ =	sdelay $0x4  }
0x3ec: {  	v2 =	vadd.f32 v3, v2;
	_ =	sdelay $0x1  }
0x3ed: {  	[tilespmem:s16+$0x130] =	vst v2;
	v2 =	vld [tilespmem:s16+$0x140]  }
0x3ee: {  	v3 =	vld [tilespmem:s6+$0xC340];
	_ =	sdelay $0x4  }
0x3ef: {  	v2 =	vadd.f32 v3, v2;
	_ =	sdelay $0x1  }
0x3f0: {  	[tilespmem:s16+$0x140] =	vst v2;
	v2 =	vld [tilespmem:s16+$0x150]  }
0x3f1: {  	v3 =	vld [tilespmem:s6+$0xC350];
	_ =	sdelay $0x4  }
0x3f2: {  	v2 =	vadd.f32 v3, v2;
	_ =	sdelay $0x1  }
0x3f3: {  	[tilespmem:s16+$0x150] =	vst v2;
	v2 =	vld [tilespmem:s16+$0x160]  }
0x3f4: {  	v3 =	vld [tilespmem:s6+$0xC360];
	_ =	sdelay $0x4  }
0x3f5: {  	v2 =	vadd.f32 v3, v2;
	_ =	sdelay $0x1  }
0x3f6: {  	[tilespmem:s16+$0x160] =	vst v2;
	v2 =	vld [tilespmem:s16+$0x170]  }
0x3f7: {  	v3 =	vld [tilespmem:s6+$0xC370];
	_ =	sdelay $0x4  }
0x3f8: {  	v2 =	vadd.f32 v3, v2;
	_ =	sdelay $0x1  }
0x3f9: {  	[tilespmem:s16+$0x170] =	vst v2;
	v2 =	vld [tilespmem:s16+$0x180]  }
0x3fa: {  	v3 =	vld [tilespmem:s6+$0xC380];
	_ =	sdelay $0x4  }
0x3fb: {  	v2 =	vadd.f32 v3, v2;
	_ =	sdelay $0x1  }
0x3fc: {  	[tilespmem:s16+$0x180] =	vst v2;
	v2 =	vld [tilespmem:s16+$0x190]  }
0x3fd: {  	v3 =	vld [tilespmem:s6+$0xC390];
	_ =	sdelay $0x4  }
0x3fe: {  	v2 =	vadd.f32 v3, v2;
	_ =	sdelay $0x1  }
0x3ff: {  	[tilespmem:s16+$0x190] =	vst v2;
	v2 =	vld [tilespmem:s16+$0x1A0]  }
0x400: {  	v3 =	vld [tilespmem:s6+$0xC3A0];
	_ =	sdelay $0x4  }
0x401: {  	v2 =	vadd.f32 v3, v2;
	_ =	sdelay $0x1  }
0x402: {  	[tilespmem:s16+$0x1A0] =	vst v2;
	v2 =	vld [tilespmem:s16+$0x1B0]  }
0x403: {  	v3 =	vld [tilespmem:s6+$0xC3B0];
	_ =	sdelay $0x4  }
0x404: {  	v2 =	vadd.f32 v3, v2;
	_ =	sdelay $0x1  }
0x405: {  	[tilespmem:s16+$0x1B0] =	vst v2;
	v2 =	vld [tilespmem:s16+$0x1C0]  }
0x406: {  	v3 =	vld [tilespmem:s6+$0xC3C0];
	_ =	sdelay $0x4  }
0x407: {  	v2 =	vadd.f32 v3, v2;
	_ =	sdelay $0x1  }
0x408: {  	[tilespmem:s16+$0x1C0] =	vst v2;
	v2 =	vld [tilespmem:s16+$0x1D0]  }
0x409: {  	v3 =	vld [tilespmem:s6+$0xC3D0];
	_ =	sdelay $0x4  }
0x40a: {  	v2 =	vadd.f32 v3, v2;
	_ =	sdelay $0x1  }
0x40b: {  	[tilespmem:s16+$0x1D0] =	vst v2;
	v2 =	vld [tilespmem:s16+$0x1E0]  }
0x40c: {  	v3 =	vld [tilespmem:s6+$0xC3E0];
	_ =	sdelay $0x4  }
0x40d: {  	v2 =	vadd.f32 v3, v2;
	_ =	sdelay $0x1  }
0x40e: {  	[tilespmem:s16+$0x1E0] =	vst v2;
	v2 =	vld [tilespmem:s16+$0x1F0]  }
0x40f: {  	v3 =	vld [tilespmem:s6+$0xC3F0];
	_ =	sdelay $0x4  }
0x410: {  	v2 =	vadd.f32 v3, v2;
	_ =	sdelay $0x1  }
0x411: {  	[tilespmem:s16+$0x1F0] =	vst v2;
	v2 =	vld [tilespmem:s16+$0x200]  }
0x412: {  	v3 =	vld [tilespmem:s6+$0xC400];
	_ =	sdelay $0x4  }
0x413: {  	v2 =	vadd.f32 v3, v2;
	_ =	sdelay $0x1  }
0x414: {  	[tilespmem:s16+$0x200] =	vst v2;
	v2 =	vld [tilespmem:s16+$0x210]  }
0x415: {  	v3 =	vld [tilespmem:s6+$0xC410];
	_ =	sdelay $0x4  }
0x416: {  	v2 =	vadd.f32 v3, v2;
	_ =	sdelay $0x1  }
0x417: {  	[tilespmem:s16+$0x210] =	vst v2;
	v2 =	vld [tilespmem:s16+$0x220]  }
0x418: {  	v3 =	vld [tilespmem:s6+$0xC420];
	_ =	sdelay $0x4  }
0x419: {  	v2 =	vadd.f32 v3, v2;
	_ =	sdelay $0x1  }
0x41a: {  	[tilespmem:s16+$0x220] =	vst v2;
	v2 =	vld [tilespmem:s16+$0x230]  }
0x41b: {  	v3 =	vld [tilespmem:s6+$0xC430];
	_ =	sdelay $0x4  }
0x41c: {  	v2 =	vadd.f32 v3, v2;
	_ =	sdelay $0x1  }
0x41d: {  	[tilespmem:s16+$0x230] =	vst v2;
	v2 =	vld [tilespmem:s16+$0x240]  }
0x41e: {  	v3 =	vld [tilespmem:s6+$0xC440];
	_ =	sdelay $0x4  }
0x41f: {  	v2 =	vadd.f32 v3, v2;
	_ =	sdelay $0x1  }
0x420: {  	[tilespmem:s16+$0x240] =	vst v2;
	v2 =	vld [tilespmem:s16+$0x250]  }
0x421: {  	v3 =	vld [tilespmem:s6+$0xC450];
	_ =	sdelay $0x4  }
0x422: {  	v2 =	vadd.f32 v3, v2;
	_ =	sdelay $0x1  }
0x423: {  	[tilespmem:s16+$0x250] =	vst v2;
	v2 =	vld [tilespmem:s16+$0x260]  }
0x424: {  	v3 =	vld [tilespmem:s6+$0xC460];
	_ =	sdelay $0x4  }
0x425: {  	v2 =	vadd.f32 v3, v2;
	_ =	sdelay $0x1  }
0x426: {  	[tilespmem:s16+$0x260] =	vst v2;
	v2 =	vld [tilespmem:s16+$0x270]  }
0x427: {  	v3 =	vld [tilespmem:s6+$0xC470];
	_ =	sdelay $0x4  }
0x428: {  	v2 =	vadd.f32 v3, v2;
	_ =	sdelay $0x1  }
0x429: {  	[tilespmem:s16+$0x270] =	vst v2;
	v2 =	vld [tilespmem:s16+$0x280]  }
0x42a: {  	v3 =	vld [tilespmem:s6+$0xC480];
	_ =	sdelay $0x4  }
0x42b: {  	v2 =	vadd.f32 v3, v2;
	_ =	sdelay $0x1  }
0x42c: {  	[tilespmem:s16+$0x280] =	vst v2;
	v2 =	vld [tilespmem:s16+$0x290]  }
0x42d: {  	v3 =	vld [tilespmem:s6+$0xC490];
	_ =	sdelay $0x4  }
0x42e: {  	v2 =	vadd.f32 v3, v2;
	_ =	sdelay $0x1  }
0x42f: {  	[tilespmem:s16+$0x290] =	vst v2;
	v2 =	vld [tilespmem:s16+$0x2A0]  }
0x430: {  	v3 =	vld [tilespmem:s6+$0xC4A0];
	_ =	sdelay $0x4  }
0x431: {  	v2 =	vadd.f32 v3, v2;
	_ =	sdelay $0x1  }
0x432: {  	[tilespmem:s16+$0x2A0] =	vst v2;
	v2 =	vld [tilespmem:s16+$0x2B0]  }
0x433: {  	v3 =	vld [tilespmem:s6+$0xC4B0];
	_ =	sdelay $0x4  }
0x434: {  	v2 =	vadd.f32 v3, v2;
	_ =	sdelay $0x1  }
0x435: {  	[tilespmem:s16+$0x2B0] =	vst v2;
	v2 =	vld [tilespmem:s16+$0x2C0]  }
0x436: {  	v3 =	vld [tilespmem:s6+$0xC4C0];
	_ =	sdelay $0x4  }
0x437: {  	v2 =	vadd.f32 v3, v2;
	_ =	sdelay $0x1  }
0x438: {  	[tilespmem:s16+$0x2C0] =	vst v2;
	v2 =	vld [tilespmem:s16+$0x2D0]  }
0x439: {  	v3 =	vld [tilespmem:s6+$0xC4D0];
	_ =	sdelay $0x4  }
0x43a: {  	v2 =	vadd.f32 v3, v2;
	_ =	sdelay $0x1  }
0x43b: {  	[tilespmem:s16+$0x2D0] =	vst v2;
	v2 =	vld [tilespmem:s16+$0x2E0]  }
0x43c: {  	v3 =	vld [tilespmem:s6+$0xC4E0];
	_ =	sdelay $0x4  }
0x43d: {  	s19 =	simm.s32 $0x6500;
	s0 =	smov.u32 s5;
	v2 =	vadd.f32 v3, v2  }
.LBB2_8:
0x43e: {  	_ = 	snop  }
0x43f: {  	s13 =	sadd.s32 $0x2, s13;
	[tilespmem:s16+$0x2E0] =	vst v2;
	v2 =	vld [tilespmem:s16+$0x2F0]  }
0x440: {  	s7 =	sand.u32 $0x18, s13;
	p0 =	slt.u32 s13, $0x1E;
	v3 =	vld [tilespmem:s6+$0xC4F0]  }
0x441: {  	s6 =	sand.u32 $0x6, s13;
	s7 =	sadd.s32 s7, s14  }
0x442: {  	s6 =	sld [smem:s7+s6];
	_ =	sdelay $0x2  }
0x443: {  	s6 =	smul.u32 $0xC00, s6;
	v2 =	vadd.f32 v3, v2  }
0x444: {  	s16 =	sadd.s32 $0x600, s16  }
0x445: {  	s6 =	sshra.s32 s6, $0x2;
	v3 =	vld [tilespmem:s16+$0xFFFFFD00];
	[tilespmem:s19+$0x2F0] =	vst v2;
	s19 =	smov.u32 s16  }
0x446: {  	v2 =	vld [tilespmem:s6+$0xC200];
	_ =	sdelay $0x4  }
0x447: {  	v2 =	vadd.f32 v2, v3;
	_ =	sdelay $0x1  }
0x448: {  	[tilespmem:s16+$0xFFFFFD00] =	vst v2;
	v2 =	vld [tilespmem:s16+$0xFFFFFD10]  }
0x449: {  	v3 =	vld [tilespmem:s6+$0xC210];
	_ =	sdelay $0x4  }
0x44a: {  	v2 =	vadd.f32 v3, v2;
	_ =	sdelay $0x1  }
0x44b: {  	[tilespmem:s16+$0xFFFFFD10] =	vst v2;
	v2 =	vld [tilespmem:s16+$0xFFFFFD20]  }
0x44c: {  	v3 =	vld [tilespmem:s6+$0xC220];
	_ =	sdelay $0x4  }
0x44d: {  	v2 =	vadd.f32 v3, v2;
	_ =	sdelay $0x1  }
0x44e: {  	[tilespmem:s16+$0xFFFFFD20] =	vst v2;
	v2 =	vld [tilespmem:s16+$0xFFFFFD30]  }
0x44f: {  	v3 =	vld [tilespmem:s6+$0xC230];
	_ =	sdelay $0x4  }
0x450: {  	v2 =	vadd.f32 v3, v2;
	_ =	sdelay $0x1  }
0x451: {  	[tilespmem:s16+$0xFFFFFD30] =	vst v2;
	v2 =	vld [tilespmem:s16+$0xFFFFFD40]  }
0x452: {  	v3 =	vld [tilespmem:s6+$0xC240];
	_ =	sdelay $0x4  }
0x453: {  	v2 =	vadd.f32 v3, v2;
	_ =	sdelay $0x1  }
0x454: {  	[tilespmem:s16+$0xFFFFFD40] =	vst v2;
	v2 =	vld [tilespmem:s16+$0xFFFFFD50]  }
0x455: {  	v3 =	vld [tilespmem:s6+$0xC250];
	_ =	sdelay $0x4  }
0x456: {  	v2 =	vadd.f32 v3, v2;
	_ =	sdelay $0x1  }
0x457: {  	[tilespmem:s16+$0xFFFFFD50] =	vst v2;
	v2 =	vld [tilespmem:s16+$0xFFFFFD60]  }
0x458: {  	v3 =	vld [tilespmem:s6+$0xC260];
	_ =	sdelay $0x4  }
0x459: {  	v2 =	vadd.f32 v3, v2;
	_ =	sdelay $0x1  }
0x45a: {  	[tilespmem:s16+$0xFFFFFD60] =	vst v2;
	v2 =	vld [tilespmem:s16+$0xFFFFFD70]  }
0x45b: {  	v3 =	vld [tilespmem:s6+$0xC270];
	_ =	sdelay $0x4  }
0x45c: {  	v2 =	vadd.f32 v3, v2;
	_ =	sdelay $0x1  }
0x45d: {  	[tilespmem:s16+$0xFFFFFD70] =	vst v2;
	v2 =	vld [tilespmem:s16+$0xFFFFFD80]  }
0x45e: {  	v3 =	vld [tilespmem:s6+$0xC280];
	_ =	sdelay $0x4  }
0x45f: {  	v2 =	vadd.f32 v3, v2;
	_ =	sdelay $0x1  }
0x460: {  	[tilespmem:s16+$0xFFFFFD80] =	vst v2;
	v2 =	vld [tilespmem:s16+$0xFFFFFD90]  }
0x461: {  	v3 =	vld [tilespmem:s6+$0xC290];
	_ =	sdelay $0x4  }
0x462: {  	v2 =	vadd.f32 v3, v2;
	_ =	sdelay $0x1  }
0x463: {  	[tilespmem:s16+$0xFFFFFD90] =	vst v2;
	v2 =	vld [tilespmem:s16+$0xFFFFFDA0]  }
0x464: {  	v3 =	vld [tilespmem:s6+$0xC2A0];
	_ =	sdelay $0x4  }
0x465: {  	v2 =	vadd.f32 v3, v2;
	_ =	sdelay $0x1  }
0x466: {  	[tilespmem:s16+$0xFFFFFDA0] =	vst v2;
	v2 =	vld [tilespmem:s16+$0xFFFFFDB0]  }
0x467: {  	v3 =	vld [tilespmem:s6+$0xC2B0];
	_ =	sdelay $0x4  }
0x468: {  	v2 =	vadd.f32 v3, v2;
	_ =	sdelay $0x1  }
0x469: {  	[tilespmem:s16+$0xFFFFFDB0] =	vst v2;
	v2 =	vld [tilespmem:s16+$0xFFFFFDC0]  }
0x46a: {  	v3 =	vld [tilespmem:s6+$0xC2C0];
	_ =	sdelay $0x4  }
0x46b: {  	v2 =	vadd.f32 v3, v2;
	_ =	sdelay $0x1  }
0x46c: {  	[tilespmem:s16+$0xFFFFFDC0] =	vst v2;
	v2 =	vld [tilespmem:s16+$0xFFFFFDD0]  }
0x46d: {  	v3 =	vld [tilespmem:s6+$0xC2D0];
	_ =	sdelay $0x4  }
0x46e: {  	v2 =	vadd.f32 v3, v2;
	_ =	sdelay $0x1  }
0x46f: {  	[tilespmem:s16+$0xFFFFFDD0] =	vst v2;
	v2 =	vld [tilespmem:s16+$0xFFFFFDE0]  }
0x470: {  	v3 =	vld [tilespmem:s6+$0xC2E0];
	_ =	sdelay $0x4  }
0x471: {  	v2 =	vadd.f32 v3, v2;
	_ =	sdelay $0x1  }
0x472: {  	[tilespmem:s16+$0xFFFFFDE0] =	vst v2;
	v2 =	vld [tilespmem:s16+$0xFFFFFDF0]  }
0x473: {  	v3 =	vld [tilespmem:s6+$0xC2F0];
	_ =	sdelay $0x4  }
0x474: {  	v2 =	vadd.f32 v3, v2;
	_ =	sdelay $0x1  }
0x475: {  	[tilespmem:s16+$0xFFFFFDF0] =	vst v2;
	v2 =	vld [tilespmem:s16+$0xFFFFFE00]  }
0x476: {  	v3 =	vld [tilespmem:s6+$0xC300];
	_ =	sdelay $0x4  }
0x477: {  	v2 =	vadd.f32 v3, v2;
	_ =	sdelay $0x1  }
0x478: {  	[tilespmem:s16+$0xFFFFFE00] =	vst v2;
	v2 =	vld [tilespmem:s16+$0xFFFFFE10]  }
0x479: {  	v3 =	vld [tilespmem:s6+$0xC310];
	_ =	sdelay $0x4  }
0x47a: {  	v2 =	vadd.f32 v3, v2;
	_ =	sdelay $0x1  }
0x47b: {  	[tilespmem:s16+$0xFFFFFE10] =	vst v2;
	v2 =	vld [tilespmem:s16+$0xFFFFFE20]  }
0x47c: {  	v3 =	vld [tilespmem:s6+$0xC320];
	_ =	sdelay $0x4  }
0x47d: {  	v2 =	vadd.f32 v3, v2;
	_ =	sdelay $0x1  }
0x47e: {  	[tilespmem:s16+$0xFFFFFE20] =	vst v2;
	v2 =	vld [tilespmem:s16+$0xFFFFFE30]  }
0x47f: {  	v3 =	vld [tilespmem:s6+$0xC330];
	_ =	sdelay $0x4  }
0x480: {  	v2 =	vadd.f32 v3, v2;
	_ =	sdelay $0x1  }
0x481: {  	[tilespmem:s16+$0xFFFFFE30] =	vst v2;
	v2 =	vld [tilespmem:s16+$0xFFFFFE40]  }
0x482: {  	v3 =	vld [tilespmem:s6+$0xC340];
	_ =	sdelay $0x4  }
0x483: {  	v2 =	vadd.f32 v3, v2;
	_ =	sdelay $0x1  }
0x484: {  	[tilespmem:s16+$0xFFFFFE40] =	vst v2;
	v2 =	vld [tilespmem:s16+$0xFFFFFE50]  }
0x485: {  	v3 =	vld [tilespmem:s6+$0xC350];
	_ =	sdelay $0x4  }
0x486: {  	v2 =	vadd.f32 v3, v2;
	_ =	sdelay $0x1  }
0x487: {  	[tilespmem:s16+$0xFFFFFE50] =	vst v2;
	v2 =	vld [tilespmem:s16+$0xFFFFFE60]  }
0x488: {  	v3 =	vld [tilespmem:s6+$0xC360];
	_ =	sdelay $0x4  }
0x489: {  	v2 =	vadd.f32 v3, v2;
	_ =	sdelay $0x1  }
0x48a: {  	[tilespmem:s16+$0xFFFFFE60] =	vst v2;
	v2 =	vld [tilespmem:s16+$0xFFFFFE70]  }
0x48b: {  	v3 =	vld [tilespmem:s6+$0xC370];
	_ =	sdelay $0x4  }
0x48c: {  	v2 =	vadd.f32 v3, v2;
	_ =	sdelay $0x1  }
0x48d: {  	[tilespmem:s16+$0xFFFFFE70] =	vst v2;
	v2 =	vld [tilespmem:s16+$0xFFFFFE80]  }
0x48e: {  	v3 =	vld [tilespmem:s6+$0xC380];
	_ =	sdelay $0x4  }
0x48f: {  	v2 =	vadd.f32 v3, v2;
	_ =	sdelay $0x1  }
0x490: {  	[tilespmem:s16+$0xFFFFFE80] =	vst v2;
	v2 =	vld [tilespmem:s16+$0xFFFFFE90]  }
0x491: {  	v3 =	vld [tilespmem:s6+$0xC390];
	_ =	sdelay $0x4  }
0x492: {  	v2 =	vadd.f32 v3, v2;
	_ =	sdelay $0x1  }
0x493: {  	[tilespmem:s16+$0xFFFFFE90] =	vst v2;
	v2 =	vld [tilespmem:s16+$0xFFFFFEA0]  }
0x494: {  	v3 =	vld [tilespmem:s6+$0xC3A0];
	_ =	sdelay $0x4  }
0x495: {  	v2 =	vadd.f32 v3, v2;
	_ =	sdelay $0x1  }
0x496: {  	[tilespmem:s16+$0xFFFFFEA0] =	vst v2;
	v2 =	vld [tilespmem:s16+$0xFFFFFEB0]  }
0x497: {  	v3 =	vld [tilespmem:s6+$0xC3B0];
	_ =	sdelay $0x4  }
0x498: {  	v2 =	vadd.f32 v3, v2;
	_ =	sdelay $0x1  }
0x499: {  	[tilespmem:s16+$0xFFFFFEB0] =	vst v2;
	v2 =	vld [tilespmem:s16+$0xFFFFFEC0]  }
0x49a: {  	v3 =	vld [tilespmem:s6+$0xC3C0];
	_ =	sdelay $0x4  }
0x49b: {  	v2 =	vadd.f32 v3, v2;
	_ =	sdelay $0x1  }
0x49c: {  	[tilespmem:s16+$0xFFFFFEC0] =	vst v2;
	v2 =	vld [tilespmem:s16+$0xFFFFFED0]  }
0x49d: {  	v3 =	vld [tilespmem:s6+$0xC3D0];
	_ =	sdelay $0x4  }
0x49e: {  	v2 =	vadd.f32 v3, v2;
	_ =	sdelay $0x1  }
0x49f: {  	[tilespmem:s16+$0xFFFFFED0] =	vst v2;
	v2 =	vld [tilespmem:s16+$0xFFFFFEE0]  }
0x4a0: {  	v3 =	vld [tilespmem:s6+$0xC3E0];
	_ =	sdelay $0x4  }
0x4a1: {  	v2 =	vadd.f32 v3, v2;
	_ =	sdelay $0x1  }
0x4a2: {  	[tilespmem:s16+$0xFFFFFEE0] =	vst v2;
	v2 =	vld [tilespmem:s16+$0xFFFFFEF0]  }
0x4a3: {  	v3 =	vld [tilespmem:s6+$0xC3F0];
	_ =	sdelay $0x4  }
0x4a4: {  	v2 =	vadd.f32 v3, v2;
	_ =	sdelay $0x1  }
0x4a5: {  	[tilespmem:s16+$0xFFFFFEF0] =	vst v2;
	v2 =	vld [tilespmem:s16+$0xFFFFFF00]  }
0x4a6: {  	v3 =	vld [tilespmem:s6+$0xC400];
	_ =	sdelay $0x4  }
0x4a7: {  	v2 =	vadd.f32 v3, v2;
	_ =	sdelay $0x1  }
0x4a8: {  	[tilespmem:s16+$0xFFFFFF00] =	vst v2;
	v2 =	vld [tilespmem:s16+$0xFFFFFF10]  }
0x4a9: {  	v3 =	vld [tilespmem:s6+$0xC410];
	_ =	sdelay $0x4  }
0x4aa: {  	v2 =	vadd.f32 v3, v2;
	_ =	sdelay $0x1  }
0x4ab: {  	[tilespmem:s16+$0xFFFFFF10] =	vst v2;
	v2 =	vld [tilespmem:s16+$0xFFFFFF20]  }
0x4ac: {  	v3 =	vld [tilespmem:s6+$0xC420];
	_ =	sdelay $0x4  }
0x4ad: {  	v2 =	vadd.f32 v3, v2;
	_ =	sdelay $0x1  }
0x4ae: {  	[tilespmem:s16+$0xFFFFFF20] =	vst v2;
	v2 =	vld [tilespmem:s16+$0xFFFFFF30]  }
0x4af: {  	v3 =	vld [tilespmem:s6+$0xC430];
	_ =	sdelay $0x4  }
0x4b0: {  	v2 =	vadd.f32 v3, v2;
	_ =	sdelay $0x1  }
0x4b1: {  	[tilespmem:s16+$0xFFFFFF30] =	vst v2;
	v2 =	vld [tilespmem:s16+$0xFFFFFF40]  }
0x4b2: {  	v3 =	vld [tilespmem:s6+$0xC440];
	_ =	sdelay $0x4  }
0x4b3: {  	v2 =	vadd.f32 v3, v2;
	_ =	sdelay $0x1  }
0x4b4: {  	[tilespmem:s16+$0xFFFFFF40] =	vst v2;
	v2 =	vld [tilespmem:s16+$0xFFFFFF50]  }
0x4b5: {  	v3 =	vld [tilespmem:s6+$0xC450];
	_ =	sdelay $0x4  }
0x4b6: {  	v2 =	vadd.f32 v3, v2;
	_ =	sdelay $0x1  }
0x4b7: {  	[tilespmem:s16+$0xFFFFFF50] =	vst v2;
	v2 =	vld [tilespmem:s16+$0xFFFFFF60]  }
0x4b8: {  	v3 =	vld [tilespmem:s6+$0xC460];
	_ =	sdelay $0x4  }
0x4b9: {  	v2 =	vadd.f32 v3, v2;
	_ =	sdelay $0x1  }
0x4ba: {  	[tilespmem:s16+$0xFFFFFF60] =	vst v2;
	v2 =	vld [tilespmem:s16+$0xFFFFFF70]  }
0x4bb: {  	v3 =	vld [tilespmem:s6+$0xC470];
	_ =	sdelay $0x4  }
0x4bc: {  	v2 =	vadd.f32 v3, v2;
	_ =	sdelay $0x1  }
0x4bd: {  	[tilespmem:s16+$0xFFFFFF70] =	vst v2;
	v2 =	vld [tilespmem:s16+$0xFFFFFF80]  }
0x4be: {  	v3 =	vld [tilespmem:s6+$0xC480];
	_ =	sdelay $0x4  }
0x4bf: {  	v2 =	vadd.f32 v3, v2;
	_ =	sdelay $0x1  }
0x4c0: {  	[tilespmem:s16+$0xFFFFFF80] =	vst v2;
	v2 =	vld [tilespmem:s16+$0xFFFFFF90]  }
0x4c1: {  	v3 =	vld [tilespmem:s6+$0xC490];
	_ =	sdelay $0x4  }
0x4c2: {  	v2 =	vadd.f32 v3, v2;
	_ =	sdelay $0x1  }
0x4c3: {  	[tilespmem:s16+$0xFFFFFF90] =	vst v2;
	v2 =	vld [tilespmem:s16+$0xFFFFFFA0]  }
0x4c4: {  	v3 =	vld [tilespmem:s6+$0xC4A0];
	_ =	sdelay $0x4  }
0x4c5: {  	v2 =	vadd.f32 v3, v2;
	_ =	sdelay $0x1  }
0x4c6: {  	[tilespmem:s16+$0xFFFFFFA0] =	vst v2;
	v2 =	vld [tilespmem:s16+$0xFFFFFFB0]  }
0x4c7: {  	v3 =	vld [tilespmem:s6+$0xC4B0];
	_ =	sdelay $0x4  }
0x4c8: {  	v2 =	vadd.f32 v3, v2;
	_ =	sdelay $0x1  }
0x4c9: {  	[tilespmem:s16+$0xFFFFFFB0] =	vst v2;
	v2 =	vld [tilespmem:s16+$0xFFFFFFC0]  }
0x4ca: {  	v3 =	vld [tilespmem:s6+$0xC4C0];
	_ =	sdelay $0x4  }
0x4cb: {  	v2 =	vadd.f32 v3, v2;
	_ =	sdelay $0x1  }
0x4cc: {  	[tilespmem:s16+$0xFFFFFFC0] =	vst v2;
	v2 =	vld [tilespmem:s16+$0xFFFFFFD0]  }
0x4cd: {  	v3 =	vld [tilespmem:s6+$0xC4D0];
	_ =	sdelay $0x4  }
0x4ce: {  	v2 =	vadd.f32 v3, v2;
	_ =	sdelay $0x1  }
0x4cf: {  	[tilespmem:s16+$0xFFFFFFD0] =	vst v2;
	v2 =	vld [tilespmem:s16+$0xFFFFFFE0]  }
0x4d0: {  	v3 =	vld [tilespmem:s6+$0xC4E0];
	_ =	sdelay $0x4  }
0x4d1: {  	v2 =	vadd.f32 v3, v2;
	_ =	sdelay $0x1  }
0x4d2: {  	[tilespmem:s16+$0xFFFFFFE0] =	vst v2;
	v2 =	vld [tilespmem:s16+$0xFFFFFFF0]  }
0x4d3: {  	v3 =	vld [tilespmem:s6+$0xC4F0]  }
0x4d4: {  	s0 =	sadd.s32 $0x2, s0  }
0x4d5: {  	s6 =	sld [smem:s0+$0x0];
	_ =	sdelay $0x2  }
0x4d6: {  	v2 =	vadd.f32 v3, v2;
	s6 =	smul.u32 $0xC00, s6;
	_ =	sdelay $0x1  }
0x4d7: {  	[tilespmem:s16+$0xFFFFFFF0] =	vst v2;
	s6 =	sshra.s32 s6, $0x2;
	v2 =	vld [tilespmem:s16+$0x0]  }
0x4d8: {  	v3 =	vld [tilespmem:s6+$0xC200];
	_ =	sdelay $0x4  }
0x4d9: {  	v2 =	vadd.f32 v3, v2;
	_ =	sdelay $0x1  }
0x4da: {  	[tilespmem:s16+$0x0] =	vst v2;
	v2 =	vld [tilespmem:s16+$0x10]  }
0x4db: {  	v3 =	vld [tilespmem:s6+$0xC210];
	_ =	sdelay $0x4  }
0x4dc: {  	v2 =	vadd.f32 v3, v2;
	_ =	sdelay $0x1  }
0x4dd: {  	[tilespmem:s16+$0x10] =	vst v2;
	v2 =	vld [tilespmem:s16+$0x20]  }
0x4de: {  	v3 =	vld [tilespmem:s6+$0xC220];
	_ =	sdelay $0x4  }
0x4df: {  	v2 =	vadd.f32 v3, v2;
	_ =	sdelay $0x1  }
0x4e0: {  	[tilespmem:s16+$0x20] =	vst v2;
	v2 =	vld [tilespmem:s16+$0x30]  }
0x4e1: {  	v3 =	vld [tilespmem:s6+$0xC230];
	_ =	sdelay $0x4  }
0x4e2: {  	v2 =	vadd.f32 v3, v2;
	_ =	sdelay $0x1  }
0x4e3: {  	[tilespmem:s16+$0x30] =	vst v2;
	v2 =	vld [tilespmem:s16+$0x40]  }
0x4e4: {  	v3 =	vld [tilespmem:s6+$0xC240];
	_ =	sdelay $0x4  }
0x4e5: {  	v2 =	vadd.f32 v3, v2;
	_ =	sdelay $0x1  }
0x4e6: {  	[tilespmem:s16+$0x40] =	vst v2;
	v2 =	vld [tilespmem:s16+$0x50]  }
0x4e7: {  	v3 =	vld [tilespmem:s6+$0xC250];
	_ =	sdelay $0x4  }
0x4e8: {  	v2 =	vadd.f32 v3, v2;
	_ =	sdelay $0x1  }
0x4e9: {  	[tilespmem:s16+$0x50] =	vst v2;
	v2 =	vld [tilespmem:s16+$0x60]  }
0x4ea: {  	v3 =	vld [tilespmem:s6+$0xC260];
	_ =	sdelay $0x4  }
0x4eb: {  	v2 =	vadd.f32 v3, v2;
	_ =	sdelay $0x1  }
0x4ec: {  	[tilespmem:s16+$0x60] =	vst v2;
	v2 =	vld [tilespmem:s16+$0x70]  }
0x4ed: {  	v3 =	vld [tilespmem:s6+$0xC270];
	_ =	sdelay $0x4  }
0x4ee: {  	v2 =	vadd.f32 v3, v2;
	_ =	sdelay $0x1  }
0x4ef: {  	[tilespmem:s16+$0x70] =	vst v2;
	v2 =	vld [tilespmem:s16+$0x80]  }
0x4f0: {  	v3 =	vld [tilespmem:s6+$0xC280];
	_ =	sdelay $0x4  }
0x4f1: {  	v2 =	vadd.f32 v3, v2;
	_ =	sdelay $0x1  }
0x4f2: {  	[tilespmem:s16+$0x80] =	vst v2;
	v2 =	vld [tilespmem:s16+$0x90]  }
0x4f3: {  	v3 =	vld [tilespmem:s6+$0xC290];
	_ =	sdelay $0x4  }
0x4f4: {  	v2 =	vadd.f32 v3, v2;
	_ =	sdelay $0x1  }
0x4f5: {  	[tilespmem:s16+$0x90] =	vst v2;
	v2 =	vld [tilespmem:s16+$0xA0]  }
0x4f6: {  	v3 =	vld [tilespmem:s6+$0xC2A0];
	_ =	sdelay $0x4  }
0x4f7: {  	v2 =	vadd.f32 v3, v2;
	_ =	sdelay $0x1  }
0x4f8: {  	[tilespmem:s16+$0xA0] =	vst v2;
	v2 =	vld [tilespmem:s16+$0xB0]  }
0x4f9: {  	v3 =	vld [tilespmem:s6+$0xC2B0];
	_ =	sdelay $0x4  }
0x4fa: {  	v2 =	vadd.f32 v3, v2;
	_ =	sdelay $0x1  }
0x4fb: {  	[tilespmem:s16+$0xB0] =	vst v2;
	v2 =	vld [tilespmem:s16+$0xC0]  }
0x4fc: {  	v3 =	vld [tilespmem:s6+$0xC2C0];
	_ =	sdelay $0x4  }
0x4fd: {  	v2 =	vadd.f32 v3, v2;
	_ =	sdelay $0x1  }
0x4fe: {  	[tilespmem:s16+$0xC0] =	vst v2;
	v2 =	vld [tilespmem:s16+$0xD0]  }
0x4ff: {  	v3 =	vld [tilespmem:s6+$0xC2D0];
	_ =	sdelay $0x4  }
0x500: {  	v2 =	vadd.f32 v3, v2;
	_ =	sdelay $0x1  }
0x501: {  	[tilespmem:s16+$0xD0] =	vst v2;
	v2 =	vld [tilespmem:s16+$0xE0]  }
0x502: {  	v3 =	vld [tilespmem:s6+$0xC2E0];
	_ =	sdelay $0x4  }
0x503: {  	v2 =	vadd.f32 v3, v2;
	_ =	sdelay $0x1  }
0x504: {  	[tilespmem:s16+$0xE0] =	vst v2;
	v2 =	vld [tilespmem:s16+$0xF0]  }
0x505: {  	v3 =	vld [tilespmem:s6+$0xC2F0];
	_ =	sdelay $0x4  }
0x506: {  	v2 =	vadd.f32 v3, v2;
	_ =	sdelay $0x1  }
0x507: {  	[tilespmem:s16+$0xF0] =	vst v2;
	v2 =	vld [tilespmem:s16+$0x100]  }
0x508: {  	v3 =	vld [tilespmem:s6+$0xC300];
	_ =	sdelay $0x4  }
0x509: {  	v2 =	vadd.f32 v3, v2;
	_ =	sdelay $0x1  }
0x50a: {  	[tilespmem:s16+$0x100] =	vst v2;
	v2 =	vld [tilespmem:s16+$0x110]  }
0x50b: {  	v3 =	vld [tilespmem:s6+$0xC310];
	_ =	sdelay $0x4  }
0x50c: {  	v2 =	vadd.f32 v3, v2;
	_ =	sdelay $0x1  }
0x50d: {  	[tilespmem:s16+$0x110] =	vst v2;
	v2 =	vld [tilespmem:s16+$0x120]  }
0x50e: {  	v3 =	vld [tilespmem:s6+$0xC320];
	_ =	sdelay $0x4  }
0x50f: {  	v2 =	vadd.f32 v3, v2;
	_ =	sdelay $0x1  }
0x510: {  	[tilespmem:s16+$0x120] =	vst v2;
	v2 =	vld [tilespmem:s16+$0x130]  }
0x511: {  	v3 =	vld [tilespmem:s6+$0xC330];
	_ =	sdelay $0x4  }
0x512: {  	v2 =	vadd.f32 v3, v2;
	_ =	sdelay $0x1  }
0x513: {  	[tilespmem:s16+$0x130] =	vst v2;
	v2 =	vld [tilespmem:s16+$0x140]  }
0x514: {  	v3 =	vld [tilespmem:s6+$0xC340];
	_ =	sdelay $0x4  }
0x515: {  	v2 =	vadd.f32 v3, v2;
	_ =	sdelay $0x1  }
0x516: {  	[tilespmem:s16+$0x140] =	vst v2;
	v2 =	vld [tilespmem:s16+$0x150]  }
0x517: {  	v3 =	vld [tilespmem:s6+$0xC350];
	_ =	sdelay $0x4  }
0x518: {  	v2 =	vadd.f32 v3, v2;
	_ =	sdelay $0x1  }
0x519: {  	[tilespmem:s16+$0x150] =	vst v2;
	v2 =	vld [tilespmem:s16+$0x160]  }
0x51a: {  	v3 =	vld [tilespmem:s6+$0xC360];
	_ =	sdelay $0x4  }
0x51b: {  	v2 =	vadd.f32 v3, v2;
	_ =	sdelay $0x1  }
0x51c: {  	[tilespmem:s16+$0x160] =	vst v2;
	v2 =	vld [tilespmem:s16+$0x170]  }
0x51d: {  	v3 =	vld [tilespmem:s6+$0xC370];
	_ =	sdelay $0x4  }
0x51e: {  	v2 =	vadd.f32 v3, v2;
	_ =	sdelay $0x1  }
0x51f: {  	[tilespmem:s16+$0x170] =	vst v2;
	v2 =	vld [tilespmem:s16+$0x180]  }
0x520: {  	v3 =	vld [tilespmem:s6+$0xC380];
	_ =	sdelay $0x4  }
0x521: {  	v2 =	vadd.f32 v3, v2;
	_ =	sdelay $0x1  }
0x522: {  	[tilespmem:s16+$0x180] =	vst v2;
	v2 =	vld [tilespmem:s16+$0x190]  }
0x523: {  	v3 =	vld [tilespmem:s6+$0xC390];
	_ =	sdelay $0x4  }
0x524: {  	v2 =	vadd.f32 v3, v2;
	_ =	sdelay $0x1  }
0x525: {  	[tilespmem:s16+$0x190] =	vst v2;
	v2 =	vld [tilespmem:s16+$0x1A0]  }
0x526: {  	v3 =	vld [tilespmem:s6+$0xC3A0];
	_ =	sdelay $0x4  }
0x527: {  	v2 =	vadd.f32 v3, v2;
	_ =	sdelay $0x1  }
0x528: {  	[tilespmem:s16+$0x1A0] =	vst v2;
	v2 =	vld [tilespmem:s16+$0x1B0]  }
0x529: {  	v3 =	vld [tilespmem:s6+$0xC3B0];
	_ =	sdelay $0x4  }
0x52a: {  	v2 =	vadd.f32 v3, v2;
	_ =	sdelay $0x1  }
0x52b: {  	[tilespmem:s16+$0x1B0] =	vst v2;
	v2 =	vld [tilespmem:s16+$0x1C0]  }
0x52c: {  	v3 =	vld [tilespmem:s6+$0xC3C0];
	_ =	sdelay $0x4  }
0x52d: {  	v2 =	vadd.f32 v3, v2;
	_ =	sdelay $0x1  }
0x52e: {  	[tilespmem:s16+$0x1C0] =	vst v2;
	v2 =	vld [tilespmem:s16+$0x1D0]  }
0x52f: {  	v3 =	vld [tilespmem:s6+$0xC3D0];
	_ =	sdelay $0x4  }
0x530: {  	v2 =	vadd.f32 v3, v2;
	_ =	sdelay $0x1  }
0x531: {  	[tilespmem:s16+$0x1D0] =	vst v2;
	v2 =	vld [tilespmem:s16+$0x1E0]  }
0x532: {  	v3 =	vld [tilespmem:s6+$0xC3E0];
	_ =	sdelay $0x4  }
0x533: {  	v2 =	vadd.f32 v3, v2;
	_ =	sdelay $0x1  }
0x534: {  	[tilespmem:s16+$0x1E0] =	vst v2;
	v2 =	vld [tilespmem:s16+$0x1F0]  }
0x535: {  	v3 =	vld [tilespmem:s6+$0xC3F0];
	_ =	sdelay $0x4  }
0x536: {  	v2 =	vadd.f32 v3, v2;
	_ =	sdelay $0x1  }
0x537: {  	[tilespmem:s16+$0x1F0] =	vst v2;
	v2 =	vld [tilespmem:s16+$0x200]  }
0x538: {  	v3 =	vld [tilespmem:s6+$0xC400];
	_ =	sdelay $0x4  }
0x539: {  	v2 =	vadd.f32 v3, v2;
	_ =	sdelay $0x1  }
0x53a: {  	[tilespmem:s16+$0x200] =	vst v2;
	v2 =	vld [tilespmem:s16+$0x210]  }
0x53b: {  	v3 =	vld [tilespmem:s6+$0xC410];
	_ =	sdelay $0x4  }
0x53c: {  	v2 =	vadd.f32 v3, v2;
	_ =	sdelay $0x1  }
0x53d: {  	[tilespmem:s16+$0x210] =	vst v2;
	v2 =	vld [tilespmem:s16+$0x220]  }
0x53e: {  	v3 =	vld [tilespmem:s6+$0xC420];
	_ =	sdelay $0x4  }
0x53f: {  	v2 =	vadd.f32 v3, v2;
	_ =	sdelay $0x1  }
0x540: {  	[tilespmem:s16+$0x220] =	vst v2;
	v2 =	vld [tilespmem:s16+$0x230]  }
0x541: {  	v3 =	vld [tilespmem:s6+$0xC430];
	_ =	sdelay $0x4  }
0x542: {  	v2 =	vadd.f32 v3, v2;
	_ =	sdelay $0x1  }
0x543: {  	[tilespmem:s16+$0x230] =	vst v2;
	v2 =	vld [tilespmem:s16+$0x240]  }
0x544: {  	v3 =	vld [tilespmem:s6+$0xC440];
	_ =	sdelay $0x4  }
0x545: {  	v2 =	vadd.f32 v3, v2;
	_ =	sdelay $0x1  }
0x546: {  	[tilespmem:s16+$0x240] =	vst v2;
	v2 =	vld [tilespmem:s16+$0x250]  }
0x547: {  	v3 =	vld [tilespmem:s6+$0xC450];
	_ =	sdelay $0x4  }
0x548: {  	v2 =	vadd.f32 v3, v2;
	_ =	sdelay $0x1  }
0x549: {  	[tilespmem:s16+$0x250] =	vst v2;
	v2 =	vld [tilespmem:s16+$0x260]  }
0x54a: {  	v3 =	vld [tilespmem:s6+$0xC460];
	_ =	sdelay $0x4  }
0x54b: {  	v2 =	vadd.f32 v3, v2;
	_ =	sdelay $0x1  }
0x54c: {  	[tilespmem:s16+$0x260] =	vst v2;
	v2 =	vld [tilespmem:s16+$0x270]  }
0x54d: {  	v3 =	vld [tilespmem:s6+$0xC470];
	_ =	sdelay $0x4  }
0x54e: {  	v2 =	vadd.f32 v3, v2;
	_ =	sdelay $0x1  }
0x54f: {  	[tilespmem:s16+$0x270] =	vst v2;
	v2 =	vld [tilespmem:s16+$0x280]  }
0x550: {  	v3 =	vld [tilespmem:s6+$0xC480];
	_ =	sdelay $0x4  }
0x551: {  	v2 =	vadd.f32 v3, v2;
	_ =	sdelay $0x1  }
0x552: {  	[tilespmem:s16+$0x280] =	vst v2;
	v2 =	vld [tilespmem:s16+$0x290]  }
0x553: {  	v3 =	vld [tilespmem:s6+$0xC490];
	_ =	sdelay $0x4  }
0x554: {  	v2 =	vadd.f32 v3, v2;
	_ =	sdelay $0x1  }
0x555: {  	[tilespmem:s16+$0x290] =	vst v2;
	v2 =	vld [tilespmem:s16+$0x2A0]  }
0x556: {  	v3 =	vld [tilespmem:s6+$0xC4A0];
	_ =	sdelay $0x4  }
0x557: {  	v2 =	vadd.f32 v3, v2;
	_ =	sdelay $0x1  }
0x558: {  	[tilespmem:s16+$0x2A0] =	vst v2;
	v2 =	vld [tilespmem:s16+$0x2B0]  }
0x559: {  	v3 =	vld [tilespmem:s6+$0xC4B0];
	_ =	sdelay $0x4  }
0x55a: {  	v2 =	vadd.f32 v3, v2;
	_ =	sdelay $0x1  }
0x55b: {  	[tilespmem:s16+$0x2B0] =	vst v2;
	v2 =	vld [tilespmem:s16+$0x2C0]  }
0x55c: {  	v3 =	vld [tilespmem:s6+$0xC4C0];
	_ =	sdelay $0x4  }
0x55d: {  	v2 =	vadd.f32 v3, v2;
	_ =	sdelay $0x1  }
0x55e: {  	[tilespmem:s16+$0x2C0] =	vst v2;
	v2 =	vld [tilespmem:s16+$0x2D0]  }
0x55f: {  	v3 =	vld [tilespmem:s6+$0xC4D0];
	_ =	sdelay $0x4  }
0x560: {  	v2 =	vadd.f32 v3, v2;
	_ =	sdelay $0x1  }
0x561: {  	[tilespmem:s16+$0x2D0] =	vst v2;
	v2 =	vld [tilespmem:s16+$0x2E0]  }
0x562: {  	v3 =	vld [tilespmem:s6+$0xC4E0]  }
.Ltmp2:
0x563: {  	(pc) =	sbr.rel @p0 .LBB2_8-.Ltmp2, $2  }
0x564: {  	_ =	sdelay $0x2  }
0x565: {  	v2 =	vadd.f32 v3, v2  }
0x566: {  	_ = 	snop  }
0x567: {  	[tilespmem:s16+$0x2E0] =	vst v2;
	v2 =	vld [tilespmem:s16+$0x2F0]  }
0x568: {  	v3 =	vld [tilespmem:s6+$0xC4F0];
	_ =	sdelay $0x1  }
0x569: {  	s0 =	sadd.s32 s10, s3  }
0x56a: {  	s0 =	sshll.u32 s0, $0x9  }
0x56b: {  	s0 =	sadd.s32 s30, s0  }
0x56c: {  	s0 =	smul.u32 $0x60, s0;
	v2 =	vadd.f32 v3, v2;
	_ =	sdelay $0x1  }
0x56d: {  	s0 =	sadd.s32 s11, s0;
	[tilespmem:s19+$0x2F0] =	vst v2  }
0x56e: {  	[hbm4b:s0+s4] =	stream.linear.scatter [tilespmem:s22], [sflag:$0x4], $0x6000, $0x38;
	[tilespmem:$0x18800] =	vst v63  }
0x56f: {  	p0 =	seq.s32 s31, $0x3;
	s31 =	sadd.s32 $0x1, s31;
	_ =	swait.ge [sflag:s25], $0x6000  }
0x570: {  	s3 =	simm.s32 @!p0 $0x200;
	s0 =	sshrl.u32 @!p0 s2, $0x2;
	[sflag:s25] =	ssyncset.done $0x0  }
0x571: {  	s2 =	simm.s32 @!p0 $0x20;
	s0 =	sadd.s32 @!p0 $0x40, s0;
	[sflag:s25] =	ssyncadd.s32 $0xFFFFA000  }
0x572: {  	[tilespmem:s3], [sflag:$0x1] =	stream.indirect.gather @!p0 [hbm4b:s1+s2], $0x300, s0, s2, $0xb8;
	[tilespmem:$0x18800] =	vst v63  }
0x573: {  	p0 =	sne.s32 s31, $0x4  }
.Ltmp3:
0x574: {  	_ = 	snop;
	(pc) =	sbr.rel @p0 .LBB2_5-.Ltmp3, $4  }
0x575: {  	_ = 	snop  }
0x576: {  	_ =	swait.ge [sflag:s26], $0x6000  }
0x577: {  	[sflag:s26] =	ssyncset.done $0x0  }
0x578: {  	s21 =	sadd.s32 $0x40, s21;
	s5 =	sadd.s32 $0x40, s5;
	[sflag:s26] =	ssyncadd.s32 $0xFFFFA000  }
0x579: {  	s29 =	sadd.s32 $0x1, s29  }
0x57a: {  	p0 =	sne.s32 s29, $0x10  }
.Ltmp4:
0x57b: {  	_ = 	snop;
	(pc) =	sbr.rel @p0 .LBB2_2-.Ltmp4, $1  }
0x57c: {  	_ =	sdelay $0x3  }
0x57d: {  	s2 =	rddreg [dreg:$0x8]  }
0x57e: {  	s0 =	rddreg [dreg:$0x7];
	s2 =	sadd.s32 $0x1, s2  }
0x57f: {  	p0 =	sne.s32 s2, s0  }
.Ltmp5:
0x580: {  	_ = 	snop;
	(pc) =	sbr.rel @p0 .LBB2_1-.Ltmp5, $1  }
0x581: {  	_ =	sdelay $0x3  }
0x582: {  	_ =	sfence.sel $0x180000  }
0x583: {  	[bflag:$0x0] =	sbarrier.arrive $0xFFFF  }
0x584: {  	_ =	strace $0x90000047  }
0x585: {  	s0 =	stileid.u32;
	[bflag:$0x2] =	sbarrier.arrive $0xFFFF  }
0x586: {  	p0 =	sne.s32 s0, $0x0;
	s0 =	rddreg [dreg:$0x4]  }
0x587: {  	s0 =	sadd.s32 @!p0 $0x100000, s0  }
0x588: {  	[sflag:s0] =	ssyncadd.tile.s32 @!p0 $0x1;
	_ =	shalt  }
.Lfunc_end2:
_tile_overlayer_lowered:
.L_overlay_start_2:
0x589: {  	(tag) =	ssettag $0x2  }
0x58a: {  	s0 =	rddreg [dreg:$0x0];
	s2 =	stileid.u32  }
0x58b: {  	s1 =	rddreg [dreg:$0x1];
	p0 =	sne.s32 s2, $0x0  }
0x58c: {  	s3 =	rddreg [dreg:$0x2];
	[bflag:$0x3] =	sbarrier.arrive $0xFFFF;
	s2 =	simm.s32 @!p0 $0x1C05  }
0x58d: {  	[timem:s3], [sflag:s2] =	dma.local @!p0 [hbm:s0], s1  }
0x58e: {  	s0 =	simm.s32 @!p0 $0x5  }
0x58f: {  	_ =	swait.ge @!p0 [sflag:s0], s1  }
0x590: {  	s1 =	ssub.s32 @!p0 $0x0, s1;
	[sflag:s0] =	ssyncset.done @!p0 $0x0  }
0x591: {  	[sflag:s0] =	ssyncadd.s32 @!p0 s1  }
0x592: {  	[bflag:$0x3] =	sbarrier.arrive $0xFFFF  }
0x593: {  	_ =	shalt  }

</sc_bundles>
